<compile_context>
chip_gen: v7x
topology: tpu7x:2x2x1
jax: 0.10.2.dev20260603
libtpu: 0.0.44.dev20260713+nightly
codegen_flags: <defaults>
</compile_context>

<pallas_src>
import jax
import jax.numpy as jnp
from jax import lax
from jax.experimental import pallas as pl
from jax.experimental.pallas import tpu as pltpu
from jax.experimental.pallas import tpu_sc as plsc

N = 10000
E = 320000
D = 128
N_PAD = 10240
ACC_ROWS = 10000
D_AUG = 144
NW = 32
KA = 64
KB = 128
SEGA1, SEGB1 = 108, 25
SEGA2, SEGB2 = 108, 25
STRIPE = ACC_ROWS // 16
BLK = 512


def _make_agg(d, nbuf, sega, segb):
    mesh = plsc.VectorSubcoreMesh(core_axis_name="c", subcore_axis_name="s")

    def body(x_hbm, idxa_hbm, idxb_hbm, z_hbm, out_hbm,
             srcva, dstva, srcvb, dstvb, buf, sems, acc):
        c = lax.axis_index("c")
        s = lax.axis_index("s")
        pltpu.sync_copy(z_hbm, acc.at[pl.ds(s * STRIPE, STRIPE)])
        plsc.subcore_barrier()

        bufs = [buf.at[pl.ds(b * KA, KA)] for b in range(nbuf)]

        @pl.when(c == 0)
        def _sc0():
            for seg in range(2):
                pltpu.sync_copy(idxa_hbm.at[s, seg, 0], srcva)
                pltpu.sync_copy(idxa_hbm.at[s, seg, 1], dstva)
                for b in range(nbuf):
                    pltpu.async_copy(x_hbm.at[srcva.at[b]], bufs[b], sems[b])

                def group(g, carry):
                    for b in range(nbuf):
                        j = g * nbuf + b
                        pltpu.make_async_copy(x_hbm.at[srcva.at[j]], bufs[b],
                                              sems[b]).wait()
                        pltpu.sync_copy(bufs[b], acc.at[dstva.at[j]], add=True)
                        pltpu.async_copy(x_hbm.at[srcva.at[j + nbuf]],
                                         bufs[b], sems[b])
                    return carry

                lax.fori_loop(0, sega // nbuf - 1, group, 0)
                for b in range(nbuf):
                    j = sega - nbuf + b
                    pltpu.make_async_copy(x_hbm.at[srcva.at[j]], bufs[b],
                                          sems[b]).wait()
                    pltpu.sync_copy(bufs[b], acc.at[dstva.at[j]], add=True)

        @pl.when(c == 1)
        def _sc1():
            sbuf = buf.at[pl.ds(0, KB)]
            for seg in range(2):
                pltpu.sync_copy(idxb_hbm.at[s, seg, 0], srcvb)
                pltpu.sync_copy(idxb_hbm.at[s, seg, 1], dstvb)

                def step(j, carry):
                    pltpu.sync_copy(x_hbm.at[srcvb.at[j]], sbuf)
                    pltpu.sync_copy(sbuf, acc.at[dstvb.at[j]], add=True)
                    return carry

                lax.fori_loop(0, segb, step, 0)

        plsc.subcore_barrier()
        pltpu.sync_copy(acc.at[pl.ds(s * STRIPE, STRIPE)],
                        out_hbm.at[pl.ds(c * N_PAD + s * STRIPE, STRIPE)])

    return pl.kernel(
        body,
        out_type=jax.ShapeDtypeStruct((2 * N_PAD, d), jnp.float32),
        mesh=mesh,
        compiler_params=pltpu.CompilerParams(use_tc_tiling_on_sc=False),
        scratch_types=[
            pltpu.VMEM((sega, KA), jnp.int32),
            pltpu.VMEM((sega, KA), jnp.int32),
            pltpu.VMEM((segb, KB), jnp.int32),
            pltpu.VMEM((segb, KB), jnp.int32),
            pltpu.VMEM((nbuf * KA if nbuf * KA > KB else KB, d), jnp.float32),
            [pltpu.SemaphoreType.DMA for _ in range(nbuf)],
            pltpu.VMEM_SHARED((ACC_ROWS, d), jnp.float32),
        ],
    )


_agg_aug = _make_agg(D_AUG, 2, SEGA1, SEGB1)
_agg_plain = _make_agg(D, 3, SEGA2, SEGB2)


def _dense1_body(p0, p1, x_ref, wl, wr, b, h_ref, inv_ref):
    s = p0[...] + p1[...]
    deg = s[:, D:D + 1]
    inv = 1.0 / jnp.maximum(deg, 1.0)
    mean = s[:, :D] * inv
    h = (jnp.dot(mean, wl[...], preferred_element_type=jnp.float32)
         + jnp.dot(x_ref[...], wr[...], preferred_element_type=jnp.float32)
         + b[...])
    row = pl.program_id(0) * BLK + lax.broadcasted_iota(jnp.int32, (BLK, 1), 0)
    h_ref[...] = jnp.where(row < N, jnp.maximum(h, 0.0), 0.0)
    inv_ref[...] = inv


_dense1 = pl.pallas_call(
    _dense1_body,
    grid=(N_PAD // BLK,),
    in_specs=[
        pl.BlockSpec((BLK, D_AUG), lambda i: (i, 0)),
        pl.BlockSpec((BLK, D_AUG), lambda i: (i + N_PAD // BLK, 0)),
        pl.BlockSpec((BLK, D), lambda i: (i, 0)),
        pl.BlockSpec((D, D), lambda i: (0, 0)),
        pl.BlockSpec((D, D), lambda i: (0, 0)),
        pl.BlockSpec((1, D), lambda i: (0, 0)),
    ],
    out_specs=[pl.BlockSpec((BLK, D), lambda i: (i, 0)),
               pl.BlockSpec((BLK, 1), lambda i: (i, 0))],
    out_shape=[jax.ShapeDtypeStruct((N_PAD, D), jnp.float32),
               jax.ShapeDtypeStruct((N_PAD, 1), jnp.float32)],
)


def _dense2_body(p0, p1, h_ref, inv_ref, wl, wr, b, out_ref):
    mean = (p0[...] + p1[...]) * inv_ref[...]
    out_ref[...] = (jnp.dot(mean, wl[...], preferred_element_type=jnp.float32)
                    + jnp.dot(h_ref[...], wr[...], preferred_element_type=jnp.float32)
                    + b[...])


_dense2 = pl.pallas_call(
    _dense2_body,
    grid=(N_PAD // BLK,),
    in_specs=[
        pl.BlockSpec((BLK, D), lambda i: (i, 0)),
        pl.BlockSpec((BLK, D), lambda i: (i + N_PAD // BLK, 0)),
        pl.BlockSpec((BLK, D), lambda i: (i, 0)),
        pl.BlockSpec((BLK, 1), lambda i: (i, 0)),
        pl.BlockSpec((D, D), lambda i: (0, 0)),
        pl.BlockSpec((D, D), lambda i: (0, 0)),
        pl.BlockSpec((1, D), lambda i: (0, 0)),
    ],
    out_specs=pl.BlockSpec((BLK, D), lambda i: (i, 0)),
    out_shape=jax.ShapeDtypeStruct((N_PAD, D), jnp.float32),
)


def kernel(x, edge_index, W1l, b1l, W1r, W2l, b2l, W2r):
    src = edge_index[0].astype(jnp.int32)
    dst = edge_index[1].astype(jnp.int32)

    def split_idx(sega, segb):
        ea = 16 * 2 * sega * KA
        e_pad = ea + 16 * 2 * segb * KB
        pad_dst = jnp.arange(e_pad - E, dtype=jnp.int32) % N
        src_p = jnp.concatenate([src, jnp.full((e_pad - E,), N, jnp.int32)])
        dst_p = jnp.concatenate([dst, pad_dst])
        idxa = jnp.stack([src_p[:ea].reshape(16, 2, sega, KA),
                          dst_p[:ea].reshape(16, 2, sega, KA)], axis=2)
        idxb = jnp.stack([src_p[ea:].reshape(16, 2, segb, KB),
                          dst_p[ea:].reshape(16, 2, segb, KB)], axis=2)
        return idxa, idxb

    idxa1, idxb1 = split_idx(SEGA1, SEGB1)
    idxa2, idxb2 = idxa1, idxb1

    x_aug = jnp.zeros((N_PAD, D_AUG), jnp.float32)
    x_aug = x_aug.at[:N, :D].set(x)
    x_aug = x_aug.at[:N, D].set(1.0)
    z_aug = jnp.zeros((STRIPE, D_AUG), jnp.float32)
    z_plain = jnp.zeros((STRIPE, D), jnp.float32)

    p = _agg_aug(x_aug, idxa1, idxb1, z_aug)
    h, inv = _dense1(p, p, x_aug, W1l.T, W1r.T, b1l[None, :])
    p2 = _agg_plain(h, idxa2, idxb2, z_plain)
    out = _dense2(p2, p2, h, inv, W2l.T, W2r.T, b2l[None, :])
    return out[:N]

# --- scband reference (transcript-rebuilt; emitter-appended) ---
"""Pipeline reference for scband-graph-sageencoder-20701742366801 (READ-ONLY COPY).

The authoritative reference and input builder live on the scoring server;
editing this copy changes nothing except your own understanding.
"""

import jax, jax.numpy as jnp
import numpy as np

N = 10000
E = 320000
D_IN = 128
D_HID = 128


def _sage_conv(x, edge_index, Wl, bl, Wr, num_nodes):
    # PyG SAGEConv (aggr='mean', root_weight=True):
    #   out = lin_l(mean_{j in N(i)} x_j) + lin_r(x_i)
    src = edge_index[0]
    dst = edge_index[1]
    msgs = jnp.take(x, src, axis=0)                      # gather [E, d]
    summed = jax.ops.segment_sum(msgs, dst, num_segments=num_nodes)
    cnt = jax.ops.segment_sum(jnp.ones((msgs.shape[0],), x.dtype), dst,
                              num_segments=num_nodes)
    mean = summed / jnp.clip(cnt, 1.0, None)[:, None]
    return mean @ Wl.T + bl + x @ Wr.T


def setup_inputs(seed: int = 0) -> dict:
    key = jax.random.key(seed)
    k_x, k_e, k1, k2, k3, k4, k5, k6 = jax.random.split(key, 8)
    x = jax.random.normal(k_x, (N, D_IN), dtype=jnp.float32)
    edge_index = jax.random.randint(k_e, (2, E), 0, N, dtype=jnp.int64)
    s1 = 1.0 / np.sqrt(D_IN)
    s2 = 1.0 / np.sqrt(D_HID)
    W1l = jax.random.uniform(k1, (D_HID, D_IN), jnp.float32, -s1, s1)
    b1l = jax.random.uniform(k2, (D_HID,), jnp.float32, -s1, s1)
    W1r = jax.random.uniform(k3, (D_HID, D_IN), jnp.float32, -s1, s1)
    W2l = jax.random.uniform(k4, (D_HID, D_HID), jnp.float32, -s2, s2)
    b2l = jax.random.uniform(k5, (D_HID,), jnp.float32, -s2, s2)
    W2r = jax.random.uniform(k6, (D_HID, D_HID), jnp.float32, -s2, s2)
    return {"x": x, "edge_index": edge_index,
            "W1l": W1l, "b1l": b1l, "W1r": W1r,
            "W2l": W2l, "b2l": b2l, "W2r": W2r}


def reference(x, edge_index, W1l, b1l, W1r, W2l, b2l, W2r):
    # Layer 1 + ReLU (dropout is identity in eval mode)
    h = _sage_conv(x, edge_index, W1l, b1l, W1r, N)
    h = jax.nn.relu(h)
    # Layer 2 (no activation after final layer)
    h = _sage_conv(h, edge_index, W2l, b2l, W2r, N)
    return h

if __name__ == "__main__":
    import jax
    _d = setup_inputs()
    print(jax.jit(kernel)(*tuple(_d.values())))

</pallas_src>

<mosaic_0001>
#map = affine_map<(d0, d1) -> (0, 0)>
#map1 = affine_map<(d0, d1) -> (0, 0, 0, 0, 0)>
module attributes {stable_mosaic.version = 14 : i64} {
  func.func @body(%arg0: i32, %arg1: i32, %arg2: memref<10240x128xf32, #tpu.memory_space<hbm>>, %arg3: memref<16x2x2x108x64xi32, #tpu.memory_space<hbm>>, %arg4: memref<16x2x2x25x128xi32, #tpu.memory_space<hbm>>, %arg5: memref<625x128xf32, #tpu.memory_space<hbm>>, %arg6: memref<20480x128xf32, #tpu.memory_space<hbm>>, %arg7: memref<108x64xi32, #tpu.memory_space<vmem>>, %arg8: memref<108x64xi32, #tpu.memory_space<vmem>>, %arg9: memref<25x128xi32, #tpu.memory_space<vmem>>, %arg10: memref<25x128xi32, #tpu.memory_space<vmem>>, %arg11: memref<192x128xf32, #tpu.memory_space<vmem>>, %arg12: memref<!tpu.dma_semaphore, #tpu.memory_space<semaphore_mem>>, %arg13: memref<!tpu.dma_semaphore, #tpu.memory_space<semaphore_mem>>, %arg14: memref<!tpu.dma_semaphore, #tpu.memory_space<semaphore_mem>>, %arg15: memref<10000x128xf32, #tpu.memory_space<vmem_shared>>) attributes {dimension_semantics = [#tpu.dimension_semantics<core_parallel>, #tpu.dimension_semantics<subcore_parallel>], iteration_bounds = array<i64: 2, 16>, scalar_prefetch = 0 : i64, scratch_operands = 9 : i64, tpu.core_type = #tpu.core_type<sc_vector_subcore>, window_params = [{transform_indices = #map}, {transform_indices = #map1}, {transform_indices = #map1}, {transform_indices = #map}, {transform_indices = #map}]} {
    %mul3A = arith.constant 625 : i32
    %mul3A_0 = arith.muli %arg1, %mul3A : i32
    "tpu.region"() ({
      %run_scoped3A = tpu.sem_alloc : memref<!tpu.dma_semaphore, #tpu.memory_space<semaphore_mem>>
      %dma_start3A = arith.constant 0 : i32
      %dma_start3A_15 = tpu.memref_slice %arg15[%mul3A_0, %dma_start3A] : memref<10000x128xf32, #tpu.memory_space<vmem_shared>> -> memref<625x128xf32, #tpu.memory_space<vmem_shared>>
      tpu.enqueue_dma source(%arg5 : memref<625x128xf32, #tpu.memory_space<hbm>>) target(%dma_start3A_15 : memref<625x128xf32, #tpu.memory_space<vmem_shared>>) target_semaphore(%run_scoped3A : memref<!tpu.dma_semaphore, #tpu.memory_space<semaphore_mem>>)
      %dma_wait3A = arith.constant 0 : i32
      %dma_wait3A_16 = tpu.memref_slice %arg15[%mul3A_0, %dma_wait3A] : memref<10000x128xf32, #tpu.memory_space<vmem_shared>> -> memref<625x128xf32, #tpu.memory_space<vmem_shared>>
      tpu.wait_dma2 semaphore(%run_scoped3A : memref<!tpu.dma_semaphore, #tpu.memory_space<semaphore_mem>>) src(%arg5 : memref<625x128xf32, #tpu.memory_space<hbm>>) dst(%dma_wait3A_16 : memref<625x128xf32, #tpu.memory_space<vmem_shared>>)
      tpu.yield
    }) : () -> ()
    %barrier3A = arith.constant 0 : index
    tpu.barrier barrier_id(%barrier3A)
    %eq3A = arith.constant 0 : i32
    %eq3A_1 = arith.cmpi eq, %arg0, %eq3A : i32
    %convert_element_type3A = arith.extui %eq3A_1 : i1 to i32
    %cond3A = arith.constant 0 : i32
    %cond3A_2 = arith.cmpi ne, %convert_element_type3A, %cond3A : i32
    scf.if %cond3A_2 {
      %run_scoped3A = arith.constant 0 : i32
      %run_scoped3A_15 = arith.constant 0 : i32
      "tpu.region"() ({
        %run_scoped3A_157 = tpu.sem_alloc : memref<!tpu.dma_semaphore, #tpu.memory_space<semaphore_mem>>
        %dma_start3A_158 = arith.constant 0 : i32
        %dma_start3A_159 = arith.constant 0 : i32
        %dma_start3A_160 = tpu.memref_slice %arg3[%arg1, %run_scoped3A, %run_scoped3A_15, %dma_start3A_158, %dma_start3A_159] : memref<16x2x2x108x64xi32, #tpu.memory_space<hbm>> -> memref<1x1x1x108x64xi32, #tpu.memory_space<hbm>>
        %dma_start3A_161 = tpu.memref_squeeze %dma_start3A_160 : memref<1x1x1x108x64xi32, #tpu.memory_space<hbm>> -> memref<108x64xi32, #tpu.memory_space<hbm>>
        %dma_start3A_162 = arith.constant 0 : i32
        %dma_start3A_163 = arith.constant 0 : i32
        %dma_start3A_164 = tpu.memref_slice %arg3[%arg1, %run_scoped3A, %run_scoped3A_15, %dma_start3A_162, %dma_start3A_163] : memref<16x2x2x108x64xi32, #tpu.memory_space<hbm>> -> memref<1x1x1x108x64xi32, #tpu.memory_space<hbm>>
        %dma_start3A_165 = tpu.memref_squeeze %dma_start3A_164 : memref<1x1x1x108x64xi32, #tpu.memory_space<hbm>> -> memref<108x64xi32, #tpu.memory_space<hbm>>
        tpu.enqueue_dma source(%dma_start3A_165 : memref<108x64xi32, #tpu.memory_space<hbm>>) target(%arg7 : memref<108x64xi32, #tpu.memory_space<vmem>>) target_semaphore(%run_scoped3A_157 : memref<!tpu.dma_semaphore, #tpu.memory_space<semaphore_mem>>)
        %dma_wait3A_166 = arith.constant 0 : i32
        %dma_wait3A_167 = arith.constant 0 : i32
        %dma_wait3A_168 = tpu.memref_slice %arg3[%arg1, %run_scoped3A, %run_scoped3A_15, %dma_wait3A_166, %dma_wait3A_167] : memref<16x2x2x108x64xi32, #tpu.memory_space<hbm>> -> memref<1x1x1x108x64xi32, #tpu.memory_space<hbm>>
        %dma_wait3A_169 = tpu.memref_squeeze %dma_wait3A_168 : memref<1x1x1x108x64xi32, #tpu.memory_space<hbm>> -> memref<108x64xi32, #tpu.memory_space<hbm>>
        %dma_wait3A_170 = arith.constant 0 : i32
        %dma_wait3A_171 = arith.constant 0 : i32
        %dma_wait3A_172 = tpu.memref_slice %arg3[%arg1, %run_scoped3A, %run_scoped3A_15, %dma_wait3A_170, %dma_wait3A_171] : memref<16x2x2x108x64xi32, #tpu.memory_space<hbm>> -> memref<1x1x1x108x64xi32, #tpu.memory_space<hbm>>
        %dma_wait3A_173 = tpu.memref_squeeze %dma_wait3A_172 : memref<1x1x1x108x64xi32, #tpu.memory_space<hbm>> -> memref<108x64xi32, #tpu.memory_space<hbm>>
        tpu.wait_dma2 semaphore(%run_scoped3A_157 : memref<!tpu.dma_semaphore, #tpu.memory_space<semaphore_mem>>) src(%dma_wait3A_173 : memref<108x64xi32, #tpu.memory_space<hbm>>) dst(%arg7 : memref<108x64xi32, #tpu.memory_space<vmem>>)
        tpu.yield
      }) : () -> ()
      %run_scoped3A_16 = arith.constant 0 : i32
      %run_scoped3A_17 = arith.constant 1 : i32
      "tpu.region"() ({
        %run_scoped3A_157 = tpu.sem_alloc : memref<!tpu.dma_semaphore, #tpu.memory_space<semaphore_mem>>
        %dma_start3A_158 = arith.constant 0 : i32
        %dma_start3A_159 = arith.constant 0 : i32
        %dma_start3A_160 = tpu.memref_slice %arg3[%arg1, %run_scoped3A_16, %run_scoped3A_17, %dma_start3A_158, %dma_start3A_159] : memref<16x2x2x108x64xi32, #tpu.memory_space<hbm>> -> memref<1x1x1x108x64xi32, #tpu.memory_space<hbm>>
        %dma_start3A_161 = tpu.memref_squeeze %dma_start3A_160 : memref<1x1x1x108x64xi32, #tpu.memory_space<hbm>> -> memref<108x64xi32, #tpu.memory_space<hbm>>
        %dma_start3A_162 = arith.constant 0 : i32
        %dma_start3A_163 = arith.constant 0 : i32
        %dma_start3A_164 = tpu.memref_slice %arg3[%arg1, %run_scoped3A_16, %run_scoped3A_17, %dma_start3A_162, %dma_start3A_163] : memref<16x2x2x108x64xi32, #tpu.memory_space<hbm>> -> memref<1x1x1x108x64xi32, #tpu.memory_space<hbm>>
        %dma_start3A_165 = tpu.memref_squeeze %dma_start3A_164 : memref<1x1x1x108x64xi32, #tpu.memory_space<hbm>> -> memref<108x64xi32, #tpu.memory_space<hbm>>
        tpu.enqueue_dma source(%dma_start3A_165 : memref<108x64xi32, #tpu.memory_space<hbm>>) target(%arg8 : memref<108x64xi32, #tpu.memory_space<vmem>>) target_semaphore(%run_scoped3A_157 : memref<!tpu.dma_semaphore, #tpu.memory_space<semaphore_mem>>)
        %dma_wait3A_166 = arith.constant 0 : i32
        %dma_wait3A_167 = arith.constant 0 : i32
        %dma_wait3A_168 = tpu.memref_slice %arg3[%arg1, %run_scoped3A_16, %run_scoped3A_17, %dma_wait3A_166, %dma_wait3A_167] : memref<16x2x2x108x64xi32, #tpu.memory_space<hbm>> -> memref<1x1x1x108x64xi32, #tpu.memory_space<hbm>>
        %dma_wait3A_169 = tpu.memref_squeeze %dma_wait3A_168 : memref<1x1x1x108x64xi32, #tpu.memory_space<hbm>> -> memref<108x64xi32, #tpu.memory_space<hbm>>
        %dma_wait3A_170 = arith.constant 0 : i32
        %dma_wait3A_171 = arith.constant 0 : i32
        %dma_wait3A_172 = tpu.memref_slice %arg3[%arg1, %run_scoped3A_16, %run_scoped3A_17, %dma_wait3A_170, %dma_wait3A_171] : memref<16x2x2x108x64xi32, #tpu.memory_space<hbm>> -> memref<1x1x1x108x64xi32, #tpu.memory_space<hbm>>
        %dma_wait3A_173 = tpu.memref_squeeze %dma_wait3A_172 : memref<1x1x1x108x64xi32, #tpu.memory_space<hbm>> -> memref<108x64xi32, #tpu.memory_space<hbm>>
        tpu.wait_dma2 semaphore(%run_scoped3A_157 : memref<!tpu.dma_semaphore, #tpu.memory_space<semaphore_mem>>) src(%dma_wait3A_173 : memref<108x64xi32, #tpu.memory_space<hbm>>) dst(%arg8 : memref<108x64xi32, #tpu.memory_space<vmem>>)
        tpu.yield
      }) : () -> ()
      %dma_start3A = arith.constant 0 : i32
      %dma_start3A_18 = arith.constant 0 : i32
      %dma_start3A_19 = arith.constant 0 : i32
      %dma_start3A_20 = tpu.memref_slice %arg11[%dma_start3A_18, %dma_start3A_19] : memref<192x128xf32, #tpu.memory_space<vmem>> -> memref<64x128xf32, #tpu.memory_space<vmem>>
      %dma_start3A_21 = arith.constant 0 : i32
      %dma_start3A_22 = tpu.memref_slice %arg7[%dma_start3A, %dma_start3A_21] : memref<108x64xi32, #tpu.memory_space<vmem>> -> memref<1x64xi32, #tpu.memory_space<vmem>>
      %dma_start3A_23 = tpu.memref_squeeze %dma_start3A_22 : memref<1x64xi32, #tpu.memory_space<vmem>> -> memref<64xi32, #tpu.memory_space<vmem>>
      %dma_start3A_24 = arith.constant 0 : i32
      %dma_start3A_25 = arith.constant 0 : i32
      %dma_start3A_26 = tpu.memref_slice %arg2[%dma_start3A_24, %dma_start3A_25] : memref<10240x128xf32, #tpu.memory_space<hbm>> -> memref<10240x128xf32, #tpu.memory_space<hbm>>
      tpu.enqueue_indirect_dma source(%dma_start3A_26 : memref<10240x128xf32, #tpu.memory_space<hbm>>) target(%dma_start3A_20 : memref<64x128xf32, #tpu.memory_space<vmem>>) offsets(%dma_start3A_23 : memref<64xi32, #tpu.memory_space<vmem>>) semaphore(%arg12 : memref<!tpu.dma_semaphore, #tpu.memory_space<semaphore_mem>>)
      %dma_start3A_27 = arith.constant 1 : i32
      %dma_start3A_28 = arith.constant 64 : i32
      %dma_start3A_29 = arith.constant 0 : i32
      %dma_start3A_30 = tpu.memref_slice %arg11[%dma_start3A_28, %dma_start3A_29] : memref<192x128xf32, #tpu.memory_space<vmem>> -> memref<64x128xf32, #tpu.memory_space<vmem>>
      %dma_start3A_31 = arith.constant 0 : i32
      %dma_start3A_32 = tpu.memref_slice %arg7[%dma_start3A_27, %dma_start3A_31] : memref<108x64xi32, #tpu.memory_space<vmem>> -> memref<1x64xi32, #tpu.memory_space<vmem>>
      %dma_start3A_33 = tpu.memref_squeeze %dma_start3A_32 : memref<1x64xi32, #tpu.memory_space<vmem>> -> memref<64xi32, #tpu.memory_space<vmem>>
      %dma_start3A_34 = arith.constant 0 : i32
      %dma_start3A_35 = arith.constant 0 : i32
      %dma_start3A_36 = tpu.memref_slice %arg2[%dma_start3A_34, %dma_start3A_35] : memref<10240x128xf32, #tpu.memory_space<hbm>> -> memref<10240x128xf32, #tpu.memory_space<hbm>>
      tpu.enqueue_indirect_dma source(%dma_start3A_36 : memref<10240x128xf32, #tpu.memory_space<hbm>>) target(%dma_start3A_30 : memref<64x128xf32, #tpu.memory_space<vmem>>) offsets(%dma_start3A_33 : memref<64xi32, #tpu.memory_space<vmem>>) semaphore(%arg13 : memref<!tpu.dma_semaphore, #tpu.memory_space<semaphore_mem>>)
      %dma_start3A_37 = arith.constant 2 : i32
      %dma_start3A_38 = arith.constant 128 : i32
      %dma_start3A_39 = arith.constant 0 : i32
      %dma_start3A_40 = tpu.memref_slice %arg11[%dma_start3A_38, %dma_start3A_39] : memref<192x128xf32, #tpu.memory_space<vmem>> -> memref<64x128xf32, #tpu.memory_space<vmem>>
      %dma_start3A_41 = arith.constant 0 : i32
      %dma_start3A_42 = tpu.memref_slice %arg7[%dma_start3A_37, %dma_start3A_41] : memref<108x64xi32, #tpu.memory_space<vmem>> -> memref<1x64xi32, #tpu.memory_space<vmem>>
      %dma_start3A_43 = tpu.memref_squeeze %dma_start3A_42 : memref<1x64xi32, #tpu.memory_space<vmem>> -> memref<64xi32, #tpu.memory_space<vmem>>
      %dma_start3A_44 = arith.constant 0 : i32
      %dma_start3A_45 = arith.constant 0 : i32
      %dma_start3A_46 = tpu.memref_slice %arg2[%dma_start3A_44, %dma_start3A_45] : memref<10240x128xf32, #tpu.memory_space<hbm>> -> memref<10240x128xf32, #tpu.memory_space<hbm>>
      tpu.enqueue_indirect_dma source(%dma_start3A_46 : memref<10240x128xf32, #tpu.memory_space<hbm>>) target(%dma_start3A_40 : memref<64x128xf32, #tpu.memory_space<vmem>>) offsets(%dma_start3A_43 : memref<64xi32, #tpu.memory_space<vmem>>) semaphore(%arg14 : memref<!tpu.dma_semaphore, #tpu.memory_space<semaphore_mem>>)
      %scan3A = arith.constant 0 : i32
      %scan3A_47 = arith.constant 0 : i32
      %scan3A_48 = arith.constant 35 : i32
      %scan3A_49 = arith.addi %scan3A_47, %scan3A_48 : i32
      %scan3A_50 = arith.constant 1 : i32
      scf.for %scan3A_157 = %scan3A_47 to %scan3A_49 step %scan3A_50  : i32 {
        %mul3A_158 = arith.constant 3 : i32
        %mul3A_159 = arith.muli %scan3A_157, %mul3A_158 : i32
        %add3A_160 = arith.constant 0 : i32
        %add3A_161 = arith.addi %mul3A_159, %add3A_160 : i32
        %dma_wait3A_162 = arith.constant 0 : i32
        %dma_wait3A_163 = arith.constant 0 : i32
        %dma_wait3A_164 = tpu.memref_slice %arg11[%dma_wait3A_162, %dma_wait3A_163] : memref<192x128xf32, #tpu.memory_space<vmem>> -> memref<64x128xf32, #tpu.memory_space<vmem>>
        %dma_wait3A_165 = arith.constant 0 : i32
        %dma_wait3A_166 = tpu.memref_slice %arg7[%add3A_161, %dma_wait3A_165] : memref<108x64xi32, #tpu.memory_space<vmem>> -> memref<1x64xi32, #tpu.memory_space<vmem>>
        %dma_wait3A_167 = tpu.memref_squeeze %dma_wait3A_166 : memref<1x64xi32, #tpu.memory_space<vmem>> -> memref<64xi32, #tpu.memory_space<vmem>>
        %dma_wait3A_168 = arith.constant 0 : i32
        %dma_wait3A_169 = arith.constant 0 : i32
        %dma_wait3A_170 = tpu.memref_slice %arg2[%dma_wait3A_168, %dma_wait3A_169] : memref<10240x128xf32, #tpu.memory_space<hbm>> -> memref<10240x128xf32, #tpu.memory_space<hbm>>
        tpu.wait_indirect_dma semaphore(%arg12 : memref<!tpu.dma_semaphore, #tpu.memory_space<semaphore_mem>>) src(%dma_wait3A_170 : memref<10240x128xf32, #tpu.memory_space<hbm>>) dst(%dma_wait3A_164 : memref<64x128xf32, #tpu.memory_space<vmem>>)
        "tpu.region"() ({
          %run_scoped3A_230 = tpu.sem_alloc : memref<!tpu.dma_semaphore, #tpu.memory_space<semaphore_mem>>
          %dma_start3A_231 = arith.constant 0 : i32
          %dma_start3A_232 = arith.constant 0 : i32
          %dma_start3A_233 = tpu.memref_slice %arg11[%dma_start3A_231, %dma_start3A_232] : memref<192x128xf32, #tpu.memory_space<vmem>> -> memref<64x128xf32, #tpu.memory_space<vmem>>
          %dma_start3A_234 = arith.constant 0 : i32
          %dma_start3A_235 = tpu.memref_slice %arg8[%add3A_161, %dma_start3A_234] : memref<108x64xi32, #tpu.memory_space<vmem>> -> memref<1x64xi32, #tpu.memory_space<vmem>>
          %dma_start3A_236 = tpu.memref_squeeze %dma_start3A_235 : memref<1x64xi32, #tpu.memory_space<vmem>> -> memref<64xi32, #tpu.memory_space<vmem>>
          %dma_start3A_237 = arith.constant 0 : i32
          %dma_start3A_238 = arith.constant 0 : i32
          %dma_start3A_239 = tpu.memref_slice %arg15[%dma_start3A_237, %dma_start3A_238] : memref<10000x128xf32, #tpu.memory_space<vmem_shared>> -> memref<10000x128xf32, #tpu.memory_space<vmem_shared>>
          tpu.enqueue_indirect_dma source(%dma_start3A_233 : memref<64x128xf32, #tpu.memory_space<vmem>>) target(%dma_start3A_239 : memref<10000x128xf32, #tpu.memory_space<vmem_shared>>) offsets(%dma_start3A_236 : memref<64xi32, #tpu.memory_space<vmem>>) semaphore(%run_scoped3A_230 : memref<!tpu.dma_semaphore, #tpu.memory_space<semaphore_mem>>) {add = true}
          %dma_wait3A_240 = arith.constant 0 : i32
          %dma_wait3A_241 = arith.constant 0 : i32
          %dma_wait3A_242 = tpu.memref_slice %arg11[%dma_wait3A_240, %dma_wait3A_241] : memref<192x128xf32, #tpu.memory_space<vmem>> -> memref<64x128xf32, #tpu.memory_space<vmem>>
          %dma_wait3A_243 = arith.constant 0 : i32
          %dma_wait3A_244 = tpu.memref_slice %arg8[%add3A_161, %dma_wait3A_243] : memref<108x64xi32, #tpu.memory_space<vmem>> -> memref<1x64xi32, #tpu.memory_space<vmem>>
          %dma_wait3A_245 = tpu.memref_squeeze %dma_wait3A_244 : memref<1x64xi32, #tpu.memory_space<vmem>> -> memref<64xi32, #tpu.memory_space<vmem>>
          %dma_wait3A_246 = arith.constant 0 : i32
          %dma_wait3A_247 = arith.constant 0 : i32
          %dma_wait3A_248 = tpu.memref_slice %arg15[%dma_wait3A_246, %dma_wait3A_247] : memref<10000x128xf32, #tpu.memory_space<vmem_shared>> -> memref<10000x128xf32, #tpu.memory_space<vmem_shared>>
          tpu.wait_indirect_dma semaphore(%run_scoped3A_230 : memref<!tpu.dma_semaphore, #tpu.memory_space<semaphore_mem>>) src(%dma_wait3A_242 : memref<64x128xf32, #tpu.memory_space<vmem>>) dst(%dma_wait3A_248 : memref<10000x128xf32, #tpu.memory_space<vmem_shared>>)
          tpu.yield
        }) : () -> ()
        %add3A_171 = arith.constant 3 : i32
        %add3A_172 = arith.addi %add3A_161, %add3A_171 : i32
        %dma_start3A_173 = arith.constant 0 : i32
        %dma_start3A_174 = arith.constant 0 : i32
        %dma_start3A_175 = tpu.memref_slice %arg11[%dma_start3A_173, %dma_start3A_174] : memref<192x128xf32, #tpu.memory_space<vmem>> -> memref<64x128xf32, #tpu.memory_space<vmem>>
        %dma_start3A_176 = arith.constant 0 : i32
        %dma_start3A_177 = tpu.memref_slice %arg7[%add3A_172, %dma_start3A_176] : memref<108x64xi32, #tpu.memory_space<vmem>> -> memref<1x64xi32, #tpu.memory_space<vmem>>
        %dma_start3A_178 = tpu.memref_squeeze %dma_start3A_177 : memref<1x64xi32, #tpu.memory_space<vmem>> -> memref<64xi32, #tpu.memory_space<vmem>>
        %dma_start3A_179 = arith.constant 0 : i32
        %dma_start3A_180 = arith.constant 0 : i32
        %dma_start3A_181 = tpu.memref_slice %arg2[%dma_start3A_179, %dma_start3A_180] : memref<10240x128xf32, #tpu.memory_space<hbm>> -> memref<10240x128xf32, #tpu.memory_space<hbm>>
        tpu.enqueue_indirect_dma source(%dma_start3A_181 : memref<10240x128xf32, #tpu.memory_space<hbm>>) target(%dma_start3A_175 : memref<64x128xf32, #tpu.memory_space<vmem>>) offsets(%dma_start3A_178 : memref<64xi32, #tpu.memory_space<vmem>>) semaphore(%arg12 : memref<!tpu.dma_semaphore, #tpu.memory_space<semaphore_mem>>)
        %mul3A_182 = arith.constant 3 : i32
        %mul3A_183 = arith.muli %scan3A_157, %mul3A_182 : i32
        %add3A_184 = arith.constant 1 : i32
        %add3A_185 = arith.addi %mul3A_183, %add3A_184 : i32
        %dma_wait3A_186 = arith.constant 64 : i32
        %dma_wait3A_187 = arith.constant 0 : i32
        %dma_wait3A_188 = tpu.memref_slice %arg11[%dma_wait3A_186, %dma_wait3A_187] : memref<192x128xf32, #tpu.memory_space<vmem>> -> memref<64x128xf32, #tpu.memory_space<vmem>>
        %dma_wait3A_189 = arith.constant 0 : i32
        %dma_wait3A_190 = tpu.memref_slice %arg7[%add3A_185, %dma_wait3A_189] : memref<108x64xi32, #tpu.memory_space<vmem>> -> memref<1x64xi32, #tpu.memory_space<vmem>>
        %dma_wait3A_191 = tpu.memref_squeeze %dma_wait3A_190 : memref<1x64xi32, #tpu.memory_space<vmem>> -> memref<64xi32, #tpu.memory_space<vmem>>
        %dma_wait3A_192 = arith.constant 0 : i32
        %dma_wait3A_193 = arith.constant 0 : i32
        %dma_wait3A_194 = tpu.memref_slice %arg2[%dma_wait3A_192, %dma_wait3A_193] : memref<10240x128xf32, #tpu.memory_space<hbm>> -> memref<10240x128xf32, #tpu.memory_space<hbm>>
        tpu.wait_indirect_dma semaphore(%arg13 : memref<!tpu.dma_semaphore, #tpu.memory_space<semaphore_mem>>) src(%dma_wait3A_194 : memref<10240x128xf32, #tpu.memory_space<hbm>>) dst(%dma_wait3A_188 : memref<64x128xf32, #tpu.memory_space<vmem>>)
        "tpu.region"() ({
          %run_scoped3A_230 = tpu.sem_alloc : memref<!tpu.dma_semaphore, #tpu.memory_space<semaphore_mem>>
          %dma_start3A_231 = arith.constant 64 : i32
          %dma_start3A_232 = arith.constant 0 : i32
          %dma_start3A_233 = tpu.memref_slice %arg11[%dma_start3A_231, %dma_start3A_232] : memref<192x128xf32, #tpu.memory_space<vmem>> -> memref<64x128xf32, #tpu.memory_space<vmem>>
          %dma_start3A_234 = arith.constant 0 : i32
          %dma_start3A_235 = tpu.memref_slice %arg8[%add3A_185, %dma_start3A_234] : memref<108x64xi32, #tpu.memory_space<vmem>> -> memref<1x64xi32, #tpu.memory_space<vmem>>
          %dma_start3A_236 = tpu.memref_squeeze %dma_start3A_235 : memref<1x64xi32, #tpu.memory_space<vmem>> -> memref<64xi32, #tpu.memory_space<vmem>>
          %dma_start3A_237 = arith.constant 0 : i32
          %dma_start3A_238 = arith.constant 0 : i32
          %dma_start3A_239 = tpu.memref_slice %arg15[%dma_start3A_237, %dma_start3A_238] : memref<10000x128xf32, #tpu.memory_space<vmem_shared>> -> memref<10000x128xf32, #tpu.memory_space<vmem_shared>>
          tpu.enqueue_indirect_dma source(%dma_start3A_233 : memref<64x128xf32, #tpu.memory_space<vmem>>) target(%dma_start3A_239 : memref<10000x128xf32, #tpu.memory_space<vmem_shared>>) offsets(%dma_start3A_236 : memref<64xi32, #tpu.memory_space<vmem>>) semaphore(%run_scoped3A_230 : memref<!tpu.dma_semaphore, #tpu.memory_space<semaphore_mem>>) {add = true}
          %dma_wait3A_240 = arith.constant 64 : i32
          %dma_wait3A_241 = arith.constant 0 : i32
          %dma_wait3A_242 = tpu.memref_slice %arg11[%dma_wait3A_240, %dma_wait3A_241] : memref<192x128xf32, #tpu.memory_space<vmem>> -> memref<64x128xf32, #tpu.memory_space<vmem>>
          %dma_wait3A_243 = arith.constant 0 : i32
          %dma_wait3A_244 = tpu.memref_slice %arg8[%add3A_185, %dma_wait3A_243] : memref<108x64xi32, #tpu.memory_space<vmem>> -> memref<1x64xi32, #tpu.memory_space<vmem>>
          %dma_wait3A_245 = tpu.memref_squeeze %dma_wait3A_244 : memref<1x64xi32, #tpu.memory_space<vmem>> -> memref<64xi32, #tpu.memory_space<vmem>>
          %dma_wait3A_246 = arith.constant 0 : i32
          %dma_wait3A_247 = arith.constant 0 : i32
          %dma_wait3A_248 = tpu.memref_slice %arg15[%dma_wait3A_246, %dma_wait3A_247] : memref<10000x128xf32, #tpu.memory_space<vmem_shared>> -> memref<10000x128xf32, #tpu.memory_space<vmem_shared>>
          tpu.wait_indirect_dma semaphore(%run_scoped3A_230 : memref<!tpu.dma_semaphore, #tpu.memory_space<semaphore_mem>>) src(%dma_wait3A_242 : memref<64x128xf32, #tpu.memory_space<vmem>>) dst(%dma_wait3A_248 : memref<10000x128xf32, #tpu.memory_space<vmem_shared>>)
          tpu.yield
        }) : () -> ()
        %add3A_195 = arith.constant 3 : i32
        %add3A_196 = arith.addi %add3A_185, %add3A_195 : i32
        %dma_start3A_197 = arith.constant 64 : i32
        %dma_start3A_198 = arith.constant 0 : i32
        %dma_start3A_199 = tpu.memref_slice %arg11[%dma_start3A_197, %dma_start3A_198] : memref<192x128xf32, #tpu.memory_space<vmem>> -> memref<64x128xf32, #tpu.memory_space<vmem>>
        %dma_start3A_200 = arith.constant 0 : i32
        %dma_start3A_201 = tpu.memref_slice %arg7[%add3A_196, %dma_start3A_200] : memref<108x64xi32, #tpu.memory_space<vmem>> -> memref<1x64xi32, #tpu.memory_space<vmem>>
        %dma_start3A_202 = tpu.memref_squeeze %dma_start3A_201 : memref<1x64xi32, #tpu.memory_space<vmem>> -> memref<64xi32, #tpu.memory_space<vmem>>
        %dma_start3A_203 = arith.constant 0 : i32
        %dma_start3A_204 = arith.constant 0 : i32
        %dma_start3A_205 = tpu.memref_slice %arg2[%dma_start3A_203, %dma_start3A_204] : memref<10240x128xf32, #tpu.memory_space<hbm>> -> memref<10240x128xf32, #tpu.memory_space<hbm>>
        tpu.enqueue_indirect_dma source(%dma_start3A_205 : memref<10240x128xf32, #tpu.memory_space<hbm>>) target(%dma_start3A_199 : memref<64x128xf32, #tpu.memory_space<vmem>>) offsets(%dma_start3A_202 : memref<64xi32, #tpu.memory_space<vmem>>) semaphore(%arg13 : memref<!tpu.dma_semaphore, #tpu.memory_space<semaphore_mem>>)
        %mul3A_206 = arith.constant 3 : i32
        %mul3A_207 = arith.muli %scan3A_157, %mul3A_206 : i32
        %add3A_208 = arith.constant 2 : i32
        %add3A_209 = arith.addi %mul3A_207, %add3A_208 : i32
        %dma_wait3A_210 = arith.constant 128 : i32
        %dma_wait3A_211 = arith.constant 0 : i32
        %dma_wait3A_212 = tpu.memref_slice %arg11[%dma_wait3A_210, %dma_wait3A_211] : memref<192x128xf32, #tpu.memory_space<vmem>> -> memref<64x128xf32, #tpu.memory_space<vmem>>
        %dma_wait3A_213 = arith.constant 0 : i32
        %dma_wait3A_214 = tpu.memref_slice %arg7[%add3A_209, %dma_wait3A_213] : memref<108x64xi32, #tpu.memory_space<vmem>> -> memref<1x64xi32, #tpu.memory_space<vmem>>
        %dma_wait3A_215 = tpu.memref_squeeze %dma_wait3A_214 : memref<1x64xi32, #tpu.memory_space<vmem>> -> memref<64xi32, #tpu.memory_space<vmem>>
        %dma_wait3A_216 = arith.constant 0 : i32
        %dma_wait3A_217 = arith.constant 0 : i32
        %dma_wait3A_218 = tpu.memref_slice %arg2[%dma_wait3A_216, %dma_wait3A_217] : memref<10240x128xf32, #tpu.memory_space<hbm>> -> memref<10240x128xf32, #tpu.memory_space<hbm>>
        tpu.wait_indirect_dma semaphore(%arg14 : memref<!tpu.dma_semaphore, #tpu.memory_space<semaphore_mem>>) src(%dma_wait3A_218 : memref<10240x128xf32, #tpu.memory_space<hbm>>) dst(%dma_wait3A_212 : memref<64x128xf32, #tpu.memory_space<vmem>>)
        "tpu.region"() ({
          %run_scoped3A_230 = tpu.sem_alloc : memref<!tpu.dma_semaphore, #tpu.memory_space<semaphore_mem>>
          %dma_start3A_231 = arith.constant 128 : i32
          %dma_start3A_232 = arith.constant 0 : i32
          %dma_start3A_233 = tpu.memref_slice %arg11[%dma_start3A_231, %dma_start3A_232] : memref<192x128xf32, #tpu.memory_space<vmem>> -> memref<64x128xf32, #tpu.memory_space<vmem>>
          %dma_start3A_234 = arith.constant 0 : i32
          %dma_start3A_235 = tpu.memref_slice %arg8[%add3A_209, %dma_start3A_234] : memref<108x64xi32, #tpu.memory_space<vmem>> -> memref<1x64xi32, #tpu.memory_space<vmem>>
          %dma_start3A_236 = tpu.memref_squeeze %dma_start3A_235 : memref<1x64xi32, #tpu.memory_space<vmem>> -> memref<64xi32, #tpu.memory_space<vmem>>
          %dma_start3A_237 = arith.constant 0 : i32
          %dma_start3A_238 = arith.constant 0 : i32
          %dma_start3A_239 = tpu.memref_slice %arg15[%dma_start3A_237, %dma_start3A_238] : memref<10000x128xf32, #tpu.memory_space<vmem_shared>> -> memref<10000x128xf32, #tpu.memory_space<vmem_shared>>
          tpu.enqueue_indirect_dma source(%dma_start3A_233 : memref<64x128xf32, #tpu.memory_space<vmem>>) target(%dma_start3A_239 : memref<10000x128xf32, #tpu.memory_space<vmem_shared>>) offsets(%dma_start3A_236 : memref<64xi32, #tpu.memory_space<vmem>>) semaphore(%run_scoped3A_230 : memref<!tpu.dma_semaphore, #tpu.memory_space<semaphore_mem>>) {add = true}
          %dma_wait3A_240 = arith.constant 128 : i32
          %dma_wait3A_241 = arith.constant 0 : i32
          %dma_wait3A_242 = tpu.memref_slice %arg11[%dma_wait3A_240, %dma_wait3A_241] : memref<192x128xf32, #tpu.memory_space<vmem>> -> memref<64x128xf32, #tpu.memory_space<vmem>>
          %dma_wait3A_243 = arith.constant 0 : i32
          %dma_wait3A_244 = tpu.memref_slice %arg8[%add3A_209, %dma_wait3A_243] : memref<108x64xi32, #tpu.memory_space<vmem>> -> memref<1x64xi32, #tpu.memory_space<vmem>>
          %dma_wait3A_245 = tpu.memref_squeeze %dma_wait3A_244 : memref<1x64xi32, #tpu.memory_space<vmem>> -> memref<64xi32, #tpu.memory_space<vmem>>
          %dma_wait3A_246 = arith.constant 0 : i32
          %dma_wait3A_247 = arith.constant 0 : i32
          %dma_wait3A_248 = tpu.memref_slice %arg15[%dma_wait3A_246, %dma_wait3A_247] : memref<10000x128xf32, #tpu.memory_space<vmem_shared>> -> memref<10000x128xf32, #tpu.memory_space<vmem_shared>>
          tpu.wait_indirect_dma semaphore(%run_scoped3A_230 : memref<!tpu.dma_semaphore, #tpu.memory_space<semaphore_mem>>) src(%dma_wait3A_242 : memref<64x128xf32, #tpu.memory_space<vmem>>) dst(%dma_wait3A_248 : memref<10000x128xf32, #tpu.memory_space<vmem_shared>>)
          tpu.yield
        }) : () -> ()
        %add3A_219 = arith.constant 3 : i32
        %add3A_220 = arith.addi %add3A_209, %add3A_219 : i32
        %dma_start3A_221 = arith.constant 128 : i32
        %dma_start3A_222 = arith.constant 0 : i32
        %dma_start3A_223 = tpu.memref_slice %arg11[%dma_start3A_221, %dma_start3A_222] : memref<192x128xf32, #tpu.memory_space<vmem>> -> memref<64x128xf32, #tpu.memory_space<vmem>>
        %dma_start3A_224 = arith.constant 0 : i32
        %dma_start3A_225 = tpu.memref_slice %arg7[%add3A_220, %dma_start3A_224] : memref<108x64xi32, #tpu.memory_space<vmem>> -> memref<1x64xi32, #tpu.memory_space<vmem>>
        %dma_start3A_226 = tpu.memref_squeeze %dma_start3A_225 : memref<1x64xi32, #tpu.memory_space<vmem>> -> memref<64xi32, #tpu.memory_space<vmem>>
        %dma_start3A_227 = arith.constant 0 : i32
        %dma_start3A_228 = arith.constant 0 : i32
        %dma_start3A_229 = tpu.memref_slice %arg2[%dma_start3A_227, %dma_start3A_228] : memref<10240x128xf32, #tpu.memory_space<hbm>> -> memref<10240x128xf32, #tpu.memory_space<hbm>>
        tpu.enqueue_indirect_dma source(%dma_start3A_229 : memref<10240x128xf32, #tpu.memory_space<hbm>>) target(%dma_start3A_223 : memref<64x128xf32, #tpu.memory_space<vmem>>) offsets(%dma_start3A_226 : memref<64xi32, #tpu.memory_space<vmem>>) semaphore(%arg14 : memref<!tpu.dma_semaphore, #tpu.memory_space<semaphore_mem>>)
      }
      %scan3A_51 = arith.constant 35 : i32
      %dma_wait3A = arith.constant 105 : i32
      %dma_wait3A_52 = arith.constant 0 : i32
      %dma_wait3A_53 = arith.constant 0 : i32
      %dma_wait3A_54 = tpu.memref_slice %arg11[%dma_wait3A_52, %dma_wait3A_53] : memref<192x128xf32, #tpu.memory_space<vmem>> -> memref<64x128xf32, #tpu.memory_space<vmem>>
      %dma_wait3A_55 = arith.constant 0 : i32
      %dma_wait3A_56 = tpu.memref_slice %arg7[%dma_wait3A, %dma_wait3A_55] : memref<108x64xi32, #tpu.memory_space<vmem>> -> memref<1x64xi32, #tpu.memory_space<vmem>>
      %dma_wait3A_57 = tpu.memref_squeeze %dma_wait3A_56 : memref<1x64xi32, #tpu.memory_space<vmem>> -> memref<64xi32, #tpu.memory_space<vmem>>
      %dma_wait3A_58 = arith.constant 0 : i32
      %dma_wait3A_59 = arith.constant 0 : i32
      %dma_wait3A_60 = tpu.memref_slice %arg2[%dma_wait3A_58, %dma_wait3A_59] : memref<10240x128xf32, #tpu.memory_space<hbm>> -> memref<10240x128xf32, #tpu.memory_space<hbm>>
      tpu.wait_indirect_dma semaphore(%arg12 : memref<!tpu.dma_semaphore, #tpu.memory_space<semaphore_mem>>) src(%dma_wait3A_60 : memref<10240x128xf32, #tpu.memory_space<hbm>>) dst(%dma_wait3A_54 : memref<64x128xf32, #tpu.memory_space<vmem>>)
      %run_scoped3A_61 = arith.constant 105 : i32
      "tpu.region"() ({
        %run_scoped3A_157 = tpu.sem_alloc : memref<!tpu.dma_semaphore, #tpu.memory_space<semaphore_mem>>
        %dma_start3A_158 = arith.constant 0 : i32
        %dma_start3A_159 = arith.constant 0 : i32
        %dma_start3A_160 = tpu.memref_slice %arg11[%dma_start3A_158, %dma_start3A_159] : memref<192x128xf32, #tpu.memory_space<vmem>> -> memref<64x128xf32, #tpu.memory_space<vmem>>
        %dma_start3A_161 = arith.constant 0 : i32
        %dma_start3A_162 = tpu.memref_slice %arg8[%run_scoped3A_61, %dma_start3A_161] : memref<108x64xi32, #tpu.memory_space<vmem>> -> memref<1x64xi32, #tpu.memory_space<vmem>>
        %dma_start3A_163 = tpu.memref_squeeze %dma_start3A_162 : memref<1x64xi32, #tpu.memory_space<vmem>> -> memref<64xi32, #tpu.memory_space<vmem>>
        %dma_start3A_164 = arith.constant 0 : i32
        %dma_start3A_165 = arith.constant 0 : i32
        %dma_start3A_166 = tpu.memref_slice %arg15[%dma_start3A_164, %dma_start3A_165] : memref<10000x128xf32, #tpu.memory_space<vmem_shared>> -> memref<10000x128xf32, #tpu.memory_space<vmem_shared>>
        tpu.enqueue_indirect_dma source(%dma_start3A_160 : memref<64x128xf32, #tpu.memory_space<vmem>>) target(%dma_start3A_166 : memref<10000x128xf32, #tpu.memory_space<vmem_shared>>) offsets(%dma_start3A_163 : memref<64xi32, #tpu.memory_space<vmem>>) semaphore(%run_scoped3A_157 : memref<!tpu.dma_semaphore, #tpu.memory_space<semaphore_mem>>) {add = true}
        %dma_wait3A_167 = arith.constant 0 : i32
        %dma_wait3A_168 = arith.constant 0 : i32
        %dma_wait3A_169 = tpu.memref_slice %arg11[%dma_wait3A_167, %dma_wait3A_168] : memref<192x128xf32, #tpu.memory_space<vmem>> -> memref<64x128xf32, #tpu.memory_space<vmem>>
        %dma_wait3A_170 = arith.constant 0 : i32
        %dma_wait3A_171 = tpu.memref_slice %arg8[%run_scoped3A_61, %dma_wait3A_170] : memref<108x64xi32, #tpu.memory_space<vmem>> -> memref<1x64xi32, #tpu.memory_space<vmem>>
        %dma_wait3A_172 = tpu.memref_squeeze %dma_wait3A_171 : memref<1x64xi32, #tpu.memory_space<vmem>> -> memref<64xi32, #tpu.memory_space<vmem>>
        %dma_wait3A_173 = arith.constant 0 : i32
        %dma_wait3A_174 = arith.constant 0 : i32
        %dma_wait3A_175 = tpu.memref_slice %arg15[%dma_wait3A_173, %dma_wait3A_174] : memref<10000x128xf32, #tpu.memory_space<vmem_shared>> -> memref<10000x128xf32, #tpu.memory_space<vmem_shared>>
        tpu.wait_indirect_dma semaphore(%run_scoped3A_157 : memref<!tpu.dma_semaphore, #tpu.memory_space<semaphore_mem>>) src(%dma_wait3A_169 : memref<64x128xf32, #tpu.memory_space<vmem>>) dst(%dma_wait3A_175 : memref<10000x128xf32, #tpu.memory_space<vmem_shared>>)
        tpu.yield
      }) : () -> ()
      %dma_wait3A_62 = arith.constant 106 : i32
      %dma_wait3A_63 = arith.constant 64 : i32
      %dma_wait3A_64 = arith.constant 0 : i32
      %dma_wait3A_65 = tpu.memref_slice %arg11[%dma_wait3A_63, %dma_wait3A_64] : memref<192x128xf32, #tpu.memory_space<vmem>> -> memref<64x128xf32, #tpu.memory_space<vmem>>
      %dma_wait3A_66 = arith.constant 0 : i32
      %dma_wait3A_67 = tpu.memref_slice %arg7[%dma_wait3A_62, %dma_wait3A_66] : memref<108x64xi32, #tpu.memory_space<vmem>> -> memref<1x64xi32, #tpu.memory_space<vmem>>
      %dma_wait3A_68 = tpu.memref_squeeze %dma_wait3A_67 : memref<1x64xi32, #tpu.memory_space<vmem>> -> memref<64xi32, #tpu.memory_space<vmem>>
      %dma_wait3A_69 = arith.constant 0 : i32
      %dma_wait3A_70 = arith.constant 0 : i32
      %dma_wait3A_71 = tpu.memref_slice %arg2[%dma_wait3A_69, %dma_wait3A_70] : memref<10240x128xf32, #tpu.memory_space<hbm>> -> memref<10240x128xf32, #tpu.memory_space<hbm>>
      tpu.wait_indirect_dma semaphore(%arg13 : memref<!tpu.dma_semaphore, #tpu.memory_space<semaphore_mem>>) src(%dma_wait3A_71 : memref<10240x128xf32, #tpu.memory_space<hbm>>) dst(%dma_wait3A_65 : memref<64x128xf32, #tpu.memory_space<vmem>>)
      %run_scoped3A_72 = arith.constant 106 : i32
      "tpu.region"() ({
        %run_scoped3A_157 = tpu.sem_alloc : memref<!tpu.dma_semaphore, #tpu.memory_space<semaphore_mem>>
        %dma_start3A_158 = arith.constant 64 : i32
        %dma_start3A_159 = arith.constant 0 : i32
        %dma_start3A_160 = tpu.memref_slice %arg11[%dma_start3A_158, %dma_start3A_159] : memref<192x128xf32, #tpu.memory_space<vmem>> -> memref<64x128xf32, #tpu.memory_space<vmem>>
        %dma_start3A_161 = arith.constant 0 : i32
        %dma_start3A_162 = tpu.memref_slice %arg8[%run_scoped3A_72, %dma_start3A_161] : memref<108x64xi32, #tpu.memory_space<vmem>> -> memref<1x64xi32, #tpu.memory_space<vmem>>
        %dma_start3A_163 = tpu.memref_squeeze %dma_start3A_162 : memref<1x64xi32, #tpu.memory_space<vmem>> -> memref<64xi32, #tpu.memory_space<vmem>>
        %dma_start3A_164 = arith.constant 0 : i32
        %dma_start3A_165 = arith.constant 0 : i32
        %dma_start3A_166 = tpu.memref_slice %arg15[%dma_start3A_164, %dma_start3A_165] : memref<10000x128xf32, #tpu.memory_space<vmem_shared>> -> memref<10000x128xf32, #tpu.memory_space<vmem_shared>>
        tpu.enqueue_indirect_dma source(%dma_start3A_160 : memref<64x128xf32, #tpu.memory_space<vmem>>) target(%dma_start3A_166 : memref<10000x128xf32, #tpu.memory_space<vmem_shared>>) offsets(%dma_start3A_163 : memref<64xi32, #tpu.memory_space<vmem>>) semaphore(%run_scoped3A_157 : memref<!tpu.dma_semaphore, #tpu.memory_space<semaphore_mem>>) {add = true}
        %dma_wait3A_167 = arith.constant 64 : i32
        %dma_wait3A_168 = arith.constant 0 : i32
        %dma_wait3A_169 = tpu.memref_slice %arg11[%dma_wait3A_167, %dma_wait3A_168] : memref<192x128xf32, #tpu.memory_space<vmem>> -> memref<64x128xf32, #tpu.memory_space<vmem>>
        %dma_wait3A_170 = arith.constant 0 : i32
        %dma_wait3A_171 = tpu.memref_slice %arg8[%run_scoped3A_72, %dma_wait3A_170] : memref<108x64xi32, #tpu.memory_space<vmem>> -> memref<1x64xi32, #tpu.memory_space<vmem>>
        %dma_wait3A_172 = tpu.memref_squeeze %dma_wait3A_171 : memref<1x64xi32, #tpu.memory_space<vmem>> -> memref<64xi32, #tpu.memory_space<vmem>>
        %dma_wait3A_173 = arith.constant 0 : i32
        %dma_wait3A_174 = arith.constant 0 : i32
        %dma_wait3A_175 = tpu.memref_slice %arg15[%dma_wait3A_173, %dma_wait3A_174] : memref<10000x128xf32, #tpu.memory_space<vmem_shared>> -> memref<10000x128xf32, #tpu.memory_space<vmem_shared>>
        tpu.wait_indirect_dma semaphore(%run_scoped3A_157 : memref<!tpu.dma_semaphore, #tpu.memory_space<semaphore_mem>>) src(%dma_wait3A_169 : memref<64x128xf32, #tpu.memory_space<vmem>>) dst(%dma_wait3A_175 : memref<10000x128xf32, #tpu.memory_space<vmem_shared>>)
        tpu.yield
      }) : () -> ()
      %dma_wait3A_73 = arith.constant 107 : i32
      %dma_wait3A_74 = arith.constant 128 : i32
      %dma_wait3A_75 = arith.constant 0 : i32
      %dma_wait3A_76 = tpu.memref_slice %arg11[%dma_wait3A_74, %dma_wait3A_75] : memref<192x128xf32, #tpu.memory_space<vmem>> -> memref<64x128xf32, #tpu.memory_space<vmem>>
      %dma_wait3A_77 = arith.constant 0 : i32
      %dma_wait3A_78 = tpu.memref_slice %arg7[%dma_wait3A_73, %dma_wait3A_77] : memref<108x64xi32, #tpu.memory_space<vmem>> -> memref<1x64xi32, #tpu.memory_space<vmem>>
      %dma_wait3A_79 = tpu.memref_squeeze %dma_wait3A_78 : memref<1x64xi32, #tpu.memory_space<vmem>> -> memref<64xi32, #tpu.memory_space<vmem>>
      %dma_wait3A_80 = arith.constant 0 : i32
      %dma_wait3A_81 = arith.constant 0 : i32
      %dma_wait3A_82 = tpu.memref_slice %arg2[%dma_wait3A_80, %dma_wait3A_81] : memref<10240x128xf32, #tpu.memory_space<hbm>> -> memref<10240x128xf32, #tpu.memory_space<hbm>>
      tpu.wait_indirect_dma semaphore(%arg14 : memref<!tpu.dma_semaphore, #tpu.memory_space<semaphore_mem>>) src(%dma_wait3A_82 : memref<10240x128xf32, #tpu.memory_space<hbm>>) dst(%dma_wait3A_76 : memref<64x128xf32, #tpu.memory_space<vmem>>)
      %run_scoped3A_83 = arith.constant 107 : i32
      "tpu.region"() ({
        %run_scoped3A_157 = tpu.sem_alloc : memref<!tpu.dma_semaphore, #tpu.memory_space<semaphore_mem>>
        %dma_start3A_158 = arith.constant 128 : i32
        %dma_start3A_159 = arith.constant 0 : i32
        %dma_start3A_160 = tpu.memref_slice %arg11[%dma_start3A_158, %dma_start3A_159] : memref<192x128xf32, #tpu.memory_space<vmem>> -> memref<64x128xf32, #tpu.memory_space<vmem>>
        %dma_start3A_161 = arith.constant 0 : i32
        %dma_start3A_162 = tpu.memref_slice %arg8[%run_scoped3A_83, %dma_start3A_161] : memref<108x64xi32, #tpu.memory_space<vmem>> -> memref<1x64xi32, #tpu.memory_space<vmem>>
        %dma_start3A_163 = tpu.memref_squeeze %dma_start3A_162 : memref<1x64xi32, #tpu.memory_space<vmem>> -> memref<64xi32, #tpu.memory_space<vmem>>
        %dma_start3A_164 = arith.constant 0 : i32
        %dma_start3A_165 = arith.constant 0 : i32
        %dma_start3A_166 = tpu.memref_slice %arg15[%dma_start3A_164, %dma_start3A_165] : memref<10000x128xf32, #tpu.memory_space<vmem_shared>> -> memref<10000x128xf32, #tpu.memory_space<vmem_shared>>
        tpu.enqueue_indirect_dma source(%dma_start3A_160 : memref<64x128xf32, #tpu.memory_space<vmem>>) target(%dma_start3A_166 : memref<10000x128xf32, #tpu.memory_space<vmem_shared>>) offsets(%dma_start3A_163 : memref<64xi32, #tpu.memory_space<vmem>>) semaphore(%run_scoped3A_157 : memref<!tpu.dma_semaphore, #tpu.memory_space<semaphore_mem>>) {add = true}
        %dma_wait3A_167 = arith.constant 128 : i32
        %dma_wait3A_168 = arith.constant 0 : i32
        %dma_wait3A_169 = tpu.memref_slice %arg11[%dma_wait3A_167, %dma_wait3A_168] : memref<192x128xf32, #tpu.memory_space<vmem>> -> memref<64x128xf32, #tpu.memory_space<vmem>>
        %dma_wait3A_170 = arith.constant 0 : i32
        %dma_wait3A_171 = tpu.memref_slice %arg8[%run_scoped3A_83, %dma_wait3A_170] : memref<108x64xi32, #tpu.memory_space<vmem>> -> memref<1x64xi32, #tpu.memory_space<vmem>>
        %dma_wait3A_172 = tpu.memref_squeeze %dma_wait3A_171 : memref<1x64xi32, #tpu.memory_space<vmem>> -> memref<64xi32, #tpu.memory_space<vmem>>
        %dma_wait3A_173 = arith.constant 0 : i32
        %dma_wait3A_174 = arith.constant 0 : i32
        %dma_wait3A_175 = tpu.memref_slice %arg15[%dma_wait3A_173, %dma_wait3A_174] : memref<10000x128xf32, #tpu.memory_space<vmem_shared>> -> memref<10000x128xf32, #tpu.memory_space<vmem_shared>>
        tpu.wait_indirect_dma semaphore(%run_scoped3A_157 : memref<!tpu.dma_semaphore, #tpu.memory_space<semaphore_mem>>) src(%dma_wait3A_169 : memref<64x128xf32, #tpu.memory_space<vmem>>) dst(%dma_wait3A_175 : memref<10000x128xf32, #tpu.memory_space<vmem_shared>>)
        tpu.yield
      }) : () -> ()
      %run_scoped3A_84 = arith.constant 1 : i32
      %run_scoped3A_85 = arith.constant 0 : i32
      "tpu.region"() ({
        %run_scoped3A_157 = tpu.sem_alloc : memref<!tpu.dma_semaphore, #tpu.memory_space<semaphore_mem>>
        %dma_start3A_158 = arith.constant 0 : i32
        %dma_start3A_159 = arith.constant 0 : i32
        %dma_start3A_160 = tpu.memref_slice %arg3[%arg1, %run_scoped3A_84, %run_scoped3A_85, %dma_start3A_158, %dma_start3A_159] : memref<16x2x2x108x64xi32, #tpu.memory_space<hbm>> -> memref<1x1x1x108x64xi32, #tpu.memory_space<hbm>>
        %dma_start3A_161 = tpu.memref_squeeze %dma_start3A_160 : memref<1x1x1x108x64xi32, #tpu.memory_space<hbm>> -> memref<108x64xi32, #tpu.memory_space<hbm>>
        %dma_start3A_162 = arith.constant 0 : i32
        %dma_start3A_163 = arith.constant 0 : i32
        %dma_start3A_164 = tpu.memref_slice %arg3[%arg1, %run_scoped3A_84, %run_scoped3A_85, %dma_start3A_162, %dma_start3A_163] : memref<16x2x2x108x64xi32, #tpu.memory_space<hbm>> -> memref<1x1x1x108x64xi32, #tpu.memory_space<hbm>>
        %dma_start3A_165 = tpu.memref_squeeze %dma_start3A_164 : memref<1x1x1x108x64xi32, #tpu.memory_space<hbm>> -> memref<108x64xi32, #tpu.memory_space<hbm>>
        tpu.enqueue_dma source(%dma_start3A_165 : memref<108x64xi32, #tpu.memory_space<hbm>>) target(%arg7 : memref<108x64xi32, #tpu.memory_space<vmem>>) target_semaphore(%run_scoped3A_157 : memref<!tpu.dma_semaphore, #tpu.memory_space<semaphore_mem>>)
        %dma_wait3A_166 = arith.constant 0 : i32
        %dma_wait3A_167 = arith.constant 0 : i32
        %dma_wait3A_168 = tpu.memref_slice %arg3[%arg1, %run_scoped3A_84, %run_scoped3A_85, %dma_wait3A_166, %dma_wait3A_167] : memref<16x2x2x108x64xi32, #tpu.memory_space<hbm>> -> memref<1x1x1x108x64xi32, #tpu.memory_space<hbm>>
        %dma_wait3A_169 = tpu.memref_squeeze %dma_wait3A_168 : memref<1x1x1x108x64xi32, #tpu.memory_space<hbm>> -> memref<108x64xi32, #tpu.memory_space<hbm>>
        %dma_wait3A_170 = arith.constant 0 : i32
        %dma_wait3A_171 = arith.constant 0 : i32
        %dma_wait3A_172 = tpu.memref_slice %arg3[%arg1, %run_scoped3A_84, %run_scoped3A_85, %dma_wait3A_170, %dma_wait3A_171] : memref<16x2x2x108x64xi32, #tpu.memory_space<hbm>> -> memref<1x1x1x108x64xi32, #tpu.memory_space<hbm>>
        %dma_wait3A_173 = tpu.memref_squeeze %dma_wait3A_172 : memref<1x1x1x108x64xi32, #tpu.memory_space<hbm>> -> memref<108x64xi32, #tpu.memory_space<hbm>>
        tpu.wait_dma2 semaphore(%run_scoped3A_157 : memref<!tpu.dma_semaphore, #tpu.memory_space<semaphore_mem>>) src(%dma_wait3A_173 : memref<108x64xi32, #tpu.memory_space<hbm>>) dst(%arg7 : memref<108x64xi32, #tpu.memory_space<vmem>>)
        tpu.yield
      }) : () -> ()
      %run_scoped3A_86 = arith.constant 1 : i32
      %run_scoped3A_87 = arith.constant 1 : i32
      "tpu.region"() ({
        %run_scoped3A_157 = tpu.sem_alloc : memref<!tpu.dma_semaphore, #tpu.memory_space<semaphore_mem>>
        %dma_start3A_158 = arith.constant 0 : i32
        %dma_start3A_159 = arith.constant 0 : i32
        %dma_start3A_160 = tpu.memref_slice %arg3[%arg1, %run_scoped3A_86, %run_scoped3A_87, %dma_start3A_158, %dma_start3A_159] : memref<16x2x2x108x64xi32, #tpu.memory_space<hbm>> -> memref<1x1x1x108x64xi32, #tpu.memory_space<hbm>>
        %dma_start3A_161 = tpu.memref_squeeze %dma_start3A_160 : memref<1x1x1x108x64xi32, #tpu.memory_space<hbm>> -> memref<108x64xi32, #tpu.memory_space<hbm>>
        %dma_start3A_162 = arith.constant 0 : i32
        %dma_start3A_163 = arith.constant 0 : i32
        %dma_start3A_164 = tpu.memref_slice %arg3[%arg1, %run_scoped3A_86, %run_scoped3A_87, %dma_start3A_162, %dma_start3A_163] : memref<16x2x2x108x64xi32, #tpu.memory_space<hbm>> -> memref<1x1x1x108x64xi32, #tpu.memory_space<hbm>>
        %dma_start3A_165 = tpu.memref_squeeze %dma_start3A_164 : memref<1x1x1x108x64xi32, #tpu.memory_space<hbm>> -> memref<108x64xi32, #tpu.memory_space<hbm>>
        tpu.enqueue_dma source(%dma_start3A_165 : memref<108x64xi32, #tpu.memory_space<hbm>>) target(%arg8 : memref<108x64xi32, #tpu.memory_space<vmem>>) target_semaphore(%run_scoped3A_157 : memref<!tpu.dma_semaphore, #tpu.memory_space<semaphore_mem>>)
        %dma_wait3A_166 = arith.constant 0 : i32
        %dma_wait3A_167 = arith.constant 0 : i32
        %dma_wait3A_168 = tpu.memref_slice %arg3[%arg1, %run_scoped3A_86, %run_scoped3A_87, %dma_wait3A_166, %dma_wait3A_167] : memref<16x2x2x108x64xi32, #tpu.memory_space<hbm>> -> memref<1x1x1x108x64xi32, #tpu.memory_space<hbm>>
        %dma_wait3A_169 = tpu.memref_squeeze %dma_wait3A_168 : memref<1x1x1x108x64xi32, #tpu.memory_space<hbm>> -> memref<108x64xi32, #tpu.memory_space<hbm>>
        %dma_wait3A_170 = arith.constant 0 : i32
        %dma_wait3A_171 = arith.constant 0 : i32
        %dma_wait3A_172 = tpu.memref_slice %arg3[%arg1, %run_scoped3A_86, %run_scoped3A_87, %dma_wait3A_170, %dma_wait3A_171] : memref<16x2x2x108x64xi32, #tpu.memory_space<hbm>> -> memref<1x1x1x108x64xi32, #tpu.memory_space<hbm>>
        %dma_wait3A_173 = tpu.memref_squeeze %dma_wait3A_172 : memref<1x1x1x108x64xi32, #tpu.memory_space<hbm>> -> memref<108x64xi32, #tpu.memory_space<hbm>>
        tpu.wait_dma2 semaphore(%run_scoped3A_157 : memref<!tpu.dma_semaphore, #tpu.memory_space<semaphore_mem>>) src(%dma_wait3A_173 : memref<108x64xi32, #tpu.memory_space<hbm>>) dst(%arg8 : memref<108x64xi32, #tpu.memory_space<vmem>>)
        tpu.yield
      }) : () -> ()
      %dma_start3A_88 = arith.constant 0 : i32
      %dma_start3A_89 = arith.constant 0 : i32
      %dma_start3A_90 = arith.constant 0 : i32
      %dma_start3A_91 = tpu.memref_slice %arg11[%dma_start3A_89, %dma_start3A_90] : memref<192x128xf32, #tpu.memory_space<vmem>> -> memref<64x128xf32, #tpu.memory_space<vmem>>
      %dma_start3A_92 = arith.constant 0 : i32
      %dma_start3A_93 = tpu.memref_slice %arg7[%dma_start3A_88, %dma_start3A_92] : memref<108x64xi32, #tpu.memory_space<vmem>> -> memref<1x64xi32, #tpu.memory_space<vmem>>
      %dma_start3A_94 = tpu.memref_squeeze %dma_start3A_93 : memref<1x64xi32, #tpu.memory_space<vmem>> -> memref<64xi32, #tpu.memory_space<vmem>>
      %dma_start3A_95 = arith.constant 0 : i32
      %dma_start3A_96 = arith.constant 0 : i32
      %dma_start3A_97 = tpu.memref_slice %arg2[%dma_start3A_95, %dma_start3A_96] : memref<10240x128xf32, #tpu.memory_space<hbm>> -> memref<10240x128xf32, #tpu.memory_space<hbm>>
      tpu.enqueue_indirect_dma source(%dma_start3A_97 : memref<10240x128xf32, #tpu.memory_space<hbm>>) target(%dma_start3A_91 : memref<64x128xf32, #tpu.memory_space<vmem>>) offsets(%dma_start3A_94 : memref<64xi32, #tpu.memory_space<vmem>>) semaphore(%arg12 : memref<!tpu.dma_semaphore, #tpu.memory_space<semaphore_mem>>)
      %dma_start3A_98 = arith.constant 1 : i32
      %dma_start3A_99 = arith.constant 64 : i32
      %dma_start3A_100 = arith.constant 0 : i32
      %dma_start3A_101 = tpu.memref_slice %arg11[%dma_start3A_99, %dma_start3A_100] : memref<192x128xf32, #tpu.memory_space<vmem>> -> memref<64x128xf32, #tpu.memory_space<vmem>>
      %dma_start3A_102 = arith.constant 0 : i32
      %dma_start3A_103 = tpu.memref_slice %arg7[%dma_start3A_98, %dma_start3A_102] : memref<108x64xi32, #tpu.memory_space<vmem>> -> memref<1x64xi32, #tpu.memory_space<vmem>>
      %dma_start3A_104 = tpu.memref_squeeze %dma_start3A_103 : memref<1x64xi32, #tpu.memory_space<vmem>> -> memref<64xi32, #tpu.memory_space<vmem>>
      %dma_start3A_105 = arith.constant 0 : i32
      %dma_start3A_106 = arith.constant 0 : i32
      %dma_start3A_107 = tpu.memref_slice %arg2[%dma_start3A_105, %dma_start3A_106] : memref<10240x128xf32, #tpu.memory_space<hbm>> -> memref<10240x128xf32, #tpu.memory_space<hbm>>
      tpu.enqueue_indirect_dma source(%dma_start3A_107 : memref<10240x128xf32, #tpu.memory_space<hbm>>) target(%dma_start3A_101 : memref<64x128xf32, #tpu.memory_space<vmem>>) offsets(%dma_start3A_104 : memref<64xi32, #tpu.memory_space<vmem>>) semaphore(%arg13 : memref<!tpu.dma_semaphore, #tpu.memory_space<semaphore_mem>>)
      %dma_start3A_108 = arith.constant 2 : i32
      %dma_start3A_109 = arith.constant 128 : i32
      %dma_start3A_110 = arith.constant 0 : i32
      %dma_start3A_111 = tpu.memref_slice %arg11[%dma_start3A_109, %dma_start3A_110] : memref<192x128xf32, #tpu.memory_space<vmem>> -> memref<64x128xf32, #tpu.memory_space<vmem>>
      %dma_start3A_112 = arith.constant 0 : i32
      %dma_start3A_113 = tpu.memref_slice %arg7[%dma_start3A_108, %dma_start3A_112] : memref<108x64xi32, #tpu.memory_space<vmem>> -> memref<1x64xi32, #tpu.memory_space<vmem>>
      %dma_start3A_114 = tpu.memref_squeeze %dma_start3A_113 : memref<1x64xi32, #tpu.memory_space<vmem>> -> memref<64xi32, #tpu.memory_space<vmem>>
      %dma_start3A_115 = arith.constant 0 : i32
      %dma_start3A_116 = arith.constant 0 : i32
      %dma_start3A_117 = tpu.memref_slice %arg2[%dma_start3A_115, %dma_start3A_116] : memref<10240x128xf32, #tpu.memory_space<hbm>> -> memref<10240x128xf32, #tpu.memory_space<hbm>>
      tpu.enqueue_indirect_dma source(%dma_start3A_117 : memref<10240x128xf32, #tpu.memory_space<hbm>>) target(%dma_start3A_111 : memref<64x128xf32, #tpu.memory_space<vmem>>) offsets(%dma_start3A_114 : memref<64xi32, #tpu.memory_space<vmem>>) semaphore(%arg14 : memref<!tpu.dma_semaphore, #tpu.memory_space<semaphore_mem>>)
      %scan3A_118 = arith.constant 0 : i32
      %scan3A_119 = arith.constant 0 : i32
      %scan3A_120 = arith.constant 35 : i32
      %scan3A_121 = arith.addi %scan3A_119, %scan3A_120 : i32
      %scan3A_122 = arith.constant 1 : i32
      scf.for %scan3A_157 = %scan3A_119 to %scan3A_121 step %scan3A_122  : i32 {
        %mul3A_158 = arith.constant 3 : i32
        %mul3A_159 = arith.muli %scan3A_157, %mul3A_158 : i32
        %add3A_160 = arith.constant 0 : i32
        %add3A_161 = arith.addi %mul3A_159, %add3A_160 : i32
        %dma_wait3A_162 = arith.constant 0 : i32
        %dma_wait3A_163 = arith.constant 0 : i32
        %dma_wait3A_164 = tpu.memref_slice %arg11[%dma_wait3A_162, %dma_wait3A_163] : memref<192x128xf32, #tpu.memory_space<vmem>> -> memref<64x128xf32, #tpu.memory_space<vmem>>
        %dma_wait3A_165 = arith.constant 0 : i32
        %dma_wait3A_166 = tpu.memref_slice %arg7[%add3A_161, %dma_wait3A_165] : memref<108x64xi32, #tpu.memory_space<vmem>> -> memref<1x64xi32, #tpu.memory_space<vmem>>
        %dma_wait3A_167 = tpu.memref_squeeze %dma_wait3A_166 : memref<1x64xi32, #tpu.memory_space<vmem>> -> memref<64xi32, #tpu.memory_space<vmem>>
        %dma_wait3A_168 = arith.constant 0 : i32
        %dma_wait3A_169 = arith.constant 0 : i32
        %dma_wait3A_170 = tpu.memref_slice %arg2[%dma_wait3A_168, %dma_wait3A_169] : memref<10240x128xf32, #tpu.memory_space<hbm>> -> memref<10240x128xf32, #tpu.memory_space<hbm>>
        tpu.wait_indirect_dma semaphore(%arg12 : memref<!tpu.dma_semaphore, #tpu.memory_space<semaphore_mem>>) src(%dma_wait3A_170 : memref<10240x128xf32, #tpu.memory_space<hbm>>) dst(%dma_wait3A_164 : memref<64x128xf32, #tpu.memory_space<vmem>>)
        "tpu.region"() ({
          %run_scoped3A_230 = tpu.sem_alloc : memref<!tpu.dma_semaphore, #tpu.memory_space<semaphore_mem>>
          %dma_start3A_231 = arith.constant 0 : i32
          %dma_start3A_232 = arith.constant 0 : i32
          %dma_start3A_233 = tpu.memref_slice %arg11[%dma_start3A_231, %dma_start3A_232] : memref<192x128xf32, #tpu.memory_space<vmem>> -> memref<64x128xf32, #tpu.memory_space<vmem>>
          %dma_start3A_234 = arith.constant 0 : i32
          %dma_start3A_235 = tpu.memref_slice %arg8[%add3A_161, %dma_start3A_234] : memref<108x64xi32, #tpu.memory_space<vmem>> -> memref<1x64xi32, #tpu.memory_space<vmem>>
          %dma_start3A_236 = tpu.memref_squeeze %dma_start3A_235 : memref<1x64xi32, #tpu.memory_space<vmem>> -> memref<64xi32, #tpu.memory_space<vmem>>
          %dma_start3A_237 = arith.constant 0 : i32
          %dma_start3A_238 = arith.constant 0 : i32
          %dma_start3A_239 = tpu.memref_slice %arg15[%dma_start3A_237, %dma_start3A_238] : memref<10000x128xf32, #tpu.memory_space<vmem_shared>> -> memref<10000x128xf32, #tpu.memory_space<vmem_shared>>
          tpu.enqueue_indirect_dma source(%dma_start3A_233 : memref<64x128xf32, #tpu.memory_space<vmem>>) target(%dma_start3A_239 : memref<10000x128xf32, #tpu.memory_space<vmem_shared>>) offsets(%dma_start3A_236 : memref<64xi32, #tpu.memory_space<vmem>>) semaphore(%run_scoped3A_230 : memref<!tpu.dma_semaphore, #tpu.memory_space<semaphore_mem>>) {add = true}
          %dma_wait3A_240 = arith.constant 0 : i32
          %dma_wait3A_241 = arith.constant 0 : i32
          %dma_wait3A_242 = tpu.memref_slice %arg11[%dma_wait3A_240, %dma_wait3A_241] : memref<192x128xf32, #tpu.memory_space<vmem>> -> memref<64x128xf32, #tpu.memory_space<vmem>>
          %dma_wait3A_243 = arith.constant 0 : i32
          %dma_wait3A_244 = tpu.memref_slice %arg8[%add3A_161, %dma_wait3A_243] : memref<108x64xi32, #tpu.memory_space<vmem>> -> memref<1x64xi32, #tpu.memory_space<vmem>>
          %dma_wait3A_245 = tpu.memref_squeeze %dma_wait3A_244 : memref<1x64xi32, #tpu.memory_space<vmem>> -> memref<64xi32, #tpu.memory_space<vmem>>
          %dma_wait3A_246 = arith.constant 0 : i32
          %dma_wait3A_247 = arith.constant 0 : i32
          %dma_wait3A_248 = tpu.memref_slice %arg15[%dma_wait3A_246, %dma_wait3A_247] : memref<10000x128xf32, #tpu.memory_space<vmem_shared>> -> memref<10000x128xf32, #tpu.memory_space<vmem_shared>>
          tpu.wait_indirect_dma semaphore(%run_scoped3A_230 : memref<!tpu.dma_semaphore, #tpu.memory_space<semaphore_mem>>) src(%dma_wait3A_242 : memref<64x128xf32, #tpu.memory_space<vmem>>) dst(%dma_wait3A_248 : memref<10000x128xf32, #tpu.memory_space<vmem_shared>>)
          tpu.yield
        }) : () -> ()
        %add3A_171 = arith.constant 3 : i32
        %add3A_172 = arith.addi %add3A_161, %add3A_171 : i32
        %dma_start3A_173 = arith.constant 0 : i32
        %dma_start3A_174 = arith.constant 0 : i32
        %dma_start3A_175 = tpu.memref_slice %arg11[%dma_start3A_173, %dma_start3A_174] : memref<192x128xf32, #tpu.memory_space<vmem>> -> memref<64x128xf32, #tpu.memory_space<vmem>>
        %dma_start3A_176 = arith.constant 0 : i32
        %dma_start3A_177 = tpu.memref_slice %arg7[%add3A_172, %dma_start3A_176] : memref<108x64xi32, #tpu.memory_space<vmem>> -> memref<1x64xi32, #tpu.memory_space<vmem>>
        %dma_start3A_178 = tpu.memref_squeeze %dma_start3A_177 : memref<1x64xi32, #tpu.memory_space<vmem>> -> memref<64xi32, #tpu.memory_space<vmem>>
        %dma_start3A_179 = arith.constant 0 : i32
        %dma_start3A_180 = arith.constant 0 : i32
        %dma_start3A_181 = tpu.memref_slice %arg2[%dma_start3A_179, %dma_start3A_180] : memref<10240x128xf32, #tpu.memory_space<hbm>> -> memref<10240x128xf32, #tpu.memory_space<hbm>>
        tpu.enqueue_indirect_dma source(%dma_start3A_181 : memref<10240x128xf32, #tpu.memory_space<hbm>>) target(%dma_start3A_175 : memref<64x128xf32, #tpu.memory_space<vmem>>) offsets(%dma_start3A_178 : memref<64xi32, #tpu.memory_space<vmem>>) semaphore(%arg12 : memref<!tpu.dma_semaphore, #tpu.memory_space<semaphore_mem>>)
        %mul3A_182 = arith.constant 3 : i32
        %mul3A_183 = arith.muli %scan3A_157, %mul3A_182 : i32
        %add3A_184 = arith.constant 1 : i32
        %add3A_185 = arith.addi %mul3A_183, %add3A_184 : i32
        %dma_wait3A_186 = arith.constant 64 : i32
        %dma_wait3A_187 = arith.constant 0 : i32
        %dma_wait3A_188 = tpu.memref_slice %arg11[%dma_wait3A_186, %dma_wait3A_187] : memref<192x128xf32, #tpu.memory_space<vmem>> -> memref<64x128xf32, #tpu.memory_space<vmem>>
        %dma_wait3A_189 = arith.constant 0 : i32
        %dma_wait3A_190 = tpu.memref_slice %arg7[%add3A_185, %dma_wait3A_189] : memref<108x64xi32, #tpu.memory_space<vmem>> -> memref<1x64xi32, #tpu.memory_space<vmem>>
        %dma_wait3A_191 = tpu.memref_squeeze %dma_wait3A_190 : memref<1x64xi32, #tpu.memory_space<vmem>> -> memref<64xi32, #tpu.memory_space<vmem>>
        %dma_wait3A_192 = arith.constant 0 : i32
        %dma_wait3A_193 = arith.constant 0 : i32
        %dma_wait3A_194 = tpu.memref_slice %arg2[%dma_wait3A_192, %dma_wait3A_193] : memref<10240x128xf32, #tpu.memory_space<hbm>> -> memref<10240x128xf32, #tpu.memory_space<hbm>>
        tpu.wait_indirect_dma semaphore(%arg13 : memref<!tpu.dma_semaphore, #tpu.memory_space<semaphore_mem>>) src(%dma_wait3A_194 : memref<10240x128xf32, #tpu.memory_space<hbm>>) dst(%dma_wait3A_188 : memref<64x128xf32, #tpu.memory_space<vmem>>)
        "tpu.region"() ({
          %run_scoped3A_230 = tpu.sem_alloc : memref<!tpu.dma_semaphore, #tpu.memory_space<semaphore_mem>>
          %dma_start3A_231 = arith.constant 64 : i32
          %dma_start3A_232 = arith.constant 0 : i32
          %dma_start3A_233 = tpu.memref_slice %arg11[%dma_start3A_231, %dma_start3A_232] : memref<192x128xf32, #tpu.memory_space<vmem>> -> memref<64x128xf32, #tpu.memory_space<vmem>>
          %dma_start3A_234 = arith.constant 0 : i32
          %dma_start3A_235 = tpu.memref_slice %arg8[%add3A_185, %dma_start3A_234] : memref<108x64xi32, #tpu.memory_space<vmem>> -> memref<1x64xi32, #tpu.memory_space<vmem>>
          %dma_start3A_236 = tpu.memref_squeeze %dma_start3A_235 : memref<1x64xi32, #tpu.memory_space<vmem>> -> memref<64xi32, #tpu.memory_space<vmem>>
          %dma_start3A_237 = arith.constant 0 : i32
          %dma_start3A_238 = arith.constant 0 : i32
          %dma_start3A_239 = tpu.memref_slice %arg15[%dma_start3A_237, %dma_start3A_238] : memref<10000x128xf32, #tpu.memory_space<vmem_shared>> -> memref<10000x128xf32, #tpu.memory_space<vmem_shared>>
          tpu.enqueue_indirect_dma source(%dma_start3A_233 : memref<64x128xf32, #tpu.memory_space<vmem>>) target(%dma_start3A_239 : memref<10000x128xf32, #tpu.memory_space<vmem_shared>>) offsets(%dma_start3A_236 : memref<64xi32, #tpu.memory_space<vmem>>) semaphore(%run_scoped3A_230 : memref<!tpu.dma_semaphore, #tpu.memory_space<semaphore_mem>>) {add = true}
          %dma_wait3A_240 = arith.constant 64 : i32
          %dma_wait3A_241 = arith.constant 0 : i32
          %dma_wait3A_242 = tpu.memref_slice %arg11[%dma_wait3A_240, %dma_wait3A_241] : memref<192x128xf32, #tpu.memory_space<vmem>> -> memref<64x128xf32, #tpu.memory_space<vmem>>
          %dma_wait3A_243 = arith.constant 0 : i32
          %dma_wait3A_244 = tpu.memref_slice %arg8[%add3A_185, %dma_wait3A_243] : memref<108x64xi32, #tpu.memory_space<vmem>> -> memref<1x64xi32, #tpu.memory_space<vmem>>
          %dma_wait3A_245 = tpu.memref_squeeze %dma_wait3A_244 : memref<1x64xi32, #tpu.memory_space<vmem>> -> memref<64xi32, #tpu.memory_space<vmem>>
          %dma_wait3A_246 = arith.constant 0 : i32
          %dma_wait3A_247 = arith.constant 0 : i32
          %dma_wait3A_248 = tpu.memref_slice %arg15[%dma_wait3A_246, %dma_wait3A_247] : memref<10000x128xf32, #tpu.memory_space<vmem_shared>> -> memref<10000x128xf32, #tpu.memory_space<vmem_shared>>
          tpu.wait_indirect_dma semaphore(%run_scoped3A_230 : memref<!tpu.dma_semaphore, #tpu.memory_space<semaphore_mem>>) src(%dma_wait3A_242 : memref<64x128xf32, #tpu.memory_space<vmem>>) dst(%dma_wait3A_248 : memref<10000x128xf32, #tpu.memory_space<vmem_shared>>)
          tpu.yield
        }) : () -> ()
        %add3A_195 = arith.constant 3 : i32
        %add3A_196 = arith.addi %add3A_185, %add3A_195 : i32
        %dma_start3A_197 = arith.constant 64 : i32
        %dma_start3A_198 = arith.constant 0 : i32
        %dma_start3A_199 = tpu.memref_slice %arg11[%dma_start3A_197, %dma_start3A_198] : memref<192x128xf32, #tpu.memory_space<vmem>> -> memref<64x128xf32, #tpu.memory_space<vmem>>
        %dma_start3A_200 = arith.constant 0 : i32
        %dma_start3A_201 = tpu.memref_slice %arg7[%add3A_196, %dma_start3A_200] : memref<108x64xi32, #tpu.memory_space<vmem>> -> memref<1x64xi32, #tpu.memory_space<vmem>>
        %dma_start3A_202 = tpu.memref_squeeze %dma_start3A_201 : memref<1x64xi32, #tpu.memory_space<vmem>> -> memref<64xi32, #tpu.memory_space<vmem>>
        %dma_start3A_203 = arith.constant 0 : i32
        %dma_start3A_204 = arith.constant 0 : i32
        %dma_start3A_205 = tpu.memref_slice %arg2[%dma_start3A_203, %dma_start3A_204] : memref<10240x128xf32, #tpu.memory_space<hbm>> -> memref<10240x128xf32, #tpu.memory_space<hbm>>
        tpu.enqueue_indirect_dma source(%dma_start3A_205 : memref<10240x128xf32, #tpu.memory_space<hbm>>) target(%dma_start3A_199 : memref<64x128xf32, #tpu.memory_space<vmem>>) offsets(%dma_start3A_202 : memref<64xi32, #tpu.memory_space<vmem>>) semaphore(%arg13 : memref<!tpu.dma_semaphore, #tpu.memory_space<semaphore_mem>>)
        %mul3A_206 = arith.constant 3 : i32
        %mul3A_207 = arith.muli %scan3A_157, %mul3A_206 : i32
        %add3A_208 = arith.constant 2 : i32
        %add3A_209 = arith.addi %mul3A_207, %add3A_208 : i32
        %dma_wait3A_210 = arith.constant 128 : i32
        %dma_wait3A_211 = arith.constant 0 : i32
        %dma_wait3A_212 = tpu.memref_slice %arg11[%dma_wait3A_210, %dma_wait3A_211] : memref<192x128xf32, #tpu.memory_space<vmem>> -> memref<64x128xf32, #tpu.memory_space<vmem>>
        %dma_wait3A_213 = arith.constant 0 : i32
        %dma_wait3A_214 = tpu.memref_slice %arg7[%add3A_209, %dma_wait3A_213] : memref<108x64xi32, #tpu.memory_space<vmem>> -> memref<1x64xi32, #tpu.memory_space<vmem>>
        %dma_wait3A_215 = tpu.memref_squeeze %dma_wait3A_214 : memref<1x64xi32, #tpu.memory_space<vmem>> -> memref<64xi32, #tpu.memory_space<vmem>>
        %dma_wait3A_216 = arith.constant 0 : i32
        %dma_wait3A_217 = arith.constant 0 : i32
        %dma_wait3A_218 = tpu.memref_slice %arg2[%dma_wait3A_216, %dma_wait3A_217] : memref<10240x128xf32, #tpu.memory_space<hbm>> -> memref<10240x128xf32, #tpu.memory_space<hbm>>
        tpu.wait_indirect_dma semaphore(%arg14 : memref<!tpu.dma_semaphore, #tpu.memory_space<semaphore_mem>>) src(%dma_wait3A_218 : memref<10240x128xf32, #tpu.memory_space<hbm>>) dst(%dma_wait3A_212 : memref<64x128xf32, #tpu.memory_space<vmem>>)
        "tpu.region"() ({
          %run_scoped3A_230 = tpu.sem_alloc : memref<!tpu.dma_semaphore, #tpu.memory_space<semaphore_mem>>
          %dma_start3A_231 = arith.constant 128 : i32
          %dma_start3A_232 = arith.constant 0 : i32
          %dma_start3A_233 = tpu.memref_slice %arg11[%dma_start3A_231, %dma_start3A_232] : memref<192x128xf32, #tpu.memory_space<vmem>> -> memref<64x128xf32, #tpu.memory_space<vmem>>
          %dma_start3A_234 = arith.constant 0 : i32
          %dma_start3A_235 = tpu.memref_slice %arg8[%add3A_209, %dma_start3A_234] : memref<108x64xi32, #tpu.memory_space<vmem>> -> memref<1x64xi32, #tpu.memory_space<vmem>>
          %dma_start3A_236 = tpu.memref_squeeze %dma_start3A_235 : memref<1x64xi32, #tpu.memory_space<vmem>> -> memref<64xi32, #tpu.memory_space<vmem>>
          %dma_start3A_237 = arith.constant 0 : i32
          %dma_start3A_238 = arith.constant 0 : i32
          %dma_start3A_239 = tpu.memref_slice %arg15[%dma_start3A_237, %dma_start3A_238] : memref<10000x128xf32, #tpu.memory_space<vmem_shared>> -> memref<10000x128xf32, #tpu.memory_space<vmem_shared>>
          tpu.enqueue_indirect_dma source(%dma_start3A_233 : memref<64x128xf32, #tpu.memory_space<vmem>>) target(%dma_start3A_239 : memref<10000x128xf32, #tpu.memory_space<vmem_shared>>) offsets(%dma_start3A_236 : memref<64xi32, #tpu.memory_space<vmem>>) semaphore(%run_scoped3A_230 : memref<!tpu.dma_semaphore, #tpu.memory_space<semaphore_mem>>) {add = true}
          %dma_wait3A_240 = arith.constant 128 : i32
          %dma_wait3A_241 = arith.constant 0 : i32
          %dma_wait3A_242 = tpu.memref_slice %arg11[%dma_wait3A_240, %dma_wait3A_241] : memref<192x128xf32, #tpu.memory_space<vmem>> -> memref<64x128xf32, #tpu.memory_space<vmem>>
          %dma_wait3A_243 = arith.constant 0 : i32
          %dma_wait3A_244 = tpu.memref_slice %arg8[%add3A_209, %dma_wait3A_243] : memref<108x64xi32, #tpu.memory_space<vmem>> -> memref<1x64xi32, #tpu.memory_space<vmem>>
          %dma_wait3A_245 = tpu.memref_squeeze %dma_wait3A_244 : memref<1x64xi32, #tpu.memory_space<vmem>> -> memref<64xi32, #tpu.memory_space<vmem>>
          %dma_wait3A_246 = arith.constant 0 : i32
          %dma_wait3A_247 = arith.constant 0 : i32
          %dma_wait3A_248 = tpu.memref_slice %arg15[%dma_wait3A_246, %dma_wait3A_247] : memref<10000x128xf32, #tpu.memory_space<vmem_shared>> -> memref<10000x128xf32, #tpu.memory_space<vmem_shared>>
          tpu.wait_indirect_dma semaphore(%run_scoped3A_230 : memref<!tpu.dma_semaphore, #tpu.memory_space<semaphore_mem>>) src(%dma_wait3A_242 : memref<64x128xf32, #tpu.memory_space<vmem>>) dst(%dma_wait3A_248 : memref<10000x128xf32, #tpu.memory_space<vmem_shared>>)
          tpu.yield
        }) : () -> ()
        %add3A_219 = arith.constant 3 : i32
        %add3A_220 = arith.addi %add3A_209, %add3A_219 : i32
        %dma_start3A_221 = arith.constant 128 : i32
        %dma_start3A_222 = arith.constant 0 : i32
        %dma_start3A_223 = tpu.memref_slice %arg11[%dma_start3A_221, %dma_start3A_222] : memref<192x128xf32, #tpu.memory_space<vmem>> -> memref<64x128xf32, #tpu.memory_space<vmem>>
        %dma_start3A_224 = arith.constant 0 : i32
        %dma_start3A_225 = tpu.memref_slice %arg7[%add3A_220, %dma_start3A_224] : memref<108x64xi32, #tpu.memory_space<vmem>> -> memref<1x64xi32, #tpu.memory_space<vmem>>
        %dma_start3A_226 = tpu.memref_squeeze %dma_start3A_225 : memref<1x64xi32, #tpu.memory_space<vmem>> -> memref<64xi32, #tpu.memory_space<vmem>>
        %dma_start3A_227 = arith.constant 0 : i32
        %dma_start3A_228 = arith.constant 0 : i32
        %dma_start3A_229 = tpu.memref_slice %arg2[%dma_start3A_227, %dma_start3A_228] : memref<10240x128xf32, #tpu.memory_space<hbm>> -> memref<10240x128xf32, #tpu.memory_space<hbm>>
        tpu.enqueue_indirect_dma source(%dma_start3A_229 : memref<10240x128xf32, #tpu.memory_space<hbm>>) target(%dma_start3A_223 : memref<64x128xf32, #tpu.memory_space<vmem>>) offsets(%dma_start3A_226 : memref<64xi32, #tpu.memory_space<vmem>>) semaphore(%arg14 : memref<!tpu.dma_semaphore, #tpu.memory_space<semaphore_mem>>)
      }
      %scan3A_123 = arith.constant 35 : i32
      %dma_wait3A_124 = arith.constant 105 : i32
      %dma_wait3A_125 = arith.constant 0 : i32
      %dma_wait3A_126 = arith.constant 0 : i32
      %dma_wait3A_127 = tpu.memref_slice %arg11[%dma_wait3A_125, %dma_wait3A_126] : memref<192x128xf32, #tpu.memory_space<vmem>> -> memref<64x128xf32, #tpu.memory_space<vmem>>
      %dma_wait3A_128 = arith.constant 0 : i32
      %dma_wait3A_129 = tpu.memref_slice %arg7[%dma_wait3A_124, %dma_wait3A_128] : memref<108x64xi32, #tpu.memory_space<vmem>> -> memref<1x64xi32, #tpu.memory_space<vmem>>
      %dma_wait3A_130 = tpu.memref_squeeze %dma_wait3A_129 : memref<1x64xi32, #tpu.memory_space<vmem>> -> memref<64xi32, #tpu.memory_space<vmem>>
      %dma_wait3A_131 = arith.constant 0 : i32
      %dma_wait3A_132 = arith.constant 0 : i32
      %dma_wait3A_133 = tpu.memref_slice %arg2[%dma_wait3A_131, %dma_wait3A_132] : memref<10240x128xf32, #tpu.memory_space<hbm>> -> memref<10240x128xf32, #tpu.memory_space<hbm>>
      tpu.wait_indirect_dma semaphore(%arg12 : memref<!tpu.dma_semaphore, #tpu.memory_space<semaphore_mem>>) src(%dma_wait3A_133 : memref<10240x128xf32, #tpu.memory_space<hbm>>) dst(%dma_wait3A_127 : memref<64x128xf32, #tpu.memory_space<vmem>>)
      %run_scoped3A_134 = arith.constant 105 : i32
      "tpu.region"() ({
        %run_scoped3A_157 = tpu.sem_alloc : memref<!tpu.dma_semaphore, #tpu.memory_space<semaphore_mem>>
        %dma_start3A_158 = arith.constant 0 : i32
        %dma_start3A_159 = arith.constant 0 : i32
        %dma_start3A_160 = tpu.memref_slice %arg11[%dma_start3A_158, %dma_start3A_159] : memref<192x128xf32, #tpu.memory_space<vmem>> -> memref<64x128xf32, #tpu.memory_space<vmem>>
        %dma_start3A_161 = arith.constant 0 : i32
        %dma_start3A_162 = tpu.memref_slice %arg8[%run_scoped3A_134, %dma_start3A_161] : memref<108x64xi32, #tpu.memory_space<vmem>> -> memref<1x64xi32, #tpu.memory_space<vmem>>
        %dma_start3A_163 = tpu.memref_squeeze %dma_start3A_162 : memref<1x64xi32, #tpu.memory_space<vmem>> -> memref<64xi32, #tpu.memory_space<vmem>>
        %dma_start3A_164 = arith.constant 0 : i32
        %dma_start3A_165 = arith.constant 0 : i32
        %dma_start3A_166 = tpu.memref_slice %arg15[%dma_start3A_164, %dma_start3A_165] : memref<10000x128xf32, #tpu.memory_space<vmem_shared>> -> memref<10000x128xf32, #tpu.memory_space<vmem_shared>>
        tpu.enqueue_indirect_dma source(%dma_start3A_160 : memref<64x128xf32, #tpu.memory_space<vmem>>) target(%dma_start3A_166 : memref<10000x128xf32, #tpu.memory_space<vmem_shared>>) offsets(%dma_start3A_163 : memref<64xi32, #tpu.memory_space<vmem>>) semaphore(%run_scoped3A_157 : memref<!tpu.dma_semaphore, #tpu.memory_space<semaphore_mem>>) {add = true}
        %dma_wait3A_167 = arith.constant 0 : i32
        %dma_wait3A_168 = arith.constant 0 : i32
        %dma_wait3A_169 = tpu.memref_slice %arg11[%dma_wait3A_167, %dma_wait3A_168] : memref<192x128xf32, #tpu.memory_space<vmem>> -> memref<64x128xf32, #tpu.memory_space<vmem>>
        %dma_wait3A_170 = arith.constant 0 : i32
        %dma_wait3A_171 = tpu.memref_slice %arg8[%run_scoped3A_134, %dma_wait3A_170] : memref<108x64xi32, #tpu.memory_space<vmem>> -> memref<1x64xi32, #tpu.memory_space<vmem>>
        %dma_wait3A_172 = tpu.memref_squeeze %dma_wait3A_171 : memref<1x64xi32, #tpu.memory_space<vmem>> -> memref<64xi32, #tpu.memory_space<vmem>>
        %dma_wait3A_173 = arith.constant 0 : i32
        %dma_wait3A_174 = arith.constant 0 : i32
        %dma_wait3A_175 = tpu.memref_slice %arg15[%dma_wait3A_173, %dma_wait3A_174] : memref<10000x128xf32, #tpu.memory_space<vmem_shared>> -> memref<10000x128xf32, #tpu.memory_space<vmem_shared>>
        tpu.wait_indirect_dma semaphore(%run_scoped3A_157 : memref<!tpu.dma_semaphore, #tpu.memory_space<semaphore_mem>>) src(%dma_wait3A_169 : memref<64x128xf32, #tpu.memory_space<vmem>>) dst(%dma_wait3A_175 : memref<10000x128xf32, #tpu.memory_space<vmem_shared>>)
        tpu.yield
      }) : () -> ()
      %dma_wait3A_135 = arith.constant 106 : i32
      %dma_wait3A_136 = arith.constant 64 : i32
      %dma_wait3A_137 = arith.constant 0 : i32
      %dma_wait3A_138 = tpu.memref_slice %arg11[%dma_wait3A_136, %dma_wait3A_137] : memref<192x128xf32, #tpu.memory_space<vmem>> -> memref<64x128xf32, #tpu.memory_space<vmem>>
      %dma_wait3A_139 = arith.constant 0 : i32
      %dma_wait3A_140 = tpu.memref_slice %arg7[%dma_wait3A_135, %dma_wait3A_139] : memref<108x64xi32, #tpu.memory_space<vmem>> -> memref<1x64xi32, #tpu.memory_space<vmem>>
      %dma_wait3A_141 = tpu.memref_squeeze %dma_wait3A_140 : memref<1x64xi32, #tpu.memory_space<vmem>> -> memref<64xi32, #tpu.memory_space<vmem>>
      %dma_wait3A_142 = arith.constant 0 : i32
      %dma_wait3A_143 = arith.constant 0 : i32
      %dma_wait3A_144 = tpu.memref_slice %arg2[%dma_wait3A_142, %dma_wait3A_143] : memref<10240x128xf32, #tpu.memory_space<hbm>> -> memref<10240x128xf32, #tpu.memory_space<hbm>>
      tpu.wait_indirect_dma semaphore(%arg13 : memref<!tpu.dma_semaphore, #tpu.memory_space<semaphore_mem>>) src(%dma_wait3A_144 : memref<10240x128xf32, #tpu.memory_space<hbm>>) dst(%dma_wait3A_138 : memref<64x128xf32, #tpu.memory_space<vmem>>)
      %run_scoped3A_145 = arith.constant 106 : i32
      "tpu.region"() ({
        %run_scoped3A_157 = tpu.sem_alloc : memref<!tpu.dma_semaphore, #tpu.memory_space<semaphore_mem>>
        %dma_start3A_158 = arith.constant 64 : i32
        %dma_start3A_159 = arith.constant 0 : i32
        %dma_start3A_160 = tpu.memref_slice %arg11[%dma_start3A_158, %dma_start3A_159] : memref<192x128xf32, #tpu.memory_space<vmem>> -> memref<64x128xf32, #tpu.memory_space<vmem>>
        %dma_start3A_161 = arith.constant 0 : i32
        %dma_start3A_162 = tpu.memref_slice %arg8[%run_scoped3A_145, %dma_start3A_161] : memref<108x64xi32, #tpu.memory_space<vmem>> -> memref<1x64xi32, #tpu.memory_space<vmem>>
        %dma_start3A_163 = tpu.memref_squeeze %dma_start3A_162 : memref<1x64xi32, #tpu.memory_space<vmem>> -> memref<64xi32, #tpu.memory_space<vmem>>
        %dma_start3A_164 = arith.constant 0 : i32
        %dma_start3A_165 = arith.constant 0 : i32
        %dma_start3A_166 = tpu.memref_slice %arg15[%dma_start3A_164, %dma_start3A_165] : memref<10000x128xf32, #tpu.memory_space<vmem_shared>> -> memref<10000x128xf32, #tpu.memory_space<vmem_shared>>
        tpu.enqueue_indirect_dma source(%dma_start3A_160 : memref<64x128xf32, #tpu.memory_space<vmem>>) target(%dma_start3A_166 : memref<10000x128xf32, #tpu.memory_space<vmem_shared>>) offsets(%dma_start3A_163 : memref<64xi32, #tpu.memory_space<vmem>>) semaphore(%run_scoped3A_157 : memref<!tpu.dma_semaphore, #tpu.memory_space<semaphore_mem>>) {add = true}
        %dma_wait3A_167 = arith.constant 64 : i32
        %dma_wait3A_168 = arith.constant 0 : i32
        %dma_wait3A_169 = tpu.memref_slice %arg11[%dma_wait3A_167, %dma_wait3A_168] : memref<192x128xf32, #tpu.memory_space<vmem>> -> memref<64x128xf32, #tpu.memory_space<vmem>>
        %dma_wait3A_170 = arith.constant 0 : i32
        %dma_wait3A_171 = tpu.memref_slice %arg8[%run_scoped3A_145, %dma_wait3A_170] : memref<108x64xi32, #tpu.memory_space<vmem>> -> memref<1x64xi32, #tpu.memory_space<vmem>>
        %dma_wait3A_172 = tpu.memref_squeeze %dma_wait3A_171 : memref<1x64xi32, #tpu.memory_space<vmem>> -> memref<64xi32, #tpu.memory_space<vmem>>
        %dma_wait3A_173 = arith.constant 0 : i32
        %dma_wait3A_174 = arith.constant 0 : i32
        %dma_wait3A_175 = tpu.memref_slice %arg15[%dma_wait3A_173, %dma_wait3A_174] : memref<10000x128xf32, #tpu.memory_space<vmem_shared>> -> memref<10000x128xf32, #tpu.memory_space<vmem_shared>>
        tpu.wait_indirect_dma semaphore(%run_scoped3A_157 : memref<!tpu.dma_semaphore, #tpu.memory_space<semaphore_mem>>) src(%dma_wait3A_169 : memref<64x128xf32, #tpu.memory_space<vmem>>) dst(%dma_wait3A_175 : memref<10000x128xf32, #tpu.memory_space<vmem_shared>>)
        tpu.yield
      }) : () -> ()
      %dma_wait3A_146 = arith.constant 107 : i32
      %dma_wait3A_147 = arith.constant 128 : i32
      %dma_wait3A_148 = arith.constant 0 : i32
      %dma_wait3A_149 = tpu.memref_slice %arg11[%dma_wait3A_147, %dma_wait3A_148] : memref<192x128xf32, #tpu.memory_space<vmem>> -> memref<64x128xf32, #tpu.memory_space<vmem>>
      %dma_wait3A_150 = arith.constant 0 : i32
      %dma_wait3A_151 = tpu.memref_slice %arg7[%dma_wait3A_146, %dma_wait3A_150] : memref<108x64xi32, #tpu.memory_space<vmem>> -> memref<1x64xi32, #tpu.memory_space<vmem>>
      %dma_wait3A_152 = tpu.memref_squeeze %dma_wait3A_151 : memref<1x64xi32, #tpu.memory_space<vmem>> -> memref<64xi32, #tpu.memory_space<vmem>>
      %dma_wait3A_153 = arith.constant 0 : i32
      %dma_wait3A_154 = arith.constant 0 : i32
      %dma_wait3A_155 = tpu.memref_slice %arg2[%dma_wait3A_153, %dma_wait3A_154] : memref<10240x128xf32, #tpu.memory_space<hbm>> -> memref<10240x128xf32, #tpu.memory_space<hbm>>
      tpu.wait_indirect_dma semaphore(%arg14 : memref<!tpu.dma_semaphore, #tpu.memory_space<semaphore_mem>>) src(%dma_wait3A_155 : memref<10240x128xf32, #tpu.memory_space<hbm>>) dst(%dma_wait3A_149 : memref<64x128xf32, #tpu.memory_space<vmem>>)
      %run_scoped3A_156 = arith.constant 107 : i32
      "tpu.region"() ({
        %run_scoped3A_157 = tpu.sem_alloc : memref<!tpu.dma_semaphore, #tpu.memory_space<semaphore_mem>>
        %dma_start3A_158 = arith.constant 128 : i32
        %dma_start3A_159 = arith.constant 0 : i32
        %dma_start3A_160 = tpu.memref_slice %arg11[%dma_start3A_158, %dma_start3A_159] : memref<192x128xf32, #tpu.memory_space<vmem>> -> memref<64x128xf32, #tpu.memory_space<vmem>>
        %dma_start3A_161 = arith.constant 0 : i32
        %dma_start3A_162 = tpu.memref_slice %arg8[%run_scoped3A_156, %dma_start3A_161] : memref<108x64xi32, #tpu.memory_space<vmem>> -> memref<1x64xi32, #tpu.memory_space<vmem>>
        %dma_start3A_163 = tpu.memref_squeeze %dma_start3A_162 : memref<1x64xi32, #tpu.memory_space<vmem>> -> memref<64xi32, #tpu.memory_space<vmem>>
        %dma_start3A_164 = arith.constant 0 : i32
        %dma_start3A_165 = arith.constant 0 : i32
        %dma_start3A_166 = tpu.memref_slice %arg15[%dma_start3A_164, %dma_start3A_165] : memref<10000x128xf32, #tpu.memory_space<vmem_shared>> -> memref<10000x128xf32, #tpu.memory_space<vmem_shared>>
        tpu.enqueue_indirect_dma source(%dma_start3A_160 : memref<64x128xf32, #tpu.memory_space<vmem>>) target(%dma_start3A_166 : memref<10000x128xf32, #tpu.memory_space<vmem_shared>>) offsets(%dma_start3A_163 : memref<64xi32, #tpu.memory_space<vmem>>) semaphore(%run_scoped3A_157 : memref<!tpu.dma_semaphore, #tpu.memory_space<semaphore_mem>>) {add = true}
        %dma_wait3A_167 = arith.constant 128 : i32
        %dma_wait3A_168 = arith.constant 0 : i32
        %dma_wait3A_169 = tpu.memref_slice %arg11[%dma_wait3A_167, %dma_wait3A_168] : memref<192x128xf32, #tpu.memory_space<vmem>> -> memref<64x128xf32, #tpu.memory_space<vmem>>
        %dma_wait3A_170 = arith.constant 0 : i32
        %dma_wait3A_171 = tpu.memref_slice %arg8[%run_scoped3A_156, %dma_wait3A_170] : memref<108x64xi32, #tpu.memory_space<vmem>> -> memref<1x64xi32, #tpu.memory_space<vmem>>
        %dma_wait3A_172 = tpu.memref_squeeze %dma_wait3A_171 : memref<1x64xi32, #tpu.memory_space<vmem>> -> memref<64xi32, #tpu.memory_space<vmem>>
        %dma_wait3A_173 = arith.constant 0 : i32
        %dma_wait3A_174 = arith.constant 0 : i32
        %dma_wait3A_175 = tpu.memref_slice %arg15[%dma_wait3A_173, %dma_wait3A_174] : memref<10000x128xf32, #tpu.memory_space<vmem_shared>> -> memref<10000x128xf32, #tpu.memory_space<vmem_shared>>
        tpu.wait_indirect_dma semaphore(%run_scoped3A_157 : memref<!tpu.dma_semaphore, #tpu.memory_space<semaphore_mem>>) src(%dma_wait3A_169 : memref<64x128xf32, #tpu.memory_space<vmem>>) dst(%dma_wait3A_175 : memref<10000x128xf32, #tpu.memory_space<vmem_shared>>)
        tpu.yield
      }) : () -> ()
    } else {
    }
    %eq3A_3 = arith.constant 1 : i32
    %eq3A_4 = arith.cmpi eq, %arg0, %eq3A_3 : i32
    %convert_element_type3A_5 = arith.extui %eq3A_4 : i1 to i32
    %cond3A_6 = arith.constant 0 : i32
    %cond3A_7 = arith.cmpi ne, %convert_element_type3A_5, %cond3A_6 : i32
    scf.if %cond3A_7 {
      %run_scoped3A = arith.constant 0 : i32
      %run_scoped3A_15 = arith.constant 0 : i32
      "tpu.region"() ({
        %run_scoped3A_33 = tpu.sem_alloc : memref<!tpu.dma_semaphore, #tpu.memory_space<semaphore_mem>>
        %dma_start3A = arith.constant 0 : i32
        %dma_start3A_34 = arith.constant 0 : i32
        %dma_start3A_35 = tpu.memref_slice %arg4[%arg1, %run_scoped3A, %run_scoped3A_15, %dma_start3A, %dma_start3A_34] : memref<16x2x2x25x128xi32, #tpu.memory_space<hbm>> -> memref<1x1x1x25x128xi32, #tpu.memory_space<hbm>>
        %dma_start3A_36 = tpu.memref_squeeze %dma_start3A_35 : memref<1x1x1x25x128xi32, #tpu.memory_space<hbm>> -> memref<25x128xi32, #tpu.memory_space<hbm>>
        %dma_start3A_37 = arith.constant 0 : i32
        %dma_start3A_38 = arith.constant 0 : i32
        %dma_start3A_39 = tpu.memref_slice %arg4[%arg1, %run_scoped3A, %run_scoped3A_15, %dma_start3A_37, %dma_start3A_38] : memref<16x2x2x25x128xi32, #tpu.memory_space<hbm>> -> memref<1x1x1x25x128xi32, #tpu.memory_space<hbm>>
        %dma_start3A_40 = tpu.memref_squeeze %dma_start3A_39 : memref<1x1x1x25x128xi32, #tpu.memory_space<hbm>> -> memref<25x128xi32, #tpu.memory_space<hbm>>
        tpu.enqueue_dma source(%dma_start3A_40 : memref<25x128xi32, #tpu.memory_space<hbm>>) target(%arg9 : memref<25x128xi32, #tpu.memory_space<vmem>>) target_semaphore(%run_scoped3A_33 : memref<!tpu.dma_semaphore, #tpu.memory_space<semaphore_mem>>)
        %dma_wait3A = arith.constant 0 : i32
        %dma_wait3A_41 = arith.constant 0 : i32
        %dma_wait3A_42 = tpu.memref_slice %arg4[%arg1, %run_scoped3A, %run_scoped3A_15, %dma_wait3A, %dma_wait3A_41] : memref<16x2x2x25x128xi32, #tpu.memory_space<hbm>> -> memref<1x1x1x25x128xi32, #tpu.memory_space<hbm>>
        %dma_wait3A_43 = tpu.memref_squeeze %dma_wait3A_42 : memref<1x1x1x25x128xi32, #tpu.memory_space<hbm>> -> memref<25x128xi32, #tpu.memory_space<hbm>>
        %dma_wait3A_44 = arith.constant 0 : i32
        %dma_wait3A_45 = arith.constant 0 : i32
        %dma_wait3A_46 = tpu.memref_slice %arg4[%arg1, %run_scoped3A, %run_scoped3A_15, %dma_wait3A_44, %dma_wait3A_45] : memref<16x2x2x25x128xi32, #tpu.memory_space<hbm>> -> memref<1x1x1x25x128xi32, #tpu.memory_space<hbm>>
        %dma_wait3A_47 = tpu.memref_squeeze %dma_wait3A_46 : memref<1x1x1x25x128xi32, #tpu.memory_space<hbm>> -> memref<25x128xi32, #tpu.memory_space<hbm>>
        tpu.wait_dma2 semaphore(%run_scoped3A_33 : memref<!tpu.dma_semaphore, #tpu.memory_space<semaphore_mem>>) src(%dma_wait3A_47 : memref<25x128xi32, #tpu.memory_space<hbm>>) dst(%arg9 : memref<25x128xi32, #tpu.memory_space<vmem>>)
        tpu.yield
      }) : () -> ()
      %run_scoped3A_16 = arith.constant 0 : i32
      %run_scoped3A_17 = arith.constant 1 : i32
      "tpu.region"() ({
        %run_scoped3A_33 = tpu.sem_alloc : memref<!tpu.dma_semaphore, #tpu.memory_space<semaphore_mem>>
        %dma_start3A = arith.constant 0 : i32
        %dma_start3A_34 = arith.constant 0 : i32
        %dma_start3A_35 = tpu.memref_slice %arg4[%arg1, %run_scoped3A_16, %run_scoped3A_17, %dma_start3A, %dma_start3A_34] : memref<16x2x2x25x128xi32, #tpu.memory_space<hbm>> -> memref<1x1x1x25x128xi32, #tpu.memory_space<hbm>>
        %dma_start3A_36 = tpu.memref_squeeze %dma_start3A_35 : memref<1x1x1x25x128xi32, #tpu.memory_space<hbm>> -> memref<25x128xi32, #tpu.memory_space<hbm>>
        %dma_start3A_37 = arith.constant 0 : i32
        %dma_start3A_38 = arith.constant 0 : i32
        %dma_start3A_39 = tpu.memref_slice %arg4[%arg1, %run_scoped3A_16, %run_scoped3A_17, %dma_start3A_37, %dma_start3A_38] : memref<16x2x2x25x128xi32, #tpu.memory_space<hbm>> -> memref<1x1x1x25x128xi32, #tpu.memory_space<hbm>>
        %dma_start3A_40 = tpu.memref_squeeze %dma_start3A_39 : memref<1x1x1x25x128xi32, #tpu.memory_space<hbm>> -> memref<25x128xi32, #tpu.memory_space<hbm>>
        tpu.enqueue_dma source(%dma_start3A_40 : memref<25x128xi32, #tpu.memory_space<hbm>>) target(%arg10 : memref<25x128xi32, #tpu.memory_space<vmem>>) target_semaphore(%run_scoped3A_33 : memref<!tpu.dma_semaphore, #tpu.memory_space<semaphore_mem>>)
        %dma_wait3A = arith.constant 0 : i32
        %dma_wait3A_41 = arith.constant 0 : i32
        %dma_wait3A_42 = tpu.memref_slice %arg4[%arg1, %run_scoped3A_16, %run_scoped3A_17, %dma_wait3A, %dma_wait3A_41] : memref<16x2x2x25x128xi32, #tpu.memory_space<hbm>> -> memref<1x1x1x25x128xi32, #tpu.memory_space<hbm>>
        %dma_wait3A_43 = tpu.memref_squeeze %dma_wait3A_42 : memref<1x1x1x25x128xi32, #tpu.memory_space<hbm>> -> memref<25x128xi32, #tpu.memory_space<hbm>>
        %dma_wait3A_44 = arith.constant 0 : i32
        %dma_wait3A_45 = arith.constant 0 : i32
        %dma_wait3A_46 = tpu.memref_slice %arg4[%arg1, %run_scoped3A_16, %run_scoped3A_17, %dma_wait3A_44, %dma_wait3A_45] : memref<16x2x2x25x128xi32, #tpu.memory_space<hbm>> -> memref<1x1x1x25x128xi32, #tpu.memory_space<hbm>>
        %dma_wait3A_47 = tpu.memref_squeeze %dma_wait3A_46 : memref<1x1x1x25x128xi32, #tpu.memory_space<hbm>> -> memref<25x128xi32, #tpu.memory_space<hbm>>
        tpu.wait_dma2 semaphore(%run_scoped3A_33 : memref<!tpu.dma_semaphore, #tpu.memory_space<semaphore_mem>>) src(%dma_wait3A_47 : memref<25x128xi32, #tpu.memory_space<hbm>>) dst(%arg10 : memref<25x128xi32, #tpu.memory_space<vmem>>)
        tpu.yield
      }) : () -> ()
      %scan3A = arith.constant 0 : i32
      %scan3A_18 = arith.constant 0 : i32
      %scan3A_19 = arith.constant 25 : i32
      %scan3A_20 = arith.addi %scan3A_18, %scan3A_19 : i32
      %scan3A_21 = arith.constant 1 : i32
      scf.for %scan3A_33 = %scan3A_18 to %scan3A_20 step %scan3A_21  : i32 {
        "tpu.region"() ({
          %run_scoped3A_34 = tpu.sem_alloc : memref<!tpu.dma_semaphore, #tpu.memory_space<semaphore_mem>>
          %dma_start3A = arith.constant 0 : i32
          %dma_start3A_35 = arith.constant 0 : i32
          %dma_start3A_36 = tpu.memref_slice %arg11[%dma_start3A, %dma_start3A_35] : memref<192x128xf32, #tpu.memory_space<vmem>> -> memref<128x128xf32, #tpu.memory_space<vmem>>
          %dma_start3A_37 = arith.constant 0 : i32
          %dma_start3A_38 = tpu.memref_slice %arg9[%scan3A_33, %dma_start3A_37] : memref<25x128xi32, #tpu.memory_space<vmem>> -> memref<1x128xi32, #tpu.memory_space<vmem>>
          %dma_start3A_39 = tpu.memref_squeeze %dma_start3A_38 : memref<1x128xi32, #tpu.memory_space<vmem>> -> memref<128xi32, #tpu.memory_space<vmem>>
          %dma_start3A_40 = arith.constant 0 : i32
          %dma_start3A_41 = arith.constant 0 : i32
          %dma_start3A_42 = tpu.memref_slice %arg2[%dma_start3A_40, %dma_start3A_41] : memref<10240x128xf32, #tpu.memory_space<hbm>> -> memref<10240x128xf32, #tpu.memory_space<hbm>>
          tpu.enqueue_indirect_dma source(%dma_start3A_42 : memref<10240x128xf32, #tpu.memory_space<hbm>>) target(%dma_start3A_36 : memref<128x128xf32, #tpu.memory_space<vmem>>) offsets(%dma_start3A_39 : memref<128xi32, #tpu.memory_space<vmem>>) semaphore(%run_scoped3A_34 : memref<!tpu.dma_semaphore, #tpu.memory_space<semaphore_mem>>)
          %dma_wait3A = arith.constant 0 : i32
          %dma_wait3A_43 = arith.constant 0 : i32
          %dma_wait3A_44 = tpu.memref_slice %arg11[%dma_wait3A, %dma_wait3A_43] : memref<192x128xf32, #tpu.memory_space<vmem>> -> memref<128x128xf32, #tpu.memory_space<vmem>>
          %dma_wait3A_45 = arith.constant 0 : i32
          %dma_wait3A_46 = tpu.memref_slice %arg9[%scan3A_33, %dma_wait3A_45] : memref<25x128xi32, #tpu.memory_space<vmem>> -> memref<1x128xi32, #tpu.memory_space<vmem>>
          %dma_wait3A_47 = tpu.memref_squeeze %dma_wait3A_46 : memref<1x128xi32, #tpu.memory_space<vmem>> -> memref<128xi32, #tpu.memory_space<vmem>>
          %dma_wait3A_48 = arith.constant 0 : i32
          %dma_wait3A_49 = arith.constant 0 : i32
          %dma_wait3A_50 = tpu.memref_slice %arg2[%dma_wait3A_48, %dma_wait3A_49] : memref<10240x128xf32, #tpu.memory_space<hbm>> -> memref<10240x128xf32, #tpu.memory_space<hbm>>
          tpu.wait_indirect_dma semaphore(%run_scoped3A_34 : memref<!tpu.dma_semaphore, #tpu.memory_space<semaphore_mem>>) src(%dma_wait3A_50 : memref<10240x128xf32, #tpu.memory_space<hbm>>) dst(%dma_wait3A_44 : memref<128x128xf32, #tpu.memory_space<vmem>>)
          tpu.yield
        }) : () -> ()
        "tpu.region"() ({
          %run_scoped3A_34 = tpu.sem_alloc : memref<!tpu.dma_semaphore, #tpu.memory_space<semaphore_mem>>
          %dma_start3A = arith.constant 0 : i32
          %dma_start3A_35 = arith.constant 0 : i32
          %dma_start3A_36 = tpu.memref_slice %arg11[%dma_start3A, %dma_start3A_35] : memref<192x128xf32, #tpu.memory_space<vmem>> -> memref<128x128xf32, #tpu.memory_space<vmem>>
          %dma_start3A_37 = arith.constant 0 : i32
          %dma_start3A_38 = tpu.memref_slice %arg10[%scan3A_33, %dma_start3A_37] : memref<25x128xi32, #tpu.memory_space<vmem>> -> memref<1x128xi32, #tpu.memory_space<vmem>>
          %dma_start3A_39 = tpu.memref_squeeze %dma_start3A_38 : memref<1x128xi32, #tpu.memory_space<vmem>> -> memref<128xi32, #tpu.memory_space<vmem>>
          %dma_start3A_40 = arith.constant 0 : i32
          %dma_start3A_41 = arith.constant 0 : i32
          %dma_start3A_42 = tpu.memref_slice %arg15[%dma_start3A_40, %dma_start3A_41] : memref<10000x128xf32, #tpu.memory_space<vmem_shared>> -> memref<10000x128xf32, #tpu.memory_space<vmem_shared>>
          tpu.enqueue_indirect_dma source(%dma_start3A_36 : memref<128x128xf32, #tpu.memory_space<vmem>>) target(%dma_start3A_42 : memref<10000x128xf32, #tpu.memory_space<vmem_shared>>) offsets(%dma_start3A_39 : memref<128xi32, #tpu.memory_space<vmem>>) semaphore(%run_scoped3A_34 : memref<!tpu.dma_semaphore, #tpu.memory_space<semaphore_mem>>) {add = true}
          %dma_wait3A = arith.constant 0 : i32
          %dma_wait3A_43 = arith.constant 0 : i32
          %dma_wait3A_44 = tpu.memref_slice %arg11[%dma_wait3A, %dma_wait3A_43] : memref<192x128xf32, #tpu.memory_space<vmem>> -> memref<128x128xf32, #tpu.memory_space<vmem>>
          %dma_wait3A_45 = arith.constant 0 : i32
          %dma_wait3A_46 = tpu.memref_slice %arg10[%scan3A_33, %dma_wait3A_45] : memref<25x128xi32, #tpu.memory_space<vmem>> -> memref<1x128xi32, #tpu.memory_space<vmem>>
          %dma_wait3A_47 = tpu.memref_squeeze %dma_wait3A_46 : memref<1x128xi32, #tpu.memory_space<vmem>> -> memref<128xi32, #tpu.memory_space<vmem>>
          %dma_wait3A_48 = arith.constant 0 : i32
          %dma_wait3A_49 = arith.constant 0 : i32
          %dma_wait3A_50 = tpu.memref_slice %arg15[%dma_wait3A_48, %dma_wait3A_49] : memref<10000x128xf32, #tpu.memory_space<vmem_shared>> -> memref<10000x128xf32, #tpu.memory_space<vmem_shared>>
          tpu.wait_indirect_dma semaphore(%run_scoped3A_34 : memref<!tpu.dma_semaphore, #tpu.memory_space<semaphore_mem>>) src(%dma_wait3A_44 : memref<128x128xf32, #tpu.memory_space<vmem>>) dst(%dma_wait3A_50 : memref<10000x128xf32, #tpu.memory_space<vmem_shared>>)
          tpu.yield
        }) : () -> ()
      }
      %scan3A_22 = arith.constant 25 : i32
      %run_scoped3A_23 = arith.constant 1 : i32
      %run_scoped3A_24 = arith.constant 0 : i32
      "tpu.region"() ({
        %run_scoped3A_33 = tpu.sem_alloc : memref<!tpu.dma_semaphore, #tpu.memory_space<semaphore_mem>>
        %dma_start3A = arith.constant 0 : i32
        %dma_start3A_34 = arith.constant 0 : i32
        %dma_start3A_35 = tpu.memref_slice %arg4[%arg1, %run_scoped3A_23, %run_scoped3A_24, %dma_start3A, %dma_start3A_34] : memref<16x2x2x25x128xi32, #tpu.memory_space<hbm>> -> memref<1x1x1x25x128xi32, #tpu.memory_space<hbm>>
        %dma_start3A_36 = tpu.memref_squeeze %dma_start3A_35 : memref<1x1x1x25x128xi32, #tpu.memory_space<hbm>> -> memref<25x128xi32, #tpu.memory_space<hbm>>
        %dma_start3A_37 = arith.constant 0 : i32
        %dma_start3A_38 = arith.constant 0 : i32
        %dma_start3A_39 = tpu.memref_slice %arg4[%arg1, %run_scoped3A_23, %run_scoped3A_24, %dma_start3A_37, %dma_start3A_38] : memref<16x2x2x25x128xi32, #tpu.memory_space<hbm>> -> memref<1x1x1x25x128xi32, #tpu.memory_space<hbm>>
        %dma_start3A_40 = tpu.memref_squeeze %dma_start3A_39 : memref<1x1x1x25x128xi32, #tpu.memory_space<hbm>> -> memref<25x128xi32, #tpu.memory_space<hbm>>
        tpu.enqueue_dma source(%dma_start3A_40 : memref<25x128xi32, #tpu.memory_space<hbm>>) target(%arg9 : memref<25x128xi32, #tpu.memory_space<vmem>>) target_semaphore(%run_scoped3A_33 : memref<!tpu.dma_semaphore, #tpu.memory_space<semaphore_mem>>)
        %dma_wait3A = arith.constant 0 : i32
        %dma_wait3A_41 = arith.constant 0 : i32
        %dma_wait3A_42 = tpu.memref_slice %arg4[%arg1, %run_scoped3A_23, %run_scoped3A_24, %dma_wait3A, %dma_wait3A_41] : memref<16x2x2x25x128xi32, #tpu.memory_space<hbm>> -> memref<1x1x1x25x128xi32, #tpu.memory_space<hbm>>
        %dma_wait3A_43 = tpu.memref_squeeze %dma_wait3A_42 : memref<1x1x1x25x128xi32, #tpu.memory_space<hbm>> -> memref<25x128xi32, #tpu.memory_space<hbm>>
        %dma_wait3A_44 = arith.constant 0 : i32
        %dma_wait3A_45 = arith.constant 0 : i32
        %dma_wait3A_46 = tpu.memref_slice %arg4[%arg1, %run_scoped3A_23, %run_scoped3A_24, %dma_wait3A_44, %dma_wait3A_45] : memref<16x2x2x25x128xi32, #tpu.memory_space<hbm>> -> memref<1x1x1x25x128xi32, #tpu.memory_space<hbm>>
        %dma_wait3A_47 = tpu.memref_squeeze %dma_wait3A_46 : memref<1x1x1x25x128xi32, #tpu.memory_space<hbm>> -> memref<25x128xi32, #tpu.memory_space<hbm>>
        tpu.wait_dma2 semaphore(%run_scoped3A_33 : memref<!tpu.dma_semaphore, #tpu.memory_space<semaphore_mem>>) src(%dma_wait3A_47 : memref<25x128xi32, #tpu.memory_space<hbm>>) dst(%arg9 : memref<25x128xi32, #tpu.memory_space<vmem>>)
        tpu.yield
      }) : () -> ()
      %run_scoped3A_25 = arith.constant 1 : i32
      %run_scoped3A_26 = arith.constant 1 : i32
      "tpu.region"() ({
        %run_scoped3A_33 = tpu.sem_alloc : memref<!tpu.dma_semaphore, #tpu.memory_space<semaphore_mem>>
        %dma_start3A = arith.constant 0 : i32
        %dma_start3A_34 = arith.constant 0 : i32
        %dma_start3A_35 = tpu.memref_slice %arg4[%arg1, %run_scoped3A_25, %run_scoped3A_26, %dma_start3A, %dma_start3A_34] : memref<16x2x2x25x128xi32, #tpu.memory_space<hbm>> -> memref<1x1x1x25x128xi32, #tpu.memory_space<hbm>>
        %dma_start3A_36 = tpu.memref_squeeze %dma_start3A_35 : memref<1x1x1x25x128xi32, #tpu.memory_space<hbm>> -> memref<25x128xi32, #tpu.memory_space<hbm>>
        %dma_start3A_37 = arith.constant 0 : i32
        %dma_start3A_38 = arith.constant 0 : i32
        %dma_start3A_39 = tpu.memref_slice %arg4[%arg1, %run_scoped3A_25, %run_scoped3A_26, %dma_start3A_37, %dma_start3A_38] : memref<16x2x2x25x128xi32, #tpu.memory_space<hbm>> -> memref<1x1x1x25x128xi32, #tpu.memory_space<hbm>>
        %dma_start3A_40 = tpu.memref_squeeze %dma_start3A_39 : memref<1x1x1x25x128xi32, #tpu.memory_space<hbm>> -> memref<25x128xi32, #tpu.memory_space<hbm>>
        tpu.enqueue_dma source(%dma_start3A_40 : memref<25x128xi32, #tpu.memory_space<hbm>>) target(%arg10 : memref<25x128xi32, #tpu.memory_space<vmem>>) target_semaphore(%run_scoped3A_33 : memref<!tpu.dma_semaphore, #tpu.memory_space<semaphore_mem>>)
        %dma_wait3A = arith.constant 0 : i32
        %dma_wait3A_41 = arith.constant 0 : i32
        %dma_wait3A_42 = tpu.memref_slice %arg4[%arg1, %run_scoped3A_25, %run_scoped3A_26, %dma_wait3A, %dma_wait3A_41] : memref<16x2x2x25x128xi32, #tpu.memory_space<hbm>> -> memref<1x1x1x25x128xi32, #tpu.memory_space<hbm>>
        %dma_wait3A_43 = tpu.memref_squeeze %dma_wait3A_42 : memref<1x1x1x25x128xi32, #tpu.memory_space<hbm>> -> memref<25x128xi32, #tpu.memory_space<hbm>>
        %dma_wait3A_44 = arith.constant 0 : i32
        %dma_wait3A_45 = arith.constant 0 : i32
        %dma_wait3A_46 = tpu.memref_slice %arg4[%arg1, %run_scoped3A_25, %run_scoped3A_26, %dma_wait3A_44, %dma_wait3A_45] : memref<16x2x2x25x128xi32, #tpu.memory_space<hbm>> -> memref<1x1x1x25x128xi32, #tpu.memory_space<hbm>>
        %dma_wait3A_47 = tpu.memref_squeeze %dma_wait3A_46 : memref<1x1x1x25x128xi32, #tpu.memory_space<hbm>> -> memref<25x128xi32, #tpu.memory_space<hbm>>
        tpu.wait_dma2 semaphore(%run_scoped3A_33 : memref<!tpu.dma_semaphore, #tpu.memory_space<semaphore_mem>>) src(%dma_wait3A_47 : memref<25x128xi32, #tpu.memory_space<hbm>>) dst(%arg10 : memref<25x128xi32, #tpu.memory_space<vmem>>)
        tpu.yield
      }) : () -> ()
      %scan3A_27 = arith.constant 0 : i32
      %scan3A_28 = arith.constant 0 : i32
      %scan3A_29 = arith.constant 25 : i32
      %scan3A_30 = arith.addi %scan3A_28, %scan3A_29 : i32
      %scan3A_31 = arith.constant 1 : i32
      scf.for %scan3A_33 = %scan3A_28 to %scan3A_30 step %scan3A_31  : i32 {
        "tpu.region"() ({
          %run_scoped3A_34 = tpu.sem_alloc : memref<!tpu.dma_semaphore, #tpu.memory_space<semaphore_mem>>
          %dma_start3A = arith.constant 0 : i32
          %dma_start3A_35 = arith.constant 0 : i32
          %dma_start3A_36 = tpu.memref_slice %arg11[%dma_start3A, %dma_start3A_35] : memref<192x128xf32, #tpu.memory_space<vmem>> -> memref<128x128xf32, #tpu.memory_space<vmem>>
          %dma_start3A_37 = arith.constant 0 : i32
          %dma_start3A_38 = tpu.memref_slice %arg9[%scan3A_33, %dma_start3A_37] : memref<25x128xi32, #tpu.memory_space<vmem>> -> memref<1x128xi32, #tpu.memory_space<vmem>>
          %dma_start3A_39 = tpu.memref_squeeze %dma_start3A_38 : memref<1x128xi32, #tpu.memory_space<vmem>> -> memref<128xi32, #tpu.memory_space<vmem>>
          %dma_start3A_40 = arith.constant 0 : i32
          %dma_start3A_41 = arith.constant 0 : i32
          %dma_start3A_42 = tpu.memref_slice %arg2[%dma_start3A_40, %dma_start3A_41] : memref<10240x128xf32, #tpu.memory_space<hbm>> -> memref<10240x128xf32, #tpu.memory_space<hbm>>
          tpu.enqueue_indirect_dma source(%dma_start3A_42 : memref<10240x128xf32, #tpu.memory_space<hbm>>) target(%dma_start3A_36 : memref<128x128xf32, #tpu.memory_space<vmem>>) offsets(%dma_start3A_39 : memref<128xi32, #tpu.memory_space<vmem>>) semaphore(%run_scoped3A_34 : memref<!tpu.dma_semaphore, #tpu.memory_space<semaphore_mem>>)
          %dma_wait3A = arith.constant 0 : i32
          %dma_wait3A_43 = arith.constant 0 : i32
          %dma_wait3A_44 = tpu.memref_slice %arg11[%dma_wait3A, %dma_wait3A_43] : memref<192x128xf32, #tpu.memory_space<vmem>> -> memref<128x128xf32, #tpu.memory_space<vmem>>
          %dma_wait3A_45 = arith.constant 0 : i32
          %dma_wait3A_46 = tpu.memref_slice %arg9[%scan3A_33, %dma_wait3A_45] : memref<25x128xi32, #tpu.memory_space<vmem>> -> memref<1x128xi32, #tpu.memory_space<vmem>>
          %dma_wait3A_47 = tpu.memref_squeeze %dma_wait3A_46 : memref<1x128xi32, #tpu.memory_space<vmem>> -> memref<128xi32, #tpu.memory_space<vmem>>
          %dma_wait3A_48 = arith.constant 0 : i32
          %dma_wait3A_49 = arith.constant 0 : i32
          %dma_wait3A_50 = tpu.memref_slice %arg2[%dma_wait3A_48, %dma_wait3A_49] : memref<10240x128xf32, #tpu.memory_space<hbm>> -> memref<10240x128xf32, #tpu.memory_space<hbm>>
          tpu.wait_indirect_dma semaphore(%run_scoped3A_34 : memref<!tpu.dma_semaphore, #tpu.memory_space<semaphore_mem>>) src(%dma_wait3A_50 : memref<10240x128xf32, #tpu.memory_space<hbm>>) dst(%dma_wait3A_44 : memref<128x128xf32, #tpu.memory_space<vmem>>)
          tpu.yield
        }) : () -> ()
        "tpu.region"() ({
          %run_scoped3A_34 = tpu.sem_alloc : memref<!tpu.dma_semaphore, #tpu.memory_space<semaphore_mem>>
          %dma_start3A = arith.constant 0 : i32
          %dma_start3A_35 = arith.constant 0 : i32
          %dma_start3A_36 = tpu.memref_slice %arg11[%dma_start3A, %dma_start3A_35] : memref<192x128xf32, #tpu.memory_space<vmem>> -> memref<128x128xf32, #tpu.memory_space<vmem>>
          %dma_start3A_37 = arith.constant 0 : i32
          %dma_start3A_38 = tpu.memref_slice %arg10[%scan3A_33, %dma_start3A_37] : memref<25x128xi32, #tpu.memory_space<vmem>> -> memref<1x128xi32, #tpu.memory_space<vmem>>
          %dma_start3A_39 = tpu.memref_squeeze %dma_start3A_38 : memref<1x128xi32, #tpu.memory_space<vmem>> -> memref<128xi32, #tpu.memory_space<vmem>>
          %dma_start3A_40 = arith.constant 0 : i32
          %dma_start3A_41 = arith.constant 0 : i32
          %dma_start3A_42 = tpu.memref_slice %arg15[%dma_start3A_40, %dma_start3A_41] : memref<10000x128xf32, #tpu.memory_space<vmem_shared>> -> memref<10000x128xf32, #tpu.memory_space<vmem_shared>>
          tpu.enqueue_indirect_dma source(%dma_start3A_36 : memref<128x128xf32, #tpu.memory_space<vmem>>) target(%dma_start3A_42 : memref<10000x128xf32, #tpu.memory_space<vmem_shared>>) offsets(%dma_start3A_39 : memref<128xi32, #tpu.memory_space<vmem>>) semaphore(%run_scoped3A_34 : memref<!tpu.dma_semaphore, #tpu.memory_space<semaphore_mem>>) {add = true}
          %dma_wait3A = arith.constant 0 : i32
          %dma_wait3A_43 = arith.constant 0 : i32
          %dma_wait3A_44 = tpu.memref_slice %arg11[%dma_wait3A, %dma_wait3A_43] : memref<192x128xf32, #tpu.memory_space<vmem>> -> memref<128x128xf32, #tpu.memory_space<vmem>>
          %dma_wait3A_45 = arith.constant 0 : i32
          %dma_wait3A_46 = tpu.memref_slice %arg10[%scan3A_33, %dma_wait3A_45] : memref<25x128xi32, #tpu.memory_space<vmem>> -> memref<1x128xi32, #tpu.memory_space<vmem>>
          %dma_wait3A_47 = tpu.memref_squeeze %dma_wait3A_46 : memref<1x128xi32, #tpu.memory_space<vmem>> -> memref<128xi32, #tpu.memory_space<vmem>>
          %dma_wait3A_48 = arith.constant 0 : i32
          %dma_wait3A_49 = arith.constant 0 : i32
          %dma_wait3A_50 = tpu.memref_slice %arg15[%dma_wait3A_48, %dma_wait3A_49] : memref<10000x128xf32, #tpu.memory_space<vmem_shared>> -> memref<10000x128xf32, #tpu.memory_space<vmem_shared>>
          tpu.wait_indirect_dma semaphore(%run_scoped3A_34 : memref<!tpu.dma_semaphore, #tpu.memory_space<semaphore_mem>>) src(%dma_wait3A_44 : memref<128x128xf32, #tpu.memory_space<vmem>>) dst(%dma_wait3A_50 : memref<10000x128xf32, #tpu.memory_space<vmem_shared>>)
          tpu.yield
        }) : () -> ()
      }
      %scan3A_32 = arith.constant 25 : i32
    } else {
    }
    %barrier3A_8 = arith.constant 0 : index
    tpu.barrier barrier_id(%barrier3A_8)
    %mul3A_9 = arith.constant 625 : i32
    %mul3A_10 = arith.muli %arg1, %mul3A_9 : i32
    %mul3A_11 = arith.constant 10240 : i32
    %mul3A_12 = arith.muli %arg0, %mul3A_11 : i32
    %mul3A_13 = arith.constant 625 : i32
    %mul3A_14 = arith.muli %arg1, %mul3A_13 : i32
    %add3A = arith.addi %mul3A_12, %mul3A_14 : i32
    "tpu.region"() ({
      %run_scoped3A = tpu.sem_alloc : memref<!tpu.dma_semaphore, #tpu.memory_space<semaphore_mem>>
      %dma_start3A = arith.constant 0 : i32
      %dma_start3A_15 = tpu.memref_slice %arg6[%add3A, %dma_start3A] : memref<20480x128xf32, #tpu.memory_space<hbm>> -> memref<625x128xf32, #tpu.memory_space<hbm>>
      %dma_start3A_16 = arith.constant 0 : i32
      %dma_start3A_17 = tpu.memref_slice %arg15[%mul3A_10, %dma_start3A_16] : memref<10000x128xf32, #tpu.memory_space<vmem_shared>> -> memref<625x128xf32, #tpu.memory_space<vmem_shared>>
      tpu.enqueue_dma source(%dma_start3A_17 : memref<625x128xf32, #tpu.memory_space<vmem_shared>>) target(%dma_start3A_15 : memref<625x128xf32, #tpu.memory_space<hbm>>) target_semaphore(%run_scoped3A : memref<!tpu.dma_semaphore, #tpu.memory_space<semaphore_mem>>)
      %dma_wait3A = arith.constant 0 : i32
      %dma_wait3A_18 = tpu.memref_slice %arg6[%add3A, %dma_wait3A] : memref<20480x128xf32, #tpu.memory_space<hbm>> -> memref<625x128xf32, #tpu.memory_space<hbm>>
      %dma_wait3A_19 = arith.constant 0 : i32
      %dma_wait3A_20 = tpu.memref_slice %arg15[%mul3A_10, %dma_wait3A_19] : memref<10000x128xf32, #tpu.memory_space<vmem_shared>> -> memref<625x128xf32, #tpu.memory_space<vmem_shared>>
      tpu.wait_dma2 semaphore(%run_scoped3A : memref<!tpu.dma_semaphore, #tpu.memory_space<semaphore_mem>>) src(%dma_wait3A_20 : memref<625x128xf32, #tpu.memory_space<vmem_shared>>) dst(%dma_wait3A_18 : memref<625x128xf32, #tpu.memory_space<hbm>>)
      tpu.yield
    }) : () -> ()
    return
  }
}

#map = affine_map<(d0, d1) -> (0, 0)>
#map1 = affine_map<(d0, d1) -> (0, 0, 0, 0, 0)>
module attributes {stable_mosaic.version = 14 : i64} {
  func.func @body(%arg0: i32, %arg1: i32, %arg2: memref<10240x144xf32, #tpu.memory_space<hbm>>, %arg3: memref<16x2x2x108x64xi32, #tpu.memory_space<hbm>>, %arg4: memref<16x2x2x25x128xi32, #tpu.memory_space<hbm>>, %arg5: memref<625x144xf32, #tpu.memory_space<hbm>>, %arg6: memref<20480x144xf32, #tpu.memory_space<hbm>>, %arg7: memref<108x64xi32, #tpu.memory_space<vmem>>, %arg8: memref<108x64xi32, #tpu.memory_space<vmem>>, %arg9: memref<25x128xi32, #tpu.memory_space<vmem>>, %arg10: memref<25x128xi32, #tpu.memory_space<vmem>>, %arg11: memref<128x144xf32, #tpu.memory_space<vmem>>, %arg12: memref<!tpu.dma_semaphore, #tpu.memory_space<semaphore_mem>>, %arg13: memref<!tpu.dma_semaphore, #tpu.memory_space<semaphore_mem>>, %arg14: memref<10000x144xf32, #tpu.memory_space<vmem_shared>>) attributes {dimension_semantics = [#tpu.dimension_semantics<core_parallel>, #tpu.dimension_semantics<subcore_parallel>], iteration_bounds = array<i64: 2, 16>, scalar_prefetch = 0 : i64, scratch_operands = 8 : i64, tpu.core_type = #tpu.core_type<sc_vector_subcore>, window_params = [{transform_indices = #map}, {transform_indices = #map1}, {transform_indices = #map1}, {transform_indices = #map}, {transform_indices = #map}]} {
    %mul3A = arith.constant 625 : i32
    %mul3A_0 = arith.muli %arg1, %mul3A : i32
    "tpu.region"() ({
      %run_scoped3A = tpu.sem_alloc : memref<!tpu.dma_semaphore, #tpu.memory_space<semaphore_mem>>
      %dma_start3A = arith.constant 0 : i32
      %dma_start3A_15 = tpu.memref_slice %arg14[%mul3A_0, %dma_start3A] : memref<10000x144xf32, #tpu.memory_space<vmem_shared>> -> memref<625x144xf32, #tpu.memory_space<vmem_shared>>
      tpu.enqueue_dma source(%arg5 : memref<625x144xf32, #tpu.memory_space<hbm>>) target(%dma_start3A_15 : memref<625x144xf32, #tpu.memory_space<vmem_shared>>) target_semaphore(%run_scoped3A : memref<!tpu.dma_semaphore, #tpu.memory_space<semaphore_mem>>)
      %dma_wait3A = arith.constant 0 : i32
      %dma_wait3A_16 = tpu.memref_slice %arg14[%mul3A_0, %dma_wait3A] : memref<10000x144xf32, #tpu.memory_space<vmem_shared>> -> memref<625x144xf32, #tpu.memory_space<vmem_shared>>
      tpu.wait_dma2 semaphore(%run_scoped3A : memref<!tpu.dma_semaphore, #tpu.memory_space<semaphore_mem>>) src(%arg5 : memref<625x144xf32, #tpu.memory_space<hbm>>) dst(%dma_wait3A_16 : memref<625x144xf32, #tpu.memory_space<vmem_shared>>)
      tpu.yield
    }) : () -> ()
    %barrier3A = arith.constant 0 : index
    tpu.barrier barrier_id(%barrier3A)
    %eq3A = arith.constant 0 : i32
    %eq3A_1 = arith.cmpi eq, %arg0, %eq3A : i32
    %convert_element_type3A = arith.extui %eq3A_1 : i1 to i32
    %cond3A = arith.constant 0 : i32
    %cond3A_2 = arith.cmpi ne, %convert_element_type3A, %cond3A : i32
    scf.if %cond3A_2 {
      %run_scoped3A = arith.constant 0 : i32
      %run_scoped3A_15 = arith.constant 0 : i32
      "tpu.region"() ({
        %run_scoped3A_115 = tpu.sem_alloc : memref<!tpu.dma_semaphore, #tpu.memory_space<semaphore_mem>>
        %dma_start3A_116 = arith.constant 0 : i32
        %dma_start3A_117 = arith.constant 0 : i32
        %dma_start3A_118 = tpu.memref_slice %arg3[%arg1, %run_scoped3A, %run_scoped3A_15, %dma_start3A_116, %dma_start3A_117] : memref<16x2x2x108x64xi32, #tpu.memory_space<hbm>> -> memref<1x1x1x108x64xi32, #tpu.memory_space<hbm>>
        %dma_start3A_119 = tpu.memref_squeeze %dma_start3A_118 : memref<1x1x1x108x64xi32, #tpu.memory_space<hbm>> -> memref<108x64xi32, #tpu.memory_space<hbm>>
        %dma_start3A_120 = arith.constant 0 : i32
        %dma_start3A_121 = arith.constant 0 : i32
        %dma_start3A_122 = tpu.memref_slice %arg3[%arg1, %run_scoped3A, %run_scoped3A_15, %dma_start3A_120, %dma_start3A_121] : memref<16x2x2x108x64xi32, #tpu.memory_space<hbm>> -> memref<1x1x1x108x64xi32, #tpu.memory_space<hbm>>
        %dma_start3A_123 = tpu.memref_squeeze %dma_start3A_122 : memref<1x1x1x108x64xi32, #tpu.memory_space<hbm>> -> memref<108x64xi32, #tpu.memory_space<hbm>>
        tpu.enqueue_dma source(%dma_start3A_123 : memref<108x64xi32, #tpu.memory_space<hbm>>) target(%arg7 : memref<108x64xi32, #tpu.memory_space<vmem>>) target_semaphore(%run_scoped3A_115 : memref<!tpu.dma_semaphore, #tpu.memory_space<semaphore_mem>>)
        %dma_wait3A_124 = arith.constant 0 : i32
        %dma_wait3A_125 = arith.constant 0 : i32
        %dma_wait3A_126 = tpu.memref_slice %arg3[%arg1, %run_scoped3A, %run_scoped3A_15, %dma_wait3A_124, %dma_wait3A_125] : memref<16x2x2x108x64xi32, #tpu.memory_space<hbm>> -> memref<1x1x1x108x64xi32, #tpu.memory_space<hbm>>
        %dma_wait3A_127 = tpu.memref_squeeze %dma_wait3A_126 : memref<1x1x1x108x64xi32, #tpu.memory_space<hbm>> -> memref<108x64xi32, #tpu.memory_space<hbm>>
        %dma_wait3A_128 = arith.constant 0 : i32
        %dma_wait3A_129 = arith.constant 0 : i32
        %dma_wait3A_130 = tpu.memref_slice %arg3[%arg1, %run_scoped3A, %run_scoped3A_15, %dma_wait3A_128, %dma_wait3A_129] : memref<16x2x2x108x64xi32, #tpu.memory_space<hbm>> -> memref<1x1x1x108x64xi32, #tpu.memory_space<hbm>>
        %dma_wait3A_131 = tpu.memref_squeeze %dma_wait3A_130 : memref<1x1x1x108x64xi32, #tpu.memory_space<hbm>> -> memref<108x64xi32, #tpu.memory_space<hbm>>
        tpu.wait_dma2 semaphore(%run_scoped3A_115 : memref<!tpu.dma_semaphore, #tpu.memory_space<semaphore_mem>>) src(%dma_wait3A_131 : memref<108x64xi32, #tpu.memory_space<hbm>>) dst(%arg7 : memref<108x64xi32, #tpu.memory_space<vmem>>)
        tpu.yield
      }) : () -> ()
      %run_scoped3A_16 = arith.constant 0 : i32
      %run_scoped3A_17 = arith.constant 1 : i32
      "tpu.region"() ({
        %run_scoped3A_115 = tpu.sem_alloc : memref<!tpu.dma_semaphore, #tpu.memory_space<semaphore_mem>>
        %dma_start3A_116 = arith.constant 0 : i32
        %dma_start3A_117 = arith.constant 0 : i32
        %dma_start3A_118 = tpu.memref_slice %arg3[%arg1, %run_scoped3A_16, %run_scoped3A_17, %dma_start3A_116, %dma_start3A_117] : memref<16x2x2x108x64xi32, #tpu.memory_space<hbm>> -> memref<1x1x1x108x64xi32, #tpu.memory_space<hbm>>
        %dma_start3A_119 = tpu.memref_squeeze %dma_start3A_118 : memref<1x1x1x108x64xi32, #tpu.memory_space<hbm>> -> memref<108x64xi32, #tpu.memory_space<hbm>>
        %dma_start3A_120 = arith.constant 0 : i32
        %dma_start3A_121 = arith.constant 0 : i32
        %dma_start3A_122 = tpu.memref_slice %arg3[%arg1, %run_scoped3A_16, %run_scoped3A_17, %dma_start3A_120, %dma_start3A_121] : memref<16x2x2x108x64xi32, #tpu.memory_space<hbm>> -> memref<1x1x1x108x64xi32, #tpu.memory_space<hbm>>
        %dma_start3A_123 = tpu.memref_squeeze %dma_start3A_122 : memref<1x1x1x108x64xi32, #tpu.memory_space<hbm>> -> memref<108x64xi32, #tpu.memory_space<hbm>>
        tpu.enqueue_dma source(%dma_start3A_123 : memref<108x64xi32, #tpu.memory_space<hbm>>) target(%arg8 : memref<108x64xi32, #tpu.memory_space<vmem>>) target_semaphore(%run_scoped3A_115 : memref<!tpu.dma_semaphore, #tpu.memory_space<semaphore_mem>>)
        %dma_wait3A_124 = arith.constant 0 : i32
        %dma_wait3A_125 = arith.constant 0 : i32
        %dma_wait3A_126 = tpu.memref_slice %arg3[%arg1, %run_scoped3A_16, %run_scoped3A_17, %dma_wait3A_124, %dma_wait3A_125] : memref<16x2x2x108x64xi32, #tpu.memory_space<hbm>> -> memref<1x1x1x108x64xi32, #tpu.memory_space<hbm>>
        %dma_wait3A_127 = tpu.memref_squeeze %dma_wait3A_126 : memref<1x1x1x108x64xi32, #tpu.memory_space<hbm>> -> memref<108x64xi32, #tpu.memory_space<hbm>>
        %dma_wait3A_128 = arith.constant 0 : i32
        %dma_wait3A_129 = arith.constant 0 : i32
        %dma_wait3A_130 = tpu.memref_slice %arg3[%arg1, %run_scoped3A_16, %run_scoped3A_17, %dma_wait3A_128, %dma_wait3A_129] : memref<16x2x2x108x64xi32, #tpu.memory_space<hbm>> -> memref<1x1x1x108x64xi32, #tpu.memory_space<hbm>>
        %dma_wait3A_131 = tpu.memref_squeeze %dma_wait3A_130 : memref<1x1x1x108x64xi32, #tpu.memory_space<hbm>> -> memref<108x64xi32, #tpu.memory_space<hbm>>
        tpu.wait_dma2 semaphore(%run_scoped3A_115 : memref<!tpu.dma_semaphore, #tpu.memory_space<semaphore_mem>>) src(%dma_wait3A_131 : memref<108x64xi32, #tpu.memory_space<hbm>>) dst(%arg8 : memref<108x64xi32, #tpu.memory_space<vmem>>)
        tpu.yield
      }) : () -> ()
      %dma_start3A = arith.constant 0 : i32
      %dma_start3A_18 = arith.constant 0 : i32
      %dma_start3A_19 = arith.constant 0 : i32
      %dma_start3A_20 = tpu.memref_slice %arg11[%dma_start3A_18, %dma_start3A_19] : memref<128x144xf32, #tpu.memory_space<vmem>> -> memref<64x144xf32, #tpu.memory_space<vmem>>
      %dma_start3A_21 = arith.constant 0 : i32
      %dma_start3A_22 = tpu.memref_slice %arg7[%dma_start3A, %dma_start3A_21] : memref<108x64xi32, #tpu.memory_space<vmem>> -> memref<1x64xi32, #tpu.memory_space<vmem>>
      %dma_start3A_23 = tpu.memref_squeeze %dma_start3A_22 : memref<1x64xi32, #tpu.memory_space<vmem>> -> memref<64xi32, #tpu.memory_space<vmem>>
      %dma_start3A_24 = arith.constant 0 : i32
      %dma_start3A_25 = arith.constant 0 : i32
      %dma_start3A_26 = tpu.memref_slice %arg2[%dma_start3A_24, %dma_start3A_25] : memref<10240x144xf32, #tpu.memory_space<hbm>> -> memref<10240x144xf32, #tpu.memory_space<hbm>>
      tpu.enqueue_indirect_dma source(%dma_start3A_26 : memref<10240x144xf32, #tpu.memory_space<hbm>>) target(%dma_start3A_20 : memref<64x144xf32, #tpu.memory_space<vmem>>) offsets(%dma_start3A_23 : memref<64xi32, #tpu.memory_space<vmem>>) semaphore(%arg12 : memref<!tpu.dma_semaphore, #tpu.memory_space<semaphore_mem>>)
      %dma_start3A_27 = arith.constant 1 : i32
      %dma_start3A_28 = arith.constant 64 : i32
      %dma_start3A_29 = arith.constant 0 : i32
      %dma_start3A_30 = tpu.memref_slice %arg11[%dma_start3A_28, %dma_start3A_29] : memref<128x144xf32, #tpu.memory_space<vmem>> -> memref<64x144xf32, #tpu.memory_space<vmem>>
      %dma_start3A_31 = arith.constant 0 : i32
      %dma_start3A_32 = tpu.memref_slice %arg7[%dma_start3A_27, %dma_start3A_31] : memref<108x64xi32, #tpu.memory_space<vmem>> -> memref<1x64xi32, #tpu.memory_space<vmem>>
      %dma_start3A_33 = tpu.memref_squeeze %dma_start3A_32 : memref<1x64xi32, #tpu.memory_space<vmem>> -> memref<64xi32, #tpu.memory_space<vmem>>
      %dma_start3A_34 = arith.constant 0 : i32
      %dma_start3A_35 = arith.constant 0 : i32
      %dma_start3A_36 = tpu.memref_slice %arg2[%dma_start3A_34, %dma_start3A_35] : memref<10240x144xf32, #tpu.memory_space<hbm>> -> memref<10240x144xf32, #tpu.memory_space<hbm>>
      tpu.enqueue_indirect_dma source(%dma_start3A_36 : memref<10240x144xf32, #tpu.memory_space<hbm>>) target(%dma_start3A_30 : memref<64x144xf32, #tpu.memory_space<vmem>>) offsets(%dma_start3A_33 : memref<64xi32, #tpu.memory_space<vmem>>) semaphore(%arg13 : memref<!tpu.dma_semaphore, #tpu.memory_space<semaphore_mem>>)
      %scan3A = arith.constant 0 : i32
      %scan3A_37 = arith.constant 0 : i32
      %scan3A_38 = arith.constant 53 : i32
      %scan3A_39 = arith.addi %scan3A_37, %scan3A_38 : i32
      %scan3A_40 = arith.constant 1 : i32
      scf.for %scan3A_115 = %scan3A_37 to %scan3A_39 step %scan3A_40  : i32 {
        %mul3A_116 = arith.constant 2 : i32
        %mul3A_117 = arith.muli %scan3A_115, %mul3A_116 : i32
        %add3A_118 = arith.constant 0 : i32
        %add3A_119 = arith.addi %mul3A_117, %add3A_118 : i32
        %dma_wait3A_120 = arith.constant 0 : i32
        %dma_wait3A_121 = arith.constant 0 : i32
        %dma_wait3A_122 = tpu.memref_slice %arg11[%dma_wait3A_120, %dma_wait3A_121] : memref<128x144xf32, #tpu.memory_space<vmem>> -> memref<64x144xf32, #tpu.memory_space<vmem>>
        %dma_wait3A_123 = arith.constant 0 : i32
        %dma_wait3A_124 = tpu.memref_slice %arg7[%add3A_119, %dma_wait3A_123] : memref<108x64xi32, #tpu.memory_space<vmem>> -> memref<1x64xi32, #tpu.memory_space<vmem>>
        %dma_wait3A_125 = tpu.memref_squeeze %dma_wait3A_124 : memref<1x64xi32, #tpu.memory_space<vmem>> -> memref<64xi32, #tpu.memory_space<vmem>>
        %dma_wait3A_126 = arith.constant 0 : i32
        %dma_wait3A_127 = arith.constant 0 : i32
        %dma_wait3A_128 = tpu.memref_slice %arg2[%dma_wait3A_126, %dma_wait3A_127] : memref<10240x144xf32, #tpu.memory_space<hbm>> -> memref<10240x144xf32, #tpu.memory_space<hbm>>
        tpu.wait_indirect_dma semaphore(%arg12 : memref<!tpu.dma_semaphore, #tpu.memory_space<semaphore_mem>>) src(%dma_wait3A_128 : memref<10240x144xf32, #tpu.memory_space<hbm>>) dst(%dma_wait3A_122 : memref<64x144xf32, #tpu.memory_space<vmem>>)
        "tpu.region"() ({
          %run_scoped3A_164 = tpu.sem_alloc : memref<!tpu.dma_semaphore, #tpu.memory_space<semaphore_mem>>
          %dma_start3A_165 = arith.constant 0 : i32
          %dma_start3A_166 = arith.constant 0 : i32
          %dma_start3A_167 = tpu.memref_slice %arg11[%dma_start3A_165, %dma_start3A_166] : memref<128x144xf32, #tpu.memory_space<vmem>> -> memref<64x144xf32, #tpu.memory_space<vmem>>
          %dma_start3A_168 = arith.constant 0 : i32
          %dma_start3A_169 = tpu.memref_slice %arg8[%add3A_119, %dma_start3A_168] : memref<108x64xi32, #tpu.memory_space<vmem>> -> memref<1x64xi32, #tpu.memory_space<vmem>>
          %dma_start3A_170 = tpu.memref_squeeze %dma_start3A_169 : memref<1x64xi32, #tpu.memory_space<vmem>> -> memref<64xi32, #tpu.memory_space<vmem>>
          %dma_start3A_171 = arith.constant 0 : i32
          %dma_start3A_172 = arith.constant 0 : i32
          %dma_start3A_173 = tpu.memref_slice %arg14[%dma_start3A_171, %dma_start3A_172] : memref<10000x144xf32, #tpu.memory_space<vmem_shared>> -> memref<10000x144xf32, #tpu.memory_space<vmem_shared>>
          tpu.enqueue_indirect_dma source(%dma_start3A_167 : memref<64x144xf32, #tpu.memory_space<vmem>>) target(%dma_start3A_173 : memref<10000x144xf32, #tpu.memory_space<vmem_shared>>) offsets(%dma_start3A_170 : memref<64xi32, #tpu.memory_space<vmem>>) semaphore(%run_scoped3A_164 : memref<!tpu.dma_semaphore, #tpu.memory_space<semaphore_mem>>) {add = true}
          %dma_wait3A_174 = arith.constant 0 : i32
          %dma_wait3A_175 = arith.constant 0 : i32
          %dma_wait3A_176 = tpu.memref_slice %arg11[%dma_wait3A_174, %dma_wait3A_175] : memref<128x144xf32, #tpu.memory_space<vmem>> -> memref<64x144xf32, #tpu.memory_space<vmem>>
          %dma_wait3A_177 = arith.constant 0 : i32
          %dma_wait3A_178 = tpu.memref_slice %arg8[%add3A_119, %dma_wait3A_177] : memref<108x64xi32, #tpu.memory_space<vmem>> -> memref<1x64xi32, #tpu.memory_space<vmem>>
          %dma_wait3A_179 = tpu.memref_squeeze %dma_wait3A_178 : memref<1x64xi32, #tpu.memory_space<vmem>> -> memref<64xi32, #tpu.memory_space<vmem>>
          %dma_wait3A_180 = arith.constant 0 : i32
          %dma_wait3A_181 = arith.constant 0 : i32
          %dma_wait3A_182 = tpu.memref_slice %arg14[%dma_wait3A_180, %dma_wait3A_181] : memref<10000x144xf32, #tpu.memory_space<vmem_shared>> -> memref<10000x144xf32, #tpu.memory_space<vmem_shared>>
          tpu.wait_indirect_dma semaphore(%run_scoped3A_164 : memref<!tpu.dma_semaphore, #tpu.memory_space<semaphore_mem>>) src(%dma_wait3A_176 : memref<64x144xf32, #tpu.memory_space<vmem>>) dst(%dma_wait3A_182 : memref<10000x144xf32, #tpu.memory_space<vmem_shared>>)
          tpu.yield
        }) : () -> ()
        %add3A_129 = arith.constant 2 : i32
        %add3A_130 = arith.addi %add3A_119, %add3A_129 : i32
        %dma_start3A_131 = arith.constant 0 : i32
        %dma_start3A_132 = arith.constant 0 : i32
        %dma_start3A_133 = tpu.memref_slice %arg11[%dma_start3A_131, %dma_start3A_132] : memref<128x144xf32, #tpu.memory_space<vmem>> -> memref<64x144xf32, #tpu.memory_space<vmem>>
        %dma_start3A_134 = arith.constant 0 : i32
        %dma_start3A_135 = tpu.memref_slice %arg7[%add3A_130, %dma_start3A_134] : memref<108x64xi32, #tpu.memory_space<vmem>> -> memref<1x64xi32, #tpu.memory_space<vmem>>
        %dma_start3A_136 = tpu.memref_squeeze %dma_start3A_135 : memref<1x64xi32, #tpu.memory_space<vmem>> -> memref<64xi32, #tpu.memory_space<vmem>>
        %dma_start3A_137 = arith.constant 0 : i32
        %dma_start3A_138 = arith.constant 0 : i32
        %dma_start3A_139 = tpu.memref_slice %arg2[%dma_start3A_137, %dma_start3A_138] : memref<10240x144xf32, #tpu.memory_space<hbm>> -> memref<10240x144xf32, #tpu.memory_space<hbm>>
        tpu.enqueue_indirect_dma source(%dma_start3A_139 : memref<10240x144xf32, #tpu.memory_space<hbm>>) target(%dma_start3A_133 : memref<64x144xf32, #tpu.memory_space<vmem>>) offsets(%dma_start3A_136 : memref<64xi32, #tpu.memory_space<vmem>>) semaphore(%arg12 : memref<!tpu.dma_semaphore, #tpu.memory_space<semaphore_mem>>)
        %mul3A_140 = arith.constant 2 : i32
        %mul3A_141 = arith.muli %scan3A_115, %mul3A_140 : i32
        %add3A_142 = arith.constant 1 : i32
        %add3A_143 = arith.addi %mul3A_141, %add3A_142 : i32
        %dma_wait3A_144 = arith.constant 64 : i32
        %dma_wait3A_145 = arith.constant 0 : i32
        %dma_wait3A_146 = tpu.memref_slice %arg11[%dma_wait3A_144, %dma_wait3A_145] : memref<128x144xf32, #tpu.memory_space<vmem>> -> memref<64x144xf32, #tpu.memory_space<vmem>>
        %dma_wait3A_147 = arith.constant 0 : i32
        %dma_wait3A_148 = tpu.memref_slice %arg7[%add3A_143, %dma_wait3A_147] : memref<108x64xi32, #tpu.memory_space<vmem>> -> memref<1x64xi32, #tpu.memory_space<vmem>>
        %dma_wait3A_149 = tpu.memref_squeeze %dma_wait3A_148 : memref<1x64xi32, #tpu.memory_space<vmem>> -> memref<64xi32, #tpu.memory_space<vmem>>
        %dma_wait3A_150 = arith.constant 0 : i32
        %dma_wait3A_151 = arith.constant 0 : i32
        %dma_wait3A_152 = tpu.memref_slice %arg2[%dma_wait3A_150, %dma_wait3A_151] : memref<10240x144xf32, #tpu.memory_space<hbm>> -> memref<10240x144xf32, #tpu.memory_space<hbm>>
        tpu.wait_indirect_dma semaphore(%arg13 : memref<!tpu.dma_semaphore, #tpu.memory_space<semaphore_mem>>) src(%dma_wait3A_152 : memref<10240x144xf32, #tpu.memory_space<hbm>>) dst(%dma_wait3A_146 : memref<64x144xf32, #tpu.memory_space<vmem>>)
        "tpu.region"() ({
          %run_scoped3A_164 = tpu.sem_alloc : memref<!tpu.dma_semaphore, #tpu.memory_space<semaphore_mem>>
          %dma_start3A_165 = arith.constant 64 : i32
          %dma_start3A_166 = arith.constant 0 : i32
          %dma_start3A_167 = tpu.memref_slice %arg11[%dma_start3A_165, %dma_start3A_166] : memref<128x144xf32, #tpu.memory_space<vmem>> -> memref<64x144xf32, #tpu.memory_space<vmem>>
          %dma_start3A_168 = arith.constant 0 : i32
          %dma_start3A_169 = tpu.memref_slice %arg8[%add3A_143, %dma_start3A_168] : memref<108x64xi32, #tpu.memory_space<vmem>> -> memref<1x64xi32, #tpu.memory_space<vmem>>
          %dma_start3A_170 = tpu.memref_squeeze %dma_start3A_169 : memref<1x64xi32, #tpu.memory_space<vmem>> -> memref<64xi32, #tpu.memory_space<vmem>>
          %dma_start3A_171 = arith.constant 0 : i32
          %dma_start3A_172 = arith.constant 0 : i32
          %dma_start3A_173 = tpu.memref_slice %arg14[%dma_start3A_171, %dma_start3A_172] : memref<10000x144xf32, #tpu.memory_space<vmem_shared>> -> memref<10000x144xf32, #tpu.memory_space<vmem_shared>>
          tpu.enqueue_indirect_dma source(%dma_start3A_167 : memref<64x144xf32, #tpu.memory_space<vmem>>) target(%dma_start3A_173 : memref<10000x144xf32, #tpu.memory_space<vmem_shared>>) offsets(%dma_start3A_170 : memref<64xi32, #tpu.memory_space<vmem>>) semaphore(%run_scoped3A_164 : memref<!tpu.dma_semaphore, #tpu.memory_space<semaphore_mem>>) {add = true}
          %dma_wait3A_174 = arith.constant 64 : i32
          %dma_wait3A_175 = arith.constant 0 : i32
          %dma_wait3A_176 = tpu.memref_slice %arg11[%dma_wait3A_174, %dma_wait3A_175] : memref<128x144xf32, #tpu.memory_space<vmem>> -> memref<64x144xf32, #tpu.memory_space<vmem>>
          %dma_wait3A_177 = arith.constant 0 : i32
          %dma_wait3A_178 = tpu.memref_slice %arg8[%add3A_143, %dma_wait3A_177] : memref<108x64xi32, #tpu.memory_space<vmem>> -> memref<1x64xi32, #tpu.memory_space<vmem>>
          %dma_wait3A_179 = tpu.memref_squeeze %dma_wait3A_178 : memref<1x64xi32, #tpu.memory_space<vmem>> -> memref<64xi32, #tpu.memory_space<vmem>>
          %dma_wait3A_180 = arith.constant 0 : i32
          %dma_wait3A_181 = arith.constant 0 : i32
          %dma_wait3A_182 = tpu.memref_slice %arg14[%dma_wait3A_180, %dma_wait3A_181] : memref<10000x144xf32, #tpu.memory_space<vmem_shared>> -> memref<10000x144xf32, #tpu.memory_space<vmem_shared>>
          tpu.wait_indirect_dma semaphore(%run_scoped3A_164 : memref<!tpu.dma_semaphore, #tpu.memory_space<semaphore_mem>>) src(%dma_wait3A_176 : memref<64x144xf32, #tpu.memory_space<vmem>>) dst(%dma_wait3A_182 : memref<10000x144xf32, #tpu.memory_space<vmem_shared>>)
          tpu.yield
        }) : () -> ()
        %add3A_153 = arith.constant 2 : i32
        %add3A_154 = arith.addi %add3A_143, %add3A_153 : i32
        %dma_start3A_155 = arith.constant 64 : i32
        %dma_start3A_156 = arith.constant 0 : i32
        %dma_start3A_157 = tpu.memref_slice %arg11[%dma_start3A_155, %dma_start3A_156] : memref<128x144xf32, #tpu.memory_space<vmem>> -> memref<64x144xf32, #tpu.memory_space<vmem>>
        %dma_start3A_158 = arith.constant 0 : i32
        %dma_start3A_159 = tpu.memref_slice %arg7[%add3A_154, %dma_start3A_158] : memref<108x64xi32, #tpu.memory_space<vmem>> -> memref<1x64xi32, #tpu.memory_space<vmem>>
        %dma_start3A_160 = tpu.memref_squeeze %dma_start3A_159 : memref<1x64xi32, #tpu.memory_space<vmem>> -> memref<64xi32, #tpu.memory_space<vmem>>
        %dma_start3A_161 = arith.constant 0 : i32
        %dma_start3A_162 = arith.constant 0 : i32
        %dma_start3A_163 = tpu.memref_slice %arg2[%dma_start3A_161, %dma_start3A_162] : memref<10240x144xf32, #tpu.memory_space<hbm>> -> memref<10240x144xf32, #tpu.memory_space<hbm>>
        tpu.enqueue_indirect_dma source(%dma_start3A_163 : memref<10240x144xf32, #tpu.memory_space<hbm>>) target(%dma_start3A_157 : memref<64x144xf32, #tpu.memory_space<vmem>>) offsets(%dma_start3A_160 : memref<64xi32, #tpu.memory_space<vmem>>) semaphore(%arg13 : memref<!tpu.dma_semaphore, #tpu.memory_space<semaphore_mem>>)
      }
      %scan3A_41 = arith.constant 53 : i32
      %dma_wait3A = arith.constant 106 : i32
      %dma_wait3A_42 = arith.constant 0 : i32
      %dma_wait3A_43 = arith.constant 0 : i32
      %dma_wait3A_44 = tpu.memref_slice %arg11[%dma_wait3A_42, %dma_wait3A_43] : memref<128x144xf32, #tpu.memory_space<vmem>> -> memref<64x144xf32, #tpu.memory_space<vmem>>
      %dma_wait3A_45 = arith.constant 0 : i32
      %dma_wait3A_46 = tpu.memref_slice %arg7[%dma_wait3A, %dma_wait3A_45] : memref<108x64xi32, #tpu.memory_space<vmem>> -> memref<1x64xi32, #tpu.memory_space<vmem>>
      %dma_wait3A_47 = tpu.memref_squeeze %dma_wait3A_46 : memref<1x64xi32, #tpu.memory_space<vmem>> -> memref<64xi32, #tpu.memory_space<vmem>>
      %dma_wait3A_48 = arith.constant 0 : i32
      %dma_wait3A_49 = arith.constant 0 : i32
      %dma_wait3A_50 = tpu.memref_slice %arg2[%dma_wait3A_48, %dma_wait3A_49] : memref<10240x144xf32, #tpu.memory_space<hbm>> -> memref<10240x144xf32, #tpu.memory_space<hbm>>
      tpu.wait_indirect_dma semaphore(%arg12 : memref<!tpu.dma_semaphore, #tpu.memory_space<semaphore_mem>>) src(%dma_wait3A_50 : memref<10240x144xf32, #tpu.memory_space<hbm>>) dst(%dma_wait3A_44 : memref<64x144xf32, #tpu.memory_space<vmem>>)
      %run_scoped3A_51 = arith.constant 106 : i32
      "tpu.region"() ({
        %run_scoped3A_115 = tpu.sem_alloc : memref<!tpu.dma_semaphore, #tpu.memory_space<semaphore_mem>>
        %dma_start3A_116 = arith.constant 0 : i32
        %dma_start3A_117 = arith.constant 0 : i32
        %dma_start3A_118 = tpu.memref_slice %arg11[%dma_start3A_116, %dma_start3A_117] : memref<128x144xf32, #tpu.memory_space<vmem>> -> memref<64x144xf32, #tpu.memory_space<vmem>>
        %dma_start3A_119 = arith.constant 0 : i32
        %dma_start3A_120 = tpu.memref_slice %arg8[%run_scoped3A_51, %dma_start3A_119] : memref<108x64xi32, #tpu.memory_space<vmem>> -> memref<1x64xi32, #tpu.memory_space<vmem>>
        %dma_start3A_121 = tpu.memref_squeeze %dma_start3A_120 : memref<1x64xi32, #tpu.memory_space<vmem>> -> memref<64xi32, #tpu.memory_space<vmem>>
        %dma_start3A_122 = arith.constant 0 : i32
        %dma_start3A_123 = arith.constant 0 : i32
        %dma_start3A_124 = tpu.memref_slice %arg14[%dma_start3A_122, %dma_start3A_123] : memref<10000x144xf32, #tpu.memory_space<vmem_shared>> -> memref<10000x144xf32, #tpu.memory_space<vmem_shared>>
        tpu.enqueue_indirect_dma source(%dma_start3A_118 : memref<64x144xf32, #tpu.memory_space<vmem>>) target(%dma_start3A_124 : memref<10000x144xf32, #tpu.memory_space<vmem_shared>>) offsets(%dma_start3A_121 : memref<64xi32, #tpu.memory_space<vmem>>) semaphore(%run_scoped3A_115 : memref<!tpu.dma_semaphore, #tpu.memory_space<semaphore_mem>>) {add = true}
        %dma_wait3A_125 = arith.constant 0 : i32
        %dma_wait3A_126 = arith.constant 0 : i32
        %dma_wait3A_127 = tpu.memref_slice %arg11[%dma_wait3A_125, %dma_wait3A_126] : memref<128x144xf32, #tpu.memory_space<vmem>> -> memref<64x144xf32, #tpu.memory_space<vmem>>
        %dma_wait3A_128 = arith.constant 0 : i32
        %dma_wait3A_129 = tpu.memref_slice %arg8[%run_scoped3A_51, %dma_wait3A_128] : memref<108x64xi32, #tpu.memory_space<vmem>> -> memref<1x64xi32, #tpu.memory_space<vmem>>
        %dma_wait3A_130 = tpu.memref_squeeze %dma_wait3A_129 : memref<1x64xi32, #tpu.memory_space<vmem>> -> memref<64xi32, #tpu.memory_space<vmem>>
        %dma_wait3A_131 = arith.constant 0 : i32
        %dma_wait3A_132 = arith.constant 0 : i32
        %dma_wait3A_133 = tpu.memref_slice %arg14[%dma_wait3A_131, %dma_wait3A_132] : memref<10000x144xf32, #tpu.memory_space<vmem_shared>> -> memref<10000x144xf32, #tpu.memory_space<vmem_shared>>
        tpu.wait_indirect_dma semaphore(%run_scoped3A_115 : memref<!tpu.dma_semaphore, #tpu.memory_space<semaphore_mem>>) src(%dma_wait3A_127 : memref<64x144xf32, #tpu.memory_space<vmem>>) dst(%dma_wait3A_133 : memref<10000x144xf32, #tpu.memory_space<vmem_shared>>)
        tpu.yield
      }) : () -> ()
      %dma_wait3A_52 = arith.constant 107 : i32
      %dma_wait3A_53 = arith.constant 64 : i32
      %dma_wait3A_54 = arith.constant 0 : i32
      %dma_wait3A_55 = tpu.memref_slice %arg11[%dma_wait3A_53, %dma_wait3A_54] : memref<128x144xf32, #tpu.memory_space<vmem>> -> memref<64x144xf32, #tpu.memory_space<vmem>>
      %dma_wait3A_56 = arith.constant 0 : i32
      %dma_wait3A_57 = tpu.memref_slice %arg7[%dma_wait3A_52, %dma_wait3A_56] : memref<108x64xi32, #tpu.memory_space<vmem>> -> memref<1x64xi32, #tpu.memory_space<vmem>>
      %dma_wait3A_58 = tpu.memref_squeeze %dma_wait3A_57 : memref<1x64xi32, #tpu.memory_space<vmem>> -> memref<64xi32, #tpu.memory_space<vmem>>
      %dma_wait3A_59 = arith.constant 0 : i32
      %dma_wait3A_60 = arith.constant 0 : i32
      %dma_wait3A_61 = tpu.memref_slice %arg2[%dma_wait3A_59, %dma_wait3A_60] : memref<10240x144xf32, #tpu.memory_space<hbm>> -> memref<10240x144xf32, #tpu.memory_space<hbm>>
      tpu.wait_indirect_dma semaphore(%arg13 : memref<!tpu.dma_semaphore, #tpu.memory_space<semaphore_mem>>) src(%dma_wait3A_61 : memref<10240x144xf32, #tpu.memory_space<hbm>>) dst(%dma_wait3A_55 : memref<64x144xf32, #tpu.memory_space<vmem>>)
      %run_scoped3A_62 = arith.constant 107 : i32
      "tpu.region"() ({
        %run_scoped3A_115 = tpu.sem_alloc : memref<!tpu.dma_semaphore, #tpu.memory_space<semaphore_mem>>
        %dma_start3A_116 = arith.constant 64 : i32
        %dma_start3A_117 = arith.constant 0 : i32
        %dma_start3A_118 = tpu.memref_slice %arg11[%dma_start3A_116, %dma_start3A_117] : memref<128x144xf32, #tpu.memory_space<vmem>> -> memref<64x144xf32, #tpu.memory_space<vmem>>
        %dma_start3A_119 = arith.constant 0 : i32
        %dma_start3A_120 = tpu.memref_slice %arg8[%run_scoped3A_62, %dma_start3A_119] : memref<108x64xi32, #tpu.memory_space<vmem>> -> memref<1x64xi32, #tpu.memory_space<vmem>>
        %dma_start3A_121 = tpu.memref_squeeze %dma_start3A_120 : memref<1x64xi32, #tpu.memory_space<vmem>> -> memref<64xi32, #tpu.memory_space<vmem>>
        %dma_start3A_122 = arith.constant 0 : i32
        %dma_start3A_123 = arith.constant 0 : i32
        %dma_start3A_124 = tpu.memref_slice %arg14[%dma_start3A_122, %dma_start3A_123] : memref<10000x144xf32, #tpu.memory_space<vmem_shared>> -> memref<10000x144xf32, #tpu.memory_space<vmem_shared>>
        tpu.enqueue_indirect_dma source(%dma_start3A_118 : memref<64x144xf32, #tpu.memory_space<vmem>>) target(%dma_start3A_124 : memref<10000x144xf32, #tpu.memory_space<vmem_shared>>) offsets(%dma_start3A_121 : memref<64xi32, #tpu.memory_space<vmem>>) semaphore(%run_scoped3A_115 : memref<!tpu.dma_semaphore, #tpu.memory_space<semaphore_mem>>) {add = true}
        %dma_wait3A_125 = arith.constant 64 : i32
        %dma_wait3A_126 = arith.constant 0 : i32
        %dma_wait3A_127 = tpu.memref_slice %arg11[%dma_wait3A_125, %dma_wait3A_126] : memref<128x144xf32, #tpu.memory_space<vmem>> -> memref<64x144xf32, #tpu.memory_space<vmem>>
        %dma_wait3A_128 = arith.constant 0 : i32
        %dma_wait3A_129 = tpu.memref_slice %arg8[%run_scoped3A_62, %dma_wait3A_128] : memref<108x64xi32, #tpu.memory_space<vmem>> -> memref<1x64xi32, #tpu.memory_space<vmem>>
        %dma_wait3A_130 = tpu.memref_squeeze %dma_wait3A_129 : memref<1x64xi32, #tpu.memory_space<vmem>> -> memref<64xi32, #tpu.memory_space<vmem>>
        %dma_wait3A_131 = arith.constant 0 : i32
        %dma_wait3A_132 = arith.constant 0 : i32
        %dma_wait3A_133 = tpu.memref_slice %arg14[%dma_wait3A_131, %dma_wait3A_132] : memref<10000x144xf32, #tpu.memory_space<vmem_shared>> -> memref<10000x144xf32, #tpu.memory_space<vmem_shared>>
        tpu.wait_indirect_dma semaphore(%run_scoped3A_115 : memref<!tpu.dma_semaphore, #tpu.memory_space<semaphore_mem>>) src(%dma_wait3A_127 : memref<64x144xf32, #tpu.memory_space<vmem>>) dst(%dma_wait3A_133 : memref<10000x144xf32, #tpu.memory_space<vmem_shared>>)
        tpu.yield
      }) : () -> ()
      %run_scoped3A_63 = arith.constant 1 : i32
      %run_scoped3A_64 = arith.constant 0 : i32
      "tpu.region"() ({
        %run_scoped3A_115 = tpu.sem_alloc : memref<!tpu.dma_semaphore, #tpu.memory_space<semaphore_mem>>
        %dma_start3A_116 = arith.constant 0 : i32
        %dma_start3A_117 = arith.constant 0 : i32
        %dma_start3A_118 = tpu.memref_slice %arg3[%arg1, %run_scoped3A_63, %run_scoped3A_64, %dma_start3A_116, %dma_start3A_117] : memref<16x2x2x108x64xi32, #tpu.memory_space<hbm>> -> memref<1x1x1x108x64xi32, #tpu.memory_space<hbm>>
        %dma_start3A_119 = tpu.memref_squeeze %dma_start3A_118 : memref<1x1x1x108x64xi32, #tpu.memory_space<hbm>> -> memref<108x64xi32, #tpu.memory_space<hbm>>
        %dma_start3A_120 = arith.constant 0 : i32
        %dma_start3A_121 = arith.constant 0 : i32
        %dma_start3A_122 = tpu.memref_slice %arg3[%arg1, %run_scoped3A_63, %run_scoped3A_64, %dma_start3A_120, %dma_start3A_121] : memref<16x2x2x108x64xi32, #tpu.memory_space<hbm>> -> memref<1x1x1x108x64xi32, #tpu.memory_space<hbm>>
        %dma_start3A_123 = tpu.memref_squeeze %dma_start3A_122 : memref<1x1x1x108x64xi32, #tpu.memory_space<hbm>> -> memref<108x64xi32, #tpu.memory_space<hbm>>
        tpu.enqueue_dma source(%dma_start3A_123 : memref<108x64xi32, #tpu.memory_space<hbm>>) target(%arg7 : memref<108x64xi32, #tpu.memory_space<vmem>>) target_semaphore(%run_scoped3A_115 : memref<!tpu.dma_semaphore, #tpu.memory_space<semaphore_mem>>)
        %dma_wait3A_124 = arith.constant 0 : i32
        %dma_wait3A_125 = arith.constant 0 : i32
        %dma_wait3A_126 = tpu.memref_slice %arg3[%arg1, %run_scoped3A_63, %run_scoped3A_64, %dma_wait3A_124, %dma_wait3A_125] : memref<16x2x2x108x64xi32, #tpu.memory_space<hbm>> -> memref<1x1x1x108x64xi32, #tpu.memory_space<hbm>>
        %dma_wait3A_127 = tpu.memref_squeeze %dma_wait3A_126 : memref<1x1x1x108x64xi32, #tpu.memory_space<hbm>> -> memref<108x64xi32, #tpu.memory_space<hbm>>
        %dma_wait3A_128 = arith.constant 0 : i32
        %dma_wait3A_129 = arith.constant 0 : i32
        %dma_wait3A_130 = tpu.memref_slice %arg3[%arg1, %run_scoped3A_63, %run_scoped3A_64, %dma_wait3A_128, %dma_wait3A_129] : memref<16x2x2x108x64xi32, #tpu.memory_space<hbm>> -> memref<1x1x1x108x64xi32, #tpu.memory_space<hbm>>
        %dma_wait3A_131 = tpu.memref_squeeze %dma_wait3A_130 : memref<1x1x1x108x64xi32, #tpu.memory_space<hbm>> -> memref<108x64xi32, #tpu.memory_space<hbm>>
        tpu.wait_dma2 semaphore(%run_scoped3A_115 : memref<!tpu.dma_semaphore, #tpu.memory_space<semaphore_mem>>) src(%dma_wait3A_131 : memref<108x64xi32, #tpu.memory_space<hbm>>) dst(%arg7 : memref<108x64xi32, #tpu.memory_space<vmem>>)
        tpu.yield
      }) : () -> ()
      %run_scoped3A_65 = arith.constant 1 : i32
      %run_scoped3A_66 = arith.constant 1 : i32
      "tpu.region"() ({
        %run_scoped3A_115 = tpu.sem_alloc : memref<!tpu.dma_semaphore, #tpu.memory_space<semaphore_mem>>
        %dma_start3A_116 = arith.constant 0 : i32
        %dma_start3A_117 = arith.constant 0 : i32
        %dma_start3A_118 = tpu.memref_slice %arg3[%arg1, %run_scoped3A_65, %run_scoped3A_66, %dma_start3A_116, %dma_start3A_117] : memref<16x2x2x108x64xi32, #tpu.memory_space<hbm>> -> memref<1x1x1x108x64xi32, #tpu.memory_space<hbm>>
        %dma_start3A_119 = tpu.memref_squeeze %dma_start3A_118 : memref<1x1x1x108x64xi32, #tpu.memory_space<hbm>> -> memref<108x64xi32, #tpu.memory_space<hbm>>
        %dma_start3A_120 = arith.constant 0 : i32
        %dma_start3A_121 = arith.constant 0 : i32
        %dma_start3A_122 = tpu.memref_slice %arg3[%arg1, %run_scoped3A_65, %run_scoped3A_66, %dma_start3A_120, %dma_start3A_121] : memref<16x2x2x108x64xi32, #tpu.memory_space<hbm>> -> memref<1x1x1x108x64xi32, #tpu.memory_space<hbm>>
        %dma_start3A_123 = tpu.memref_squeeze %dma_start3A_122 : memref<1x1x1x108x64xi32, #tpu.memory_space<hbm>> -> memref<108x64xi32, #tpu.memory_space<hbm>>
        tpu.enqueue_dma source(%dma_start3A_123 : memref<108x64xi32, #tpu.memory_space<hbm>>) target(%arg8 : memref<108x64xi32, #tpu.memory_space<vmem>>) target_semaphore(%run_scoped3A_115 : memref<!tpu.dma_semaphore, #tpu.memory_space<semaphore_mem>>)
        %dma_wait3A_124 = arith.constant 0 : i32
        %dma_wait3A_125 = arith.constant 0 : i32
        %dma_wait3A_126 = tpu.memref_slice %arg3[%arg1, %run_scoped3A_65, %run_scoped3A_66, %dma_wait3A_124, %dma_wait3A_125] : memref<16x2x2x108x64xi32, #tpu.memory_space<hbm>> -> memref<1x1x1x108x64xi32, #tpu.memory_space<hbm>>
        %dma_wait3A_127 = tpu.memref_squeeze %dma_wait3A_126 : memref<1x1x1x108x64xi32, #tpu.memory_space<hbm>> -> memref<108x64xi32, #tpu.memory_space<hbm>>
        %dma_wait3A_128 = arith.constant 0 : i32
        %dma_wait3A_129 = arith.constant 0 : i32
        %dma_wait3A_130 = tpu.memref_slice %arg3[%arg1, %run_scoped3A_65, %run_scoped3A_66, %dma_wait3A_128, %dma_wait3A_129] : memref<16x2x2x108x64xi32, #tpu.memory_space<hbm>> -> memref<1x1x1x108x64xi32, #tpu.memory_space<hbm>>
        %dma_wait3A_131 = tpu.memref_squeeze %dma_wait3A_130 : memref<1x1x1x108x64xi32, #tpu.memory_space<hbm>> -> memref<108x64xi32, #tpu.memory_space<hbm>>
        tpu.wait_dma2 semaphore(%run_scoped3A_115 : memref<!tpu.dma_semaphore, #tpu.memory_space<semaphore_mem>>) src(%dma_wait3A_131 : memref<108x64xi32, #tpu.memory_space<hbm>>) dst(%arg8 : memref<108x64xi32, #tpu.memory_space<vmem>>)
        tpu.yield
      }) : () -> ()
      %dma_start3A_67 = arith.constant 0 : i32
      %dma_start3A_68 = arith.constant 0 : i32
      %dma_start3A_69 = arith.constant 0 : i32
      %dma_start3A_70 = tpu.memref_slice %arg11[%dma_start3A_68, %dma_start3A_69] : memref<128x144xf32, #tpu.memory_space<vmem>> -> memref<64x144xf32, #tpu.memory_space<vmem>>
      %dma_start3A_71 = arith.constant 0 : i32
      %dma_start3A_72 = tpu.memref_slice %arg7[%dma_start3A_67, %dma_start3A_71] : memref<108x64xi32, #tpu.memory_space<vmem>> -> memref<1x64xi32, #tpu.memory_space<vmem>>
      %dma_start3A_73 = tpu.memref_squeeze %dma_start3A_72 : memref<1x64xi32, #tpu.memory_space<vmem>> -> memref<64xi32, #tpu.memory_space<vmem>>
      %dma_start3A_74 = arith.constant 0 : i32
      %dma_start3A_75 = arith.constant 0 : i32
      %dma_start3A_76 = tpu.memref_slice %arg2[%dma_start3A_74, %dma_start3A_75] : memref<10240x144xf32, #tpu.memory_space<hbm>> -> memref<10240x144xf32, #tpu.memory_space<hbm>>
      tpu.enqueue_indirect_dma source(%dma_start3A_76 : memref<10240x144xf32, #tpu.memory_space<hbm>>) target(%dma_start3A_70 : memref<64x144xf32, #tpu.memory_space<vmem>>) offsets(%dma_start3A_73 : memref<64xi32, #tpu.memory_space<vmem>>) semaphore(%arg12 : memref<!tpu.dma_semaphore, #tpu.memory_space<semaphore_mem>>)
      %dma_start3A_77 = arith.constant 1 : i32
      %dma_start3A_78 = arith.constant 64 : i32
      %dma_start3A_79 = arith.constant 0 : i32
      %dma_start3A_80 = tpu.memref_slice %arg11[%dma_start3A_78, %dma_start3A_79] : memref<128x144xf32, #tpu.memory_space<vmem>> -> memref<64x144xf32, #tpu.memory_space<vmem>>
      %dma_start3A_81 = arith.constant 0 : i32
      %dma_start3A_82 = tpu.memref_slice %arg7[%dma_start3A_77, %dma_start3A_81] : memref<108x64xi32, #tpu.memory_space<vmem>> -> memref<1x64xi32, #tpu.memory_space<vmem>>
      %dma_start3A_83 = tpu.memref_squeeze %dma_start3A_82 : memref<1x64xi32, #tpu.memory_space<vmem>> -> memref<64xi32, #tpu.memory_space<vmem>>
      %dma_start3A_84 = arith.constant 0 : i32
      %dma_start3A_85 = arith.constant 0 : i32
      %dma_start3A_86 = tpu.memref_slice %arg2[%dma_start3A_84, %dma_start3A_85] : memref<10240x144xf32, #tpu.memory_space<hbm>> -> memref<10240x144xf32, #tpu.memory_space<hbm>>
      tpu.enqueue_indirect_dma source(%dma_start3A_86 : memref<10240x144xf32, #tpu.memory_space<hbm>>) target(%dma_start3A_80 : memref<64x144xf32, #tpu.memory_space<vmem>>) offsets(%dma_start3A_83 : memref<64xi32, #tpu.memory_space<vmem>>) semaphore(%arg13 : memref<!tpu.dma_semaphore, #tpu.memory_space<semaphore_mem>>)
      %scan3A_87 = arith.constant 0 : i32
      %scan3A_88 = arith.constant 0 : i32
      %scan3A_89 = arith.constant 53 : i32
      %scan3A_90 = arith.addi %scan3A_88, %scan3A_89 : i32
      %scan3A_91 = arith.constant 1 : i32
      scf.for %scan3A_115 = %scan3A_88 to %scan3A_90 step %scan3A_91  : i32 {
        %mul3A_116 = arith.constant 2 : i32
        %mul3A_117 = arith.muli %scan3A_115, %mul3A_116 : i32
        %add3A_118 = arith.constant 0 : i32
        %add3A_119 = arith.addi %mul3A_117, %add3A_118 : i32
        %dma_wait3A_120 = arith.constant 0 : i32
        %dma_wait3A_121 = arith.constant 0 : i32
        %dma_wait3A_122 = tpu.memref_slice %arg11[%dma_wait3A_120, %dma_wait3A_121] : memref<128x144xf32, #tpu.memory_space<vmem>> -> memref<64x144xf32, #tpu.memory_space<vmem>>
        %dma_wait3A_123 = arith.constant 0 : i32
        %dma_wait3A_124 = tpu.memref_slice %arg7[%add3A_119, %dma_wait3A_123] : memref<108x64xi32, #tpu.memory_space<vmem>> -> memref<1x64xi32, #tpu.memory_space<vmem>>
        %dma_wait3A_125 = tpu.memref_squeeze %dma_wait3A_124 : memref<1x64xi32, #tpu.memory_space<vmem>> -> memref<64xi32, #tpu.memory_space<vmem>>
        %dma_wait3A_126 = arith.constant 0 : i32
        %dma_wait3A_127 = arith.constant 0 : i32
        %dma_wait3A_128 = tpu.memref_slice %arg2[%dma_wait3A_126, %dma_wait3A_127] : memref<10240x144xf32, #tpu.memory_space<hbm>> -> memref<10240x144xf32, #tpu.memory_space<hbm>>
        tpu.wait_indirect_dma semaphore(%arg12 : memref<!tpu.dma_semaphore, #tpu.memory_space<semaphore_mem>>) src(%dma_wait3A_128 : memref<10240x144xf32, #tpu.memory_space<hbm>>) dst(%dma_wait3A_122 : memref<64x144xf32, #tpu.memory_space<vmem>>)
        "tpu.region"() ({
          %run_scoped3A_164 = tpu.sem_alloc : memref<!tpu.dma_semaphore, #tpu.memory_space<semaphore_mem>>
          %dma_start3A_165 = arith.constant 0 : i32
          %dma_start3A_166 = arith.constant 0 : i32
          %dma_start3A_167 = tpu.memref_slice %arg11[%dma_start3A_165, %dma_start3A_166] : memref<128x144xf32, #tpu.memory_space<vmem>> -> memref<64x144xf32, #tpu.memory_space<vmem>>
          %dma_start3A_168 = arith.constant 0 : i32
          %dma_start3A_169 = tpu.memref_slice %arg8[%add3A_119, %dma_start3A_168] : memref<108x64xi32, #tpu.memory_space<vmem>> -> memref<1x64xi32, #tpu.memory_space<vmem>>
          %dma_start3A_170 = tpu.memref_squeeze %dma_start3A_169 : memref<1x64xi32, #tpu.memory_space<vmem>> -> memref<64xi32, #tpu.memory_space<vmem>>
          %dma_start3A_171 = arith.constant 0 : i32
          %dma_start3A_172 = arith.constant 0 : i32
          %dma_start3A_173 = tpu.memref_slice %arg14[%dma_start3A_171, %dma_start3A_172] : memref<10000x144xf32, #tpu.memory_space<vmem_shared>> -> memref<10000x144xf32, #tpu.memory_space<vmem_shared>>
          tpu.enqueue_indirect_dma source(%dma_start3A_167 : memref<64x144xf32, #tpu.memory_space<vmem>>) target(%dma_start3A_173 : memref<10000x144xf32, #tpu.memory_space<vmem_shared>>) offsets(%dma_start3A_170 : memref<64xi32, #tpu.memory_space<vmem>>) semaphore(%run_scoped3A_164 : memref<!tpu.dma_semaphore, #tpu.memory_space<semaphore_mem>>) {add = true}
          %dma_wait3A_174 = arith.constant 0 : i32
          %dma_wait3A_175 = arith.constant 0 : i32
          %dma_wait3A_176 = tpu.memref_slice %arg11[%dma_wait3A_174, %dma_wait3A_175] : memref<128x144xf32, #tpu.memory_space<vmem>> -> memref<64x144xf32, #tpu.memory_space<vmem>>
          %dma_wait3A_177 = arith.constant 0 : i32
          %dma_wait3A_178 = tpu.memref_slice %arg8[%add3A_119, %dma_wait3A_177] : memref<108x64xi32, #tpu.memory_space<vmem>> -> memref<1x64xi32, #tpu.memory_space<vmem>>
          %dma_wait3A_179 = tpu.memref_squeeze %dma_wait3A_178 : memref<1x64xi32, #tpu.memory_space<vmem>> -> memref<64xi32, #tpu.memory_space<vmem>>
          %dma_wait3A_180 = arith.constant 0 : i32
          %dma_wait3A_181 = arith.constant 0 : i32
          %dma_wait3A_182 = tpu.memref_slice %arg14[%dma_wait3A_180, %dma_wait3A_181] : memref<10000x144xf32, #tpu.memory_space<vmem_shared>> -> memref<10000x144xf32, #tpu.memory_space<vmem_shared>>
          tpu.wait_indirect_dma semaphore(%run_scoped3A_164 : memref<!tpu.dma_semaphore, #tpu.memory_space<semaphore_mem>>) src(%dma_wait3A_176 : memref<64x144xf32, #tpu.memory_space<vmem>>) dst(%dma_wait3A_182 : memref<10000x144xf32, #tpu.memory_space<vmem_shared>>)
          tpu.yield
        }) : () -> ()
        %add3A_129 = arith.constant 2 : i32
        %add3A_130 = arith.addi %add3A_119, %add3A_129 : i32
        %dma_start3A_131 = arith.constant 0 : i32
        %dma_start3A_132 = arith.constant 0 : i32
        %dma_start3A_133 = tpu.memref_slice %arg11[%dma_start3A_131, %dma_start3A_132] : memref<128x144xf32, #tpu.memory_space<vmem>> -> memref<64x144xf32, #tpu.memory_space<vmem>>
        %dma_start3A_134 = arith.constant 0 : i32
        %dma_start3A_135 = tpu.memref_slice %arg7[%add3A_130, %dma_start3A_134] : memref<108x64xi32, #tpu.memory_space<vmem>> -> memref<1x64xi32, #tpu.memory_space<vmem>>
        %dma_start3A_136 = tpu.memref_squeeze %dma_start3A_135 : memref<1x64xi32, #tpu.memory_space<vmem>> -> memref<64xi32, #tpu.memory_space<vmem>>
        %dma_start3A_137 = arith.constant 0 : i32
        %dma_start3A_138 = arith.constant 0 : i32
        %dma_start3A_139 = tpu.memref_slice %arg2[%dma_start3A_137, %dma_start3A_138] : memref<10240x144xf32, #tpu.memory_space<hbm>> -> memref<10240x144xf32, #tpu.memory_space<hbm>>
        tpu.enqueue_indirect_dma source(%dma_start3A_139 : memref<10240x144xf32, #tpu.memory_space<hbm>>) target(%dma_start3A_133 : memref<64x144xf32, #tpu.memory_space<vmem>>) offsets(%dma_start3A_136 : memref<64xi32, #tpu.memory_space<vmem>>) semaphore(%arg12 : memref<!tpu.dma_semaphore, #tpu.memory_space<semaphore_mem>>)
        %mul3A_140 = arith.constant 2 : i32
        %mul3A_141 = arith.muli %scan3A_115, %mul3A_140 : i32
        %add3A_142 = arith.constant 1 : i32
        %add3A_143 = arith.addi %mul3A_141, %add3A_142 : i32
        %dma_wait3A_144 = arith.constant 64 : i32
        %dma_wait3A_145 = arith.constant 0 : i32
        %dma_wait3A_146 = tpu.memref_slice %arg11[%dma_wait3A_144, %dma_wait3A_145] : memref<128x144xf32, #tpu.memory_space<vmem>> -> memref<64x144xf32, #tpu.memory_space<vmem>>
        %dma_wait3A_147 = arith.constant 0 : i32
        %dma_wait3A_148 = tpu.memref_slice %arg7[%add3A_143, %dma_wait3A_147] : memref<108x64xi32, #tpu.memory_space<vmem>> -> memref<1x64xi32, #tpu.memory_space<vmem>>
        %dma_wait3A_149 = tpu.memref_squeeze %dma_wait3A_148 : memref<1x64xi32, #tpu.memory_space<vmem>> -> memref<64xi32, #tpu.memory_space<vmem>>
        %dma_wait3A_150 = arith.constant 0 : i32
        %dma_wait3A_151 = arith.constant 0 : i32
        %dma_wait3A_152 = tpu.memref_slice %arg2[%dma_wait3A_150, %dma_wait3A_151] : memref<10240x144xf32, #tpu.memory_space<hbm>> -> memref<10240x144xf32, #tpu.memory_space<hbm>>
        tpu.wait_indirect_dma semaphore(%arg13 : memref<!tpu.dma_semaphore, #tpu.memory_space<semaphore_mem>>) src(%dma_wait3A_152 : memref<10240x144xf32, #tpu.memory_space<hbm>>) dst(%dma_wait3A_146 : memref<64x144xf32, #tpu.memory_space<vmem>>)
        "tpu.region"() ({
          %run_scoped3A_164 = tpu.sem_alloc : memref<!tpu.dma_semaphore, #tpu.memory_space<semaphore_mem>>
          %dma_start3A_165 = arith.constant 64 : i32
          %dma_start3A_166 = arith.constant 0 : i32
          %dma_start3A_167 = tpu.memref_slice %arg11[%dma_start3A_165, %dma_start3A_166] : memref<128x144xf32, #tpu.memory_space<vmem>> -> memref<64x144xf32, #tpu.memory_space<vmem>>
          %dma_start3A_168 = arith.constant 0 : i32
          %dma_start3A_169 = tpu.memref_slice %arg8[%add3A_143, %dma_start3A_168] : memref<108x64xi32, #tpu.memory_space<vmem>> -> memref<1x64xi32, #tpu.memory_space<vmem>>
          %dma_start3A_170 = tpu.memref_squeeze %dma_start3A_169 : memref<1x64xi32, #tpu.memory_space<vmem>> -> memref<64xi32, #tpu.memory_space<vmem>>
          %dma_start3A_171 = arith.constant 0 : i32
          %dma_start3A_172 = arith.constant 0 : i32
          %dma_start3A_173 = tpu.memref_slice %arg14[%dma_start3A_171, %dma_start3A_172] : memref<10000x144xf32, #tpu.memory_space<vmem_shared>> -> memref<10000x144xf32, #tpu.memory_space<vmem_shared>>
          tpu.enqueue_indirect_dma source(%dma_start3A_167 : memref<64x144xf32, #tpu.memory_space<vmem>>) target(%dma_start3A_173 : memref<10000x144xf32, #tpu.memory_space<vmem_shared>>) offsets(%dma_start3A_170 : memref<64xi32, #tpu.memory_space<vmem>>) semaphore(%run_scoped3A_164 : memref<!tpu.dma_semaphore, #tpu.memory_space<semaphore_mem>>) {add = true}
          %dma_wait3A_174 = arith.constant 64 : i32
          %dma_wait3A_175 = arith.constant 0 : i32
          %dma_wait3A_176 = tpu.memref_slice %arg11[%dma_wait3A_174, %dma_wait3A_175] : memref<128x144xf32, #tpu.memory_space<vmem>> -> memref<64x144xf32, #tpu.memory_space<vmem>>
          %dma_wait3A_177 = arith.constant 0 : i32
          %dma_wait3A_178 = tpu.memref_slice %arg8[%add3A_143, %dma_wait3A_177] : memref<108x64xi32, #tpu.memory_space<vmem>> -> memref<1x64xi32, #tpu.memory_space<vmem>>
          %dma_wait3A_179 = tpu.memref_squeeze %dma_wait3A_178 : memref<1x64xi32, #tpu.memory_space<vmem>> -> memref<64xi32, #tpu.memory_space<vmem>>
          %dma_wait3A_180 = arith.constant 0 : i32
          %dma_wait3A_181 = arith.constant 0 : i32
          %dma_wait3A_182 = tpu.memref_slice %arg14[%dma_wait3A_180, %dma_wait3A_181] : memref<10000x144xf32, #tpu.memory_space<vmem_shared>> -> memref<10000x144xf32, #tpu.memory_space<vmem_shared>>
          tpu.wait_indirect_dma semaphore(%run_scoped3A_164 : memref<!tpu.dma_semaphore, #tpu.memory_space<semaphore_mem>>) src(%dma_wait3A_176 : memref<64x144xf32, #tpu.memory_space<vmem>>) dst(%dma_wait3A_182 : memref<10000x144xf32, #tpu.memory_space<vmem_shared>>)
          tpu.yield
        }) : () -> ()
        %add3A_153 = arith.constant 2 : i32
        %add3A_154 = arith.addi %add3A_143, %add3A_153 : i32
        %dma_start3A_155 = arith.constant 64 : i32
        %dma_start3A_156 = arith.constant 0 : i32
        %dma_start3A_157 = tpu.memref_slice %arg11[%dma_start3A_155, %dma_start3A_156] : memref<128x144xf32, #tpu.memory_space<vmem>> -> memref<64x144xf32, #tpu.memory_space<vmem>>
        %dma_start3A_158 = arith.constant 0 : i32
        %dma_start3A_159 = tpu.memref_slice %arg7[%add3A_154, %dma_start3A_158] : memref<108x64xi32, #tpu.memory_space<vmem>> -> memref<1x64xi32, #tpu.memory_space<vmem>>
        %dma_start3A_160 = tpu.memref_squeeze %dma_start3A_159 : memref<1x64xi32, #tpu.memory_space<vmem>> -> memref<64xi32, #tpu.memory_space<vmem>>
        %dma_start3A_161 = arith.constant 0 : i32
        %dma_start3A_162 = arith.constant 0 : i32
        %dma_start3A_163 = tpu.memref_slice %arg2[%dma_start3A_161, %dma_start3A_162] : memref<10240x144xf32, #tpu.memory_space<hbm>> -> memref<10240x144xf32, #tpu.memory_space<hbm>>
        tpu.enqueue_indirect_dma source(%dma_start3A_163 : memref<10240x144xf32, #tpu.memory_space<hbm>>) target(%dma_start3A_157 : memref<64x144xf32, #tpu.memory_space<vmem>>) offsets(%dma_start3A_160 : memref<64xi32, #tpu.memory_space<vmem>>) semaphore(%arg13 : memref<!tpu.dma_semaphore, #tpu.memory_space<semaphore_mem>>)
      }
      %scan3A_92 = arith.constant 53 : i32
      %dma_wait3A_93 = arith.constant 106 : i32
      %dma_wait3A_94 = arith.constant 0 : i32
      %dma_wait3A_95 = arith.constant 0 : i32
      %dma_wait3A_96 = tpu.memref_slice %arg11[%dma_wait3A_94, %dma_wait3A_95] : memref<128x144xf32, #tpu.memory_space<vmem>> -> memref<64x144xf32, #tpu.memory_space<vmem>>
      %dma_wait3A_97 = arith.constant 0 : i32
      %dma_wait3A_98 = tpu.memref_slice %arg7[%dma_wait3A_93, %dma_wait3A_97] : memref<108x64xi32, #tpu.memory_space<vmem>> -> memref<1x64xi32, #tpu.memory_space<vmem>>
      %dma_wait3A_99 = tpu.memref_squeeze %dma_wait3A_98 : memref<1x64xi32, #tpu.memory_space<vmem>> -> memref<64xi32, #tpu.memory_space<vmem>>
      %dma_wait3A_100 = arith.constant 0 : i32
      %dma_wait3A_101 = arith.constant 0 : i32
      %dma_wait3A_102 = tpu.memref_slice %arg2[%dma_wait3A_100, %dma_wait3A_101] : memref<10240x144xf32, #tpu.memory_space<hbm>> -> memref<10240x144xf32, #tpu.memory_space<hbm>>
      tpu.wait_indirect_dma semaphore(%arg12 : memref<!tpu.dma_semaphore, #tpu.memory_space<semaphore_mem>>) src(%dma_wait3A_102 : memref<10240x144xf32, #tpu.memory_space<hbm>>) dst(%dma_wait3A_96 : memref<64x144xf32, #tpu.memory_space<vmem>>)
      %run_scoped3A_103 = arith.constant 106 : i32
      "tpu.region"() ({
        %run_scoped3A_115 = tpu.sem_alloc : memref<!tpu.dma_semaphore, #tpu.memory_space<semaphore_mem>>
        %dma_start3A_116 = arith.constant 0 : i32
        %dma_start3A_117 = arith.constant 0 : i32
        %dma_start3A_118 = tpu.memref_slice %arg11[%dma_start3A_116, %dma_start3A_117] : memref<128x144xf32, #tpu.memory_space<vmem>> -> memref<64x144xf32, #tpu.memory_space<vmem>>
        %dma_start3A_119 = arith.constant 0 : i32
        %dma_start3A_120 = tpu.memref_slice %arg8[%run_scoped3A_103, %dma_start3A_119] : memref<108x64xi32, #tpu.memory_space<vmem>> -> memref<1x64xi32, #tpu.memory_space<vmem>>
        %dma_start3A_121 = tpu.memref_squeeze %dma_start3A_120 : memref<1x64xi32, #tpu.memory_space<vmem>> -> memref<64xi32, #tpu.memory_space<vmem>>
        %dma_start3A_122 = arith.constant 0 : i32
        %dma_start3A_123 = arith.constant 0 : i32
        %dma_start3A_124 = tpu.memref_slice %arg14[%dma_start3A_122, %dma_start3A_123] : memref<10000x144xf32, #tpu.memory_space<vmem_shared>> -> memref<10000x144xf32, #tpu.memory_space<vmem_shared>>
        tpu.enqueue_indirect_dma source(%dma_start3A_118 : memref<64x144xf32, #tpu.memory_space<vmem>>) target(%dma_start3A_124 : memref<10000x144xf32, #tpu.memory_space<vmem_shared>>) offsets(%dma_start3A_121 : memref<64xi32, #tpu.memory_space<vmem>>) semaphore(%run_scoped3A_115 : memref<!tpu.dma_semaphore, #tpu.memory_space<semaphore_mem>>) {add = true}
        %dma_wait3A_125 = arith.constant 0 : i32
        %dma_wait3A_126 = arith.constant 0 : i32
        %dma_wait3A_127 = tpu.memref_slice %arg11[%dma_wait3A_125, %dma_wait3A_126] : memref<128x144xf32, #tpu.memory_space<vmem>> -> memref<64x144xf32, #tpu.memory_space<vmem>>
        %dma_wait3A_128 = arith.constant 0 : i32
        %dma_wait3A_129 = tpu.memref_slice %arg8[%run_scoped3A_103, %dma_wait3A_128] : memref<108x64xi32, #tpu.memory_space<vmem>> -> memref<1x64xi32, #tpu.memory_space<vmem>>
        %dma_wait3A_130 = tpu.memref_squeeze %dma_wait3A_129 : memref<1x64xi32, #tpu.memory_space<vmem>> -> memref<64xi32, #tpu.memory_space<vmem>>
        %dma_wait3A_131 = arith.constant 0 : i32
        %dma_wait3A_132 = arith.constant 0 : i32
        %dma_wait3A_133 = tpu.memref_slice %arg14[%dma_wait3A_131, %dma_wait3A_132] : memref<10000x144xf32, #tpu.memory_space<vmem_shared>> -> memref<10000x144xf32, #tpu.memory_space<vmem_shared>>
        tpu.wait_indirect_dma semaphore(%run_scoped3A_115 : memref<!tpu.dma_semaphore, #tpu.memory_space<semaphore_mem>>) src(%dma_wait3A_127 : memref<64x144xf32, #tpu.memory_space<vmem>>) dst(%dma_wait3A_133 : memref<10000x144xf32, #tpu.memory_space<vmem_shared>>)
        tpu.yield
      }) : () -> ()
      %dma_wait3A_104 = arith.constant 107 : i32
      %dma_wait3A_105 = arith.constant 64 : i32
      %dma_wait3A_106 = arith.constant 0 : i32
      %dma_wait3A_107 = tpu.memref_slice %arg11[%dma_wait3A_105, %dma_wait3A_106] : memref<128x144xf32, #tpu.memory_space<vmem>> -> memref<64x144xf32, #tpu.memory_space<vmem>>
      %dma_wait3A_108 = arith.constant 0 : i32
      %dma_wait3A_109 = tpu.memref_slice %arg7[%dma_wait3A_104, %dma_wait3A_108] : memref<108x64xi32, #tpu.memory_space<vmem>> -> memref<1x64xi32, #tpu.memory_space<vmem>>
      %dma_wait3A_110 = tpu.memref_squeeze %dma_wait3A_109 : memref<1x64xi32, #tpu.memory_space<vmem>> -> memref<64xi32, #tpu.memory_space<vmem>>
      %dma_wait3A_111 = arith.constant 0 : i32
      %dma_wait3A_112 = arith.constant 0 : i32
      %dma_wait3A_113 = tpu.memref_slice %arg2[%dma_wait3A_111, %dma_wait3A_112] : memref<10240x144xf32, #tpu.memory_space<hbm>> -> memref<10240x144xf32, #tpu.memory_space<hbm>>
      tpu.wait_indirect_dma semaphore(%arg13 : memref<!tpu.dma_semaphore, #tpu.memory_space<semaphore_mem>>) src(%dma_wait3A_113 : memref<10240x144xf32, #tpu.memory_space<hbm>>) dst(%dma_wait3A_107 : memref<64x144xf32, #tpu.memory_space<vmem>>)
      %run_scoped3A_114 = arith.constant 107 : i32
      "tpu.region"() ({
        %run_scoped3A_115 = tpu.sem_alloc : memref<!tpu.dma_semaphore, #tpu.memory_space<semaphore_mem>>
        %dma_start3A_116 = arith.constant 64 : i32
        %dma_start3A_117 = arith.constant 0 : i32
        %dma_start3A_118 = tpu.memref_slice %arg11[%dma_start3A_116, %dma_start3A_117] : memref<128x144xf32, #tpu.memory_space<vmem>> -> memref<64x144xf32, #tpu.memory_space<vmem>>
        %dma_start3A_119 = arith.constant 0 : i32
        %dma_start3A_120 = tpu.memref_slice %arg8[%run_scoped3A_114, %dma_start3A_119] : memref<108x64xi32, #tpu.memory_space<vmem>> -> memref<1x64xi32, #tpu.memory_space<vmem>>
        %dma_start3A_121 = tpu.memref_squeeze %dma_start3A_120 : memref<1x64xi32, #tpu.memory_space<vmem>> -> memref<64xi32, #tpu.memory_space<vmem>>
        %dma_start3A_122 = arith.constant 0 : i32
        %dma_start3A_123 = arith.constant 0 : i32
        %dma_start3A_124 = tpu.memref_slice %arg14[%dma_start3A_122, %dma_start3A_123] : memref<10000x144xf32, #tpu.memory_space<vmem_shared>> -> memref<10000x144xf32, #tpu.memory_space<vmem_shared>>
        tpu.enqueue_indirect_dma source(%dma_start3A_118 : memref<64x144xf32, #tpu.memory_space<vmem>>) target(%dma_start3A_124 : memref<10000x144xf32, #tpu.memory_space<vmem_shared>>) offsets(%dma_start3A_121 : memref<64xi32, #tpu.memory_space<vmem>>) semaphore(%run_scoped3A_115 : memref<!tpu.dma_semaphore, #tpu.memory_space<semaphore_mem>>) {add = true}
        %dma_wait3A_125 = arith.constant 64 : i32
        %dma_wait3A_126 = arith.constant 0 : i32
        %dma_wait3A_127 = tpu.memref_slice %arg11[%dma_wait3A_125, %dma_wait3A_126] : memref<128x144xf32, #tpu.memory_space<vmem>> -> memref<64x144xf32, #tpu.memory_space<vmem>>
        %dma_wait3A_128 = arith.constant 0 : i32
        %dma_wait3A_129 = tpu.memref_slice %arg8[%run_scoped3A_114, %dma_wait3A_128] : memref<108x64xi32, #tpu.memory_space<vmem>> -> memref<1x64xi32, #tpu.memory_space<vmem>>
        %dma_wait3A_130 = tpu.memref_squeeze %dma_wait3A_129 : memref<1x64xi32, #tpu.memory_space<vmem>> -> memref<64xi32, #tpu.memory_space<vmem>>
        %dma_wait3A_131 = arith.constant 0 : i32
        %dma_wait3A_132 = arith.constant 0 : i32
        %dma_wait3A_133 = tpu.memref_slice %arg14[%dma_wait3A_131, %dma_wait3A_132] : memref<10000x144xf32, #tpu.memory_space<vmem_shared>> -> memref<10000x144xf32, #tpu.memory_space<vmem_shared>>
        tpu.wait_indirect_dma semaphore(%run_scoped3A_115 : memref<!tpu.dma_semaphore, #tpu.memory_space<semaphore_mem>>) src(%dma_wait3A_127 : memref<64x144xf32, #tpu.memory_space<vmem>>) dst(%dma_wait3A_133 : memref<10000x144xf32, #tpu.memory_space<vmem_shared>>)
        tpu.yield
      }) : () -> ()
    } else {
    }
    %eq3A_3 = arith.constant 1 : i32
    %eq3A_4 = arith.cmpi eq, %arg0, %eq3A_3 : i32
    %convert_element_type3A_5 = arith.extui %eq3A_4 : i1 to i32
    %cond3A_6 = arith.constant 0 : i32
    %cond3A_7 = arith.cmpi ne, %convert_element_type3A_5, %cond3A_6 : i32
    scf.if %cond3A_7 {
      %run_scoped3A = arith.constant 0 : i32
      %run_scoped3A_15 = arith.constant 0 : i32
      "tpu.region"() ({
        %run_scoped3A_33 = tpu.sem_alloc : memref<!tpu.dma_semaphore, #tpu.memory_space<semaphore_mem>>
        %dma_start3A = arith.constant 0 : i32
        %dma_start3A_34 = arith.constant 0 : i32
        %dma_start3A_35 = tpu.memref_slice %arg4[%arg1, %run_scoped3A, %run_scoped3A_15, %dma_start3A, %dma_start3A_34] : memref<16x2x2x25x128xi32, #tpu.memory_space<hbm>> -> memref<1x1x1x25x128xi32, #tpu.memory_space<hbm>>
        %dma_start3A_36 = tpu.memref_squeeze %dma_start3A_35 : memref<1x1x1x25x128xi32, #tpu.memory_space<hbm>> -> memref<25x128xi32, #tpu.memory_space<hbm>>
        %dma_start3A_37 = arith.constant 0 : i32
        %dma_start3A_38 = arith.constant 0 : i32
        %dma_start3A_39 = tpu.memref_slice %arg4[%arg1, %run_scoped3A, %run_scoped3A_15, %dma_start3A_37, %dma_start3A_38] : memref<16x2x2x25x128xi32, #tpu.memory_space<hbm>> -> memref<1x1x1x25x128xi32, #tpu.memory_space<hbm>>
        %dma_start3A_40 = tpu.memref_squeeze %dma_start3A_39 : memref<1x1x1x25x128xi32, #tpu.memory_space<hbm>> -> memref<25x128xi32, #tpu.memory_space<hbm>>
        tpu.enqueue_dma source(%dma_start3A_40 : memref<25x128xi32, #tpu.memory_space<hbm>>) target(%arg9 : memref<25x128xi32, #tpu.memory_space<vmem>>) target_semaphore(%run_scoped3A_33 : memref<!tpu.dma_semaphore, #tpu.memory_space<semaphore_mem>>)
        %dma_wait3A = arith.constant 0 : i32
        %dma_wait3A_41 = arith.constant 0 : i32
        %dma_wait3A_42 = tpu.memref_slice %arg4[%arg1, %run_scoped3A, %run_scoped3A_15, %dma_wait3A, %dma_wait3A_41] : memref<16x2x2x25x128xi32, #tpu.memory_space<hbm>> -> memref<1x1x1x25x128xi32, #tpu.memory_space<hbm>>
        %dma_wait3A_43 = tpu.memref_squeeze %dma_wait3A_42 : memref<1x1x1x25x128xi32, #tpu.memory_space<hbm>> -> memref<25x128xi32, #tpu.memory_space<hbm>>
        %dma_wait3A_44 = arith.constant 0 : i32
        %dma_wait3A_45 = arith.constant 0 : i32
        %dma_wait3A_46 = tpu.memref_slice %arg4[%arg1, %run_scoped3A, %run_scoped3A_15, %dma_wait3A_44, %dma_wait3A_45] : memref<16x2x2x25x128xi32, #tpu.memory_space<hbm>> -> memref<1x1x1x25x128xi32, #tpu.memory_space<hbm>>
        %dma_wait3A_47 = tpu.memref_squeeze %dma_wait3A_46 : memref<1x1x1x25x128xi32, #tpu.memory_space<hbm>> -> memref<25x128xi32, #tpu.memory_space<hbm>>
        tpu.wait_dma2 semaphore(%run_scoped3A_33 : memref<!tpu.dma_semaphore, #tpu.memory_space<semaphore_mem>>) src(%dma_wait3A_47 : memref<25x128xi32, #tpu.memory_space<hbm>>) dst(%arg9 : memref<25x128xi32, #tpu.memory_space<vmem>>)
        tpu.yield
      }) : () -> ()
      %run_scoped3A_16 = arith.constant 0 : i32
      %run_scoped3A_17 = arith.constant 1 : i32
      "tpu.region"() ({
        %run_scoped3A_33 = tpu.sem_alloc : memref<!tpu.dma_semaphore, #tpu.memory_space<semaphore_mem>>
        %dma_start3A = arith.constant 0 : i32
        %dma_start3A_34 = arith.constant 0 : i32
        %dma_start3A_35 = tpu.memref_slice %arg4[%arg1, %run_scoped3A_16, %run_scoped3A_17, %dma_start3A, %dma_start3A_34] : memref<16x2x2x25x128xi32, #tpu.memory_space<hbm>> -> memref<1x1x1x25x128xi32, #tpu.memory_space<hbm>>
        %dma_start3A_36 = tpu.memref_squeeze %dma_start3A_35 : memref<1x1x1x25x128xi32, #tpu.memory_space<hbm>> -> memref<25x128xi32, #tpu.memory_space<hbm>>
        %dma_start3A_37 = arith.constant 0 : i32
        %dma_start3A_38 = arith.constant 0 : i32
        %dma_start3A_39 = tpu.memref_slice %arg4[%arg1, %run_scoped3A_16, %run_scoped3A_17, %dma_start3A_37, %dma_start3A_38] : memref<16x2x2x25x128xi32, #tpu.memory_space<hbm>> -> memref<1x1x1x25x128xi32, #tpu.memory_space<hbm>>
        %dma_start3A_40 = tpu.memref_squeeze %dma_start3A_39 : memref<1x1x1x25x128xi32, #tpu.memory_space<hbm>> -> memref<25x128xi32, #tpu.memory_space<hbm>>
        tpu.enqueue_dma source(%dma_start3A_40 : memref<25x128xi32, #tpu.memory_space<hbm>>) target(%arg10 : memref<25x128xi32, #tpu.memory_space<vmem>>) target_semaphore(%run_scoped3A_33 : memref<!tpu.dma_semaphore, #tpu.memory_space<semaphore_mem>>)
        %dma_wait3A = arith.constant 0 : i32
        %dma_wait3A_41 = arith.constant 0 : i32
        %dma_wait3A_42 = tpu.memref_slice %arg4[%arg1, %run_scoped3A_16, %run_scoped3A_17, %dma_wait3A, %dma_wait3A_41] : memref<16x2x2x25x128xi32, #tpu.memory_space<hbm>> -> memref<1x1x1x25x128xi32, #tpu.memory_space<hbm>>
        %dma_wait3A_43 = tpu.memref_squeeze %dma_wait3A_42 : memref<1x1x1x25x128xi32, #tpu.memory_space<hbm>> -> memref<25x128xi32, #tpu.memory_space<hbm>>
        %dma_wait3A_44 = arith.constant 0 : i32
        %dma_wait3A_45 = arith.constant 0 : i32
        %dma_wait3A_46 = tpu.memref_slice %arg4[%arg1, %run_scoped3A_16, %run_scoped3A_17, %dma_wait3A_44, %dma_wait3A_45] : memref<16x2x2x25x128xi32, #tpu.memory_space<hbm>> -> memref<1x1x1x25x128xi32, #tpu.memory_space<hbm>>
        %dma_wait3A_47 = tpu.memref_squeeze %dma_wait3A_46 : memref<1x1x1x25x128xi32, #tpu.memory_space<hbm>> -> memref<25x128xi32, #tpu.memory_space<hbm>>
        tpu.wait_dma2 semaphore(%run_scoped3A_33 : memref<!tpu.dma_semaphore, #tpu.memory_space<semaphore_mem>>) src(%dma_wait3A_47 : memref<25x128xi32, #tpu.memory_space<hbm>>) dst(%arg10 : memref<25x128xi32, #tpu.memory_space<vmem>>)
        tpu.yield
      }) : () -> ()
      %scan3A = arith.constant 0 : i32
      %scan3A_18 = arith.constant 0 : i32
      %scan3A_19 = arith.constant 25 : i32
      %scan3A_20 = arith.addi %scan3A_18, %scan3A_19 : i32
      %scan3A_21 = arith.constant 1 : i32
      scf.for %scan3A_33 = %scan3A_18 to %scan3A_20 step %scan3A_21  : i32 {
        "tpu.region"() ({
          %run_scoped3A_34 = tpu.sem_alloc : memref<!tpu.dma_semaphore, #tpu.memory_space<semaphore_mem>>
          %dma_start3A = arith.constant 0 : i32
          %dma_start3A_35 = arith.constant 0 : i32
          %dma_start3A_36 = tpu.memref_slice %arg11[%dma_start3A, %dma_start3A_35] : memref<128x144xf32, #tpu.memory_space<vmem>> -> memref<128x144xf32, #tpu.memory_space<vmem>>
          %dma_start3A_37 = arith.constant 0 : i32
          %dma_start3A_38 = tpu.memref_slice %arg9[%scan3A_33, %dma_start3A_37] : memref<25x128xi32, #tpu.memory_space<vmem>> -> memref<1x128xi32, #tpu.memory_space<vmem>>
          %dma_start3A_39 = tpu.memref_squeeze %dma_start3A_38 : memref<1x128xi32, #tpu.memory_space<vmem>> -> memref<128xi32, #tpu.memory_space<vmem>>
          %dma_start3A_40 = arith.constant 0 : i32
          %dma_start3A_41 = arith.constant 0 : i32
          %dma_start3A_42 = tpu.memref_slice %arg2[%dma_start3A_40, %dma_start3A_41] : memref<10240x144xf32, #tpu.memory_space<hbm>> -> memref<10240x144xf32, #tpu.memory_space<hbm>>
          tpu.enqueue_indirect_dma source(%dma_start3A_42 : memref<10240x144xf32, #tpu.memory_space<hbm>>) target(%dma_start3A_36 : memref<128x144xf32, #tpu.memory_space<vmem>>) offsets(%dma_start3A_39 : memref<128xi32, #tpu.memory_space<vmem>>) semaphore(%run_scoped3A_34 : memref<!tpu.dma_semaphore, #tpu.memory_space<semaphore_mem>>)
          %dma_wait3A = arith.constant 0 : i32
          %dma_wait3A_43 = arith.constant 0 : i32
          %dma_wait3A_44 = tpu.memref_slice %arg11[%dma_wait3A, %dma_wait3A_43] : memref<128x144xf32, #tpu.memory_space<vmem>> -> memref<128x144xf32, #tpu.memory_space<vmem>>
          %dma_wait3A_45 = arith.constant 0 : i32
          %dma_wait3A_46 = tpu.memref_slice %arg9[%scan3A_33, %dma_wait3A_45] : memref<25x128xi32, #tpu.memory_space<vmem>> -> memref<1x128xi32, #tpu.memory_space<vmem>>
          %dma_wait3A_47 = tpu.memref_squeeze %dma_wait3A_46 : memref<1x128xi32, #tpu.memory_space<vmem>> -> memref<128xi32, #tpu.memory_space<vmem>>
          %dma_wait3A_48 = arith.constant 0 : i32
          %dma_wait3A_49 = arith.constant 0 : i32
          %dma_wait3A_50 = tpu.memref_slice %arg2[%dma_wait3A_48, %dma_wait3A_49] : memref<10240x144xf32, #tpu.memory_space<hbm>> -> memref<10240x144xf32, #tpu.memory_space<hbm>>
          tpu.wait_indirect_dma semaphore(%run_scoped3A_34 : memref<!tpu.dma_semaphore, #tpu.memory_space<semaphore_mem>>) src(%dma_wait3A_50 : memref<10240x144xf32, #tpu.memory_space<hbm>>) dst(%dma_wait3A_44 : memref<128x144xf32, #tpu.memory_space<vmem>>)
          tpu.yield
        }) : () -> ()
        "tpu.region"() ({
          %run_scoped3A_34 = tpu.sem_alloc : memref<!tpu.dma_semaphore, #tpu.memory_space<semaphore_mem>>
          %dma_start3A = arith.constant 0 : i32
          %dma_start3A_35 = arith.constant 0 : i32
          %dma_start3A_36 = tpu.memref_slice %arg11[%dma_start3A, %dma_start3A_35] : memref<128x144xf32, #tpu.memory_space<vmem>> -> memref<128x144xf32, #tpu.memory_space<vmem>>
          %dma_start3A_37 = arith.constant 0 : i32
          %dma_start3A_38 = tpu.memref_slice %arg10[%scan3A_33, %dma_start3A_37] : memref<25x128xi32, #tpu.memory_space<vmem>> -> memref<1x128xi32, #tpu.memory_space<vmem>>
          %dma_start3A_39 = tpu.memref_squeeze %dma_start3A_38 : memref<1x128xi32, #tpu.memory_space<vmem>> -> memref<128xi32, #tpu.memory_space<vmem>>
          %dma_start3A_40 = arith.constant 0 : i32
          %dma_start3A_41 = arith.constant 0 : i32
          %dma_start3A_42 = tpu.memref_slice %arg14[%dma_start3A_40, %dma_start3A_41] : memref<10000x144xf32, #tpu.memory_space<vmem_shared>> -> memref<10000x144xf32, #tpu.memory_space<vmem_shared>>
          tpu.enqueue_indirect_dma source(%dma_start3A_36 : memref<128x144xf32, #tpu.memory_space<vmem>>) target(%dma_start3A_42 : memref<10000x144xf32, #tpu.memory_space<vmem_shared>>) offsets(%dma_start3A_39 : memref<128xi32, #tpu.memory_space<vmem>>) semaphore(%run_scoped3A_34 : memref<!tpu.dma_semaphore, #tpu.memory_space<semaphore_mem>>) {add = true}
          %dma_wait3A = arith.constant 0 : i32
          %dma_wait3A_43 = arith.constant 0 : i32
          %dma_wait3A_44 = tpu.memref_slice %arg11[%dma_wait3A, %dma_wait3A_43] : memref<128x144xf32, #tpu.memory_space<vmem>> -> memref<128x144xf32, #tpu.memory_space<vmem>>
          %dma_wait3A_45 = arith.constant 0 : i32
          %dma_wait3A_46 = tpu.memref_slice %arg10[%scan3A_33, %dma_wait3A_45] : memref<25x128xi32, #tpu.memory_space<vmem>> -> memref<1x128xi32, #tpu.memory_space<vmem>>
          %dma_wait3A_47 = tpu.memref_squeeze %dma_wait3A_46 : memref<1x128xi32, #tpu.memory_space<vmem>> -> memref<128xi32, #tpu.memory_space<vmem>>
          %dma_wait3A_48 = arith.constant 0 : i32
          %dma_wait3A_49 = arith.constant 0 : i32
          %dma_wait3A_50 = tpu.memref_slice %arg14[%dma_wait3A_48, %dma_wait3A_49] : memref<10000x144xf32, #tpu.memory_space<vmem_shared>> -> memref<10000x144xf32, #tpu.memory_space<vmem_shared>>
          tpu.wait_indirect_dma semaphore(%run_scoped3A_34 : memref<!tpu.dma_semaphore, #tpu.memory_space<semaphore_mem>>) src(%dma_wait3A_44 : memref<128x144xf32, #tpu.memory_space<vmem>>) dst(%dma_wait3A_50 : memref<10000x144xf32, #tpu.memory_space<vmem_shared>>)
          tpu.yield
        }) : () -> ()
      }
      %scan3A_22 = arith.constant 25 : i32
      %run_scoped3A_23 = arith.constant 1 : i32
      %run_scoped3A_24 = arith.constant 0 : i32
      "tpu.region"() ({
        %run_scoped3A_33 = tpu.sem_alloc : memref<!tpu.dma_semaphore, #tpu.memory_space<semaphore_mem>>
        %dma_start3A = arith.constant 0 : i32
        %dma_start3A_34 = arith.constant 0 : i32
        %dma_start3A_35 = tpu.memref_slice %arg4[%arg1, %run_scoped3A_23, %run_scoped3A_24, %dma_start3A, %dma_start3A_34] : memref<16x2x2x25x128xi32, #tpu.memory_space<hbm>> -> memref<1x1x1x25x128xi32, #tpu.memory_space<hbm>>
        %dma_start3A_36 = tpu.memref_squeeze %dma_start3A_35 : memref<1x1x1x25x128xi32, #tpu.memory_space<hbm>> -> memref<25x128xi32, #tpu.memory_space<hbm>>
        %dma_start3A_37 = arith.constant 0 : i32
        %dma_start3A_38 = arith.constant 0 : i32
        %dma_start3A_39 = tpu.memref_slice %arg4[%arg1, %run_scoped3A_23, %run_scoped3A_24, %dma_start3A_37, %dma_start3A_38] : memref<16x2x2x25x128xi32, #tpu.memory_space<hbm>> -> memref<1x1x1x25x128xi32, #tpu.memory_space<hbm>>
        %dma_start3A_40 = tpu.memref_squeeze %dma_start3A_39 : memref<1x1x1x25x128xi32, #tpu.memory_space<hbm>> -> memref<25x128xi32, #tpu.memory_space<hbm>>
        tpu.enqueue_dma source(%dma_start3A_40 : memref<25x128xi32, #tpu.memory_space<hbm>>) target(%arg9 : memref<25x128xi32, #tpu.memory_space<vmem>>) target_semaphore(%run_scoped3A_33 : memref<!tpu.dma_semaphore, #tpu.memory_space<semaphore_mem>>)
        %dma_wait3A = arith.constant 0 : i32
        %dma_wait3A_41 = arith.constant 0 : i32
        %dma_wait3A_42 = tpu.memref_slice %arg4[%arg1, %run_scoped3A_23, %run_scoped3A_24, %dma_wait3A, %dma_wait3A_41] : memref<16x2x2x25x128xi32, #tpu.memory_space<hbm>> -> memref<1x1x1x25x128xi32, #tpu.memory_space<hbm>>
        %dma_wait3A_43 = tpu.memref_squeeze %dma_wait3A_42 : memref<1x1x1x25x128xi32, #tpu.memory_space<hbm>> -> memref<25x128xi32, #tpu.memory_space<hbm>>
        %dma_wait3A_44 = arith.constant 0 : i32
        %dma_wait3A_45 = arith.constant 0 : i32
        %dma_wait3A_46 = tpu.memref_slice %arg4[%arg1, %run_scoped3A_23, %run_scoped3A_24, %dma_wait3A_44, %dma_wait3A_45] : memref<16x2x2x25x128xi32, #tpu.memory_space<hbm>> -> memref<1x1x1x25x128xi32, #tpu.memory_space<hbm>>
        %dma_wait3A_47 = tpu.memref_squeeze %dma_wait3A_46 : memref<1x1x1x25x128xi32, #tpu.memory_space<hbm>> -> memref<25x128xi32, #tpu.memory_space<hbm>>
        tpu.wait_dma2 semaphore(%run_scoped3A_33 : memref<!tpu.dma_semaphore, #tpu.memory_space<semaphore_mem>>) src(%dma_wait3A_47 : memref<25x128xi32, #tpu.memory_space<hbm>>) dst(%arg9 : memref<25x128xi32, #tpu.memory_space<vmem>>)
        tpu.yield
      }) : () -> ()
      %run_scoped3A_25 = arith.constant 1 : i32
      %run_scoped3A_26 = arith.constant 1 : i32
      "tpu.region"() ({
        %run_scoped3A_33 = tpu.sem_alloc : memref<!tpu.dma_semaphore, #tpu.memory_space<semaphore_mem>>
        %dma_start3A = arith.constant 0 : i32
        %dma_start3A_34 = arith.constant 0 : i32
        %dma_start3A_35 = tpu.memref_slice %arg4[%arg1, %run_scoped3A_25, %run_scoped3A_26, %dma_start3A, %dma_start3A_34] : memref<16x2x2x25x128xi32, #tpu.memory_space<hbm>> -> memref<1x1x1x25x128xi32, #tpu.memory_space<hbm>>
        %dma_start3A_36 = tpu.memref_squeeze %dma_start3A_35 : memref<1x1x1x25x128xi32, #tpu.memory_space<hbm>> -> memref<25x128xi32, #tpu.memory_space<hbm>>
        %dma_start3A_37 = arith.constant 0 : i32
        %dma_start3A_38 = arith.constant 0 : i32
        %dma_start3A_39 = tpu.memref_slice %arg4[%arg1, %run_scoped3A_25, %run_scoped3A_26, %dma_start3A_37, %dma_start3A_38] : memref<16x2x2x25x128xi32, #tpu.memory_space<hbm>> -> memref<1x1x1x25x128xi32, #tpu.memory_space<hbm>>
        %dma_start3A_40 = tpu.memref_squeeze %dma_start3A_39 : memref<1x1x1x25x128xi32, #tpu.memory_space<hbm>> -> memref<25x128xi32, #tpu.memory_space<hbm>>
        tpu.enqueue_dma source(%dma_start3A_40 : memref<25x128xi32, #tpu.memory_space<hbm>>) target(%arg10 : memref<25x128xi32, #tpu.memory_space<vmem>>) target_semaphore(%run_scoped3A_33 : memref<!tpu.dma_semaphore, #tpu.memory_space<semaphore_mem>>)
        %dma_wait3A = arith.constant 0 : i32
        %dma_wait3A_41 = arith.constant 0 : i32
        %dma_wait3A_42 = tpu.memref_slice %arg4[%arg1, %run_scoped3A_25, %run_scoped3A_26, %dma_wait3A, %dma_wait3A_41] : memref<16x2x2x25x128xi32, #tpu.memory_space<hbm>> -> memref<1x1x1x25x128xi32, #tpu.memory_space<hbm>>
        %dma_wait3A_43 = tpu.memref_squeeze %dma_wait3A_42 : memref<1x1x1x25x128xi32, #tpu.memory_space<hbm>> -> memref<25x128xi32, #tpu.memory_space<hbm>>
        %dma_wait3A_44 = arith.constant 0 : i32
        %dma_wait3A_45 = arith.constant 0 : i32
        %dma_wait3A_46 = tpu.memref_slice %arg4[%arg1, %run_scoped3A_25, %run_scoped3A_26, %dma_wait3A_44, %dma_wait3A_45] : memref<16x2x2x25x128xi32, #tpu.memory_space<hbm>> -> memref<1x1x1x25x128xi32, #tpu.memory_space<hbm>>
        %dma_wait3A_47 = tpu.memref_squeeze %dma_wait3A_46 : memref<1x1x1x25x128xi32, #tpu.memory_space<hbm>> -> memref<25x128xi32, #tpu.memory_space<hbm>>
        tpu.wait_dma2 semaphore(%run_scoped3A_33 : memref<!tpu.dma_semaphore, #tpu.memory_space<semaphore_mem>>) src(%dma_wait3A_47 : memref<25x128xi32, #tpu.memory_space<hbm>>) dst(%arg10 : memref<25x128xi32, #tpu.memory_space<vmem>>)
        tpu.yield
      }) : () -> ()
      %scan3A_27 = arith.constant 0 : i32
      %scan3A_28 = arith.constant 0 : i32
      %scan3A_29 = arith.constant 25 : i32
      %scan3A_30 = arith.addi %scan3A_28, %scan3A_29 : i32
      %scan3A_31 = arith.constant 1 : i32
      scf.for %scan3A_33 = %scan3A_28 to %scan3A_30 step %scan3A_31  : i32 {
        "tpu.region"() ({
          %run_scoped3A_34 = tpu.sem_alloc : memref<!tpu.dma_semaphore, #tpu.memory_space<semaphore_mem>>
          %dma_start3A = arith.constant 0 : i32
          %dma_start3A_35 = arith.constant 0 : i32
          %dma_start3A_36 = tpu.memref_slice %arg11[%dma_start3A, %dma_start3A_35] : memref<128x144xf32, #tpu.memory_space<vmem>> -> memref<128x144xf32, #tpu.memory_space<vmem>>
          %dma_start3A_37 = arith.constant 0 : i32
          %dma_start3A_38 = tpu.memref_slice %arg9[%scan3A_33, %dma_start3A_37] : memref<25x128xi32, #tpu.memory_space<vmem>> -> memref<1x128xi32, #tpu.memory_space<vmem>>
          %dma_start3A_39 = tpu.memref_squeeze %dma_start3A_38 : memref<1x128xi32, #tpu.memory_space<vmem>> -> memref<128xi32, #tpu.memory_space<vmem>>
          %dma_start3A_40 = arith.constant 0 : i32
          %dma_start3A_41 = arith.constant 0 : i32
          %dma_start3A_42 = tpu.memref_slice %arg2[%dma_start3A_40, %dma_start3A_41] : memref<10240x144xf32, #tpu.memory_space<hbm>> -> memref<10240x144xf32, #tpu.memory_space<hbm>>
          tpu.enqueue_indirect_dma source(%dma_start3A_42 : memref<10240x144xf32, #tpu.memory_space<hbm>>) target(%dma_start3A_36 : memref<128x144xf32, #tpu.memory_space<vmem>>) offsets(%dma_start3A_39 : memref<128xi32, #tpu.memory_space<vmem>>) semaphore(%run_scoped3A_34 : memref<!tpu.dma_semaphore, #tpu.memory_space<semaphore_mem>>)
          %dma_wait3A = arith.constant 0 : i32
          %dma_wait3A_43 = arith.constant 0 : i32
          %dma_wait3A_44 = tpu.memref_slice %arg11[%dma_wait3A, %dma_wait3A_43] : memref<128x144xf32, #tpu.memory_space<vmem>> -> memref<128x144xf32, #tpu.memory_space<vmem>>
          %dma_wait3A_45 = arith.constant 0 : i32
          %dma_wait3A_46 = tpu.memref_slice %arg9[%scan3A_33, %dma_wait3A_45] : memref<25x128xi32, #tpu.memory_space<vmem>> -> memref<1x128xi32, #tpu.memory_space<vmem>>
          %dma_wait3A_47 = tpu.memref_squeeze %dma_wait3A_46 : memref<1x128xi32, #tpu.memory_space<vmem>> -> memref<128xi32, #tpu.memory_space<vmem>>
          %dma_wait3A_48 = arith.constant 0 : i32
          %dma_wait3A_49 = arith.constant 0 : i32
          %dma_wait3A_50 = tpu.memref_slice %arg2[%dma_wait3A_48, %dma_wait3A_49] : memref<10240x144xf32, #tpu.memory_space<hbm>> -> memref<10240x144xf32, #tpu.memory_space<hbm>>
          tpu.wait_indirect_dma semaphore(%run_scoped3A_34 : memref<!tpu.dma_semaphore, #tpu.memory_space<semaphore_mem>>) src(%dma_wait3A_50 : memref<10240x144xf32, #tpu.memory_space<hbm>>) dst(%dma_wait3A_44 : memref<128x144xf32, #tpu.memory_space<vmem>>)
          tpu.yield
        }) : () -> ()
        "tpu.region"() ({
          %run_scoped3A_34 = tpu.sem_alloc : memref<!tpu.dma_semaphore, #tpu.memory_space<semaphore_mem>>
          %dma_start3A = arith.constant 0 : i32
          %dma_start3A_35 = arith.constant 0 : i32
          %dma_start3A_36 = tpu.memref_slice %arg11[%dma_start3A, %dma_start3A_35] : memref<128x144xf32, #tpu.memory_space<vmem>> -> memref<128x144xf32, #tpu.memory_space<vmem>>
          %dma_start3A_37 = arith.constant 0 : i32
          %dma_start3A_38 = tpu.memref_slice %arg10[%scan3A_33, %dma_start3A_37] : memref<25x128xi32, #tpu.memory_space<vmem>> -> memref<1x128xi32, #tpu.memory_space<vmem>>
          %dma_start3A_39 = tpu.memref_squeeze %dma_start3A_38 : memref<1x128xi32, #tpu.memory_space<vmem>> -> memref<128xi32, #tpu.memory_space<vmem>>
          %dma_start3A_40 = arith.constant 0 : i32
          %dma_start3A_41 = arith.constant 0 : i32
          %dma_start3A_42 = tpu.memref_slice %arg14[%dma_start3A_40, %dma_start3A_41] : memref<10000x144xf32, #tpu.memory_space<vmem_shared>> -> memref<10000x144xf32, #tpu.memory_space<vmem_shared>>
          tpu.enqueue_indirect_dma source(%dma_start3A_36 : memref<128x144xf32, #tpu.memory_space<vmem>>) target(%dma_start3A_42 : memref<10000x144xf32, #tpu.memory_space<vmem_shared>>) offsets(%dma_start3A_39 : memref<128xi32, #tpu.memory_space<vmem>>) semaphore(%run_scoped3A_34 : memref<!tpu.dma_semaphore, #tpu.memory_space<semaphore_mem>>) {add = true}
          %dma_wait3A = arith.constant 0 : i32
          %dma_wait3A_43 = arith.constant 0 : i32
          %dma_wait3A_44 = tpu.memref_slice %arg11[%dma_wait3A, %dma_wait3A_43] : memref<128x144xf32, #tpu.memory_space<vmem>> -> memref<128x144xf32, #tpu.memory_space<vmem>>
          %dma_wait3A_45 = arith.constant 0 : i32
          %dma_wait3A_46 = tpu.memref_slice %arg10[%scan3A_33, %dma_wait3A_45] : memref<25x128xi32, #tpu.memory_space<vmem>> -> memref<1x128xi32, #tpu.memory_space<vmem>>
          %dma_wait3A_47 = tpu.memref_squeeze %dma_wait3A_46 : memref<1x128xi32, #tpu.memory_space<vmem>> -> memref<128xi32, #tpu.memory_space<vmem>>
          %dma_wait3A_48 = arith.constant 0 : i32
          %dma_wait3A_49 = arith.constant 0 : i32
          %dma_wait3A_50 = tpu.memref_slice %arg14[%dma_wait3A_48, %dma_wait3A_49] : memref<10000x144xf32, #tpu.memory_space<vmem_shared>> -> memref<10000x144xf32, #tpu.memory_space<vmem_shared>>
          tpu.wait_indirect_dma semaphore(%run_scoped3A_34 : memref<!tpu.dma_semaphore, #tpu.memory_space<semaphore_mem>>) src(%dma_wait3A_44 : memref<128x144xf32, #tpu.memory_space<vmem>>) dst(%dma_wait3A_50 : memref<10000x144xf32, #tpu.memory_space<vmem_shared>>)
          tpu.yield
        }) : () -> ()
      }
      %scan3A_32 = arith.constant 25 : i32
    } else {
    }
    %barrier3A_8 = arith.constant 0 : index
    tpu.barrier barrier_id(%barrier3A_8)
    %mul3A_9 = arith.constant 625 : i32
    %mul3A_10 = arith.muli %arg1, %mul3A_9 : i32
    %mul3A_11 = arith.constant 10240 : i32
    %mul3A_12 = arith.muli %arg0, %mul3A_11 : i32
    %mul3A_13 = arith.constant 625 : i32
    %mul3A_14 = arith.muli %arg1, %mul3A_13 : i32
    %add3A = arith.addi %mul3A_12, %mul3A_14 : i32
    "tpu.region"() ({
      %run_scoped3A = tpu.sem_alloc : memref<!tpu.dma_semaphore, #tpu.memory_space<semaphore_mem>>
      %dma_start3A = arith.constant 0 : i32
      %dma_start3A_15 = tpu.memref_slice %arg6[%add3A, %dma_start3A] : memref<20480x144xf32, #tpu.memory_space<hbm>> -> memref<625x144xf32, #tpu.memory_space<hbm>>
      %dma_start3A_16 = arith.constant 0 : i32
      %dma_start3A_17 = tpu.memref_slice %arg14[%mul3A_10, %dma_start3A_16] : memref<10000x144xf32, #tpu.memory_space<vmem_shared>> -> memref<625x144xf32, #tpu.memory_space<vmem_shared>>
      tpu.enqueue_dma source(%dma_start3A_17 : memref<625x144xf32, #tpu.memory_space<vmem_shared>>) target(%dma_start3A_15 : memref<625x144xf32, #tpu.memory_space<hbm>>) target_semaphore(%run_scoped3A : memref<!tpu.dma_semaphore, #tpu.memory_space<semaphore_mem>>)
      %dma_wait3A = arith.constant 0 : i32
      %dma_wait3A_18 = tpu.memref_slice %arg6[%add3A, %dma_wait3A] : memref<20480x144xf32, #tpu.memory_space<hbm>> -> memref<625x144xf32, #tpu.memory_space<hbm>>
      %dma_wait3A_19 = arith.constant 0 : i32
      %dma_wait3A_20 = tpu.memref_slice %arg14[%mul3A_10, %dma_wait3A_19] : memref<10000x144xf32, #tpu.memory_space<vmem_shared>> -> memref<625x144xf32, #tpu.memory_space<vmem_shared>>
      tpu.wait_dma2 semaphore(%run_scoped3A : memref<!tpu.dma_semaphore, #tpu.memory_space<semaphore_mem>>) src(%dma_wait3A_20 : memref<625x144xf32, #tpu.memory_space<vmem_shared>>) dst(%dma_wait3A_18 : memref<625x144xf32, #tpu.memory_space<hbm>>)
      tpu.yield
    }) : () -> ()
    return
  }
}

module attributes {stable_mosaic.version = 14 : i64} {
  func.func @_dense1_body(%arg0: i32, %arg1: memref<512x144xf32, #tpu.memory_space<vmem>>, %arg2: memref<512x144xf32, #tpu.memory_space<vmem>>, %arg3: memref<512x128xf32, #tpu.memory_space<vmem>>, %arg4: memref<128x128xf32, #tpu.memory_space<vmem>>, %arg5: memref<128x128xf32, #tpu.memory_space<vmem>>, %arg6: memref<1x128xf32, #tpu.memory_space<vmem>>, %arg7: memref<512x128xf32, #tpu.memory_space<vmem>>, %arg8: memref<512x1xf32, #tpu.memory_space<vmem>>) attributes {dimension_semantics = [#tpu.dimension_semantics<arbitrary>], iteration_bounds = array<i64: 20>, scalar_prefetch = 0 : i64, scratch_operands = 0 : i64, tpu.core_type = #tpu.core_type<tc>, window_params = [{transform_indices = @transform_0, window_bounds = array<i64: 512, 144>}, {transform_indices = @transform_1, window_bounds = array<i64: 512, 144>}, {transform_indices = @transform_2, window_bounds = array<i64: 512, 128>}, {pipeline_mode = #tpu.pipeline_mode<synchronous>, transform_indices = @transform_3, window_bounds = array<i64: 128, 128>}, {pipeline_mode = #tpu.pipeline_mode<synchronous>, transform_indices = @transform_4, window_bounds = array<i64: 128, 128>}, {pipeline_mode = #tpu.pipeline_mode<synchronous>, transform_indices = @transform_5, window_bounds = array<i64: 1, 128>}, {transform_indices = @transform_6, window_bounds = array<i64: 512, 128>}, {transform_indices = @transform_7, window_bounds = array<i64: 512, 1>}]} {
    %get3A = arith.constant 0 : index
    %get3A_0 = arith.constant 0 : index
    %get3A_1 = vector.load %arg1[%get3A, %get3A_0] : memref<512x144xf32, #tpu.memory_space<vmem>>, vector<512x144xf32>
    %get3A_2 = arith.constant 0 : index
    %get3A_3 = arith.constant 0 : index
    %get3A_4 = vector.load %arg2[%get3A_2, %get3A_3] : memref<512x144xf32, #tpu.memory_space<vmem>>, vector<512x144xf32>
    %add3A = arith.addf %get3A_1, %get3A_4 : vector<512x144xf32>
    %slice3A = vector.extract_strided_slice %add3A {offsets = [0, 128], sizes = [512, 1], strides = [1, 1]} : vector<512x144xf32> to vector<512x1xf32>
    %max3A = arith.constant 1.000000e+00 : f32
    %max3A_5 = vector.broadcast %max3A : f32 to vector<512x1xf32>
    %max3A_6 = arith.maximumf %slice3A, %max3A_5 : vector<512x1xf32>
    %div3A = arith.constant 1.000000e+00 : f32
    %div3A_7 = vector.broadcast %div3A : f32 to vector<512x1xf32>
    %div3A_8 = arith.divf %div3A_7, %max3A_6 : vector<512x1xf32>
    %slice3A_9 = vector.extract_strided_slice %add3A {offsets = [0, 0], sizes = [512, 128], strides = [1, 1]} : vector<512x144xf32> to vector<512x128xf32>
    %mul3A = vector.broadcast %div3A_8 : vector<512x1xf32> to vector<512x128xf32>
    %mul3A_10 = arith.mulf %slice3A_9, %mul3A : vector<512x128xf32>
    %get3A_11 = arith.constant 0 : index
    %get3A_12 = arith.constant 0 : index
    %get3A_13 = vector.load %arg4[%get3A_11, %get3A_12] : memref<128x128xf32, #tpu.memory_space<vmem>>, vector<128x128xf32>
    %dot_general3A = arith.constant dense<0.000000e+00> : vector<512x128xf32>
    %dot_general3A_14 = tpu.matmul %mul3A_10, %get3A_13, %dot_general3A {dimension_numbers = #tpu.dot_dimension_numbers<[1], [0], [0], [1], [0, 0, 1, 1], [], []>, transpose_lhs_hint = false} : vector<512x128xf32>, vector<128x128xf32>, vector<512x128xf32> -> vector<512x128xf32>
    %get3A_15 = arith.constant 0 : index
    %get3A_16 = arith.constant 0 : index
    %get3A_17 = vector.load %arg3[%get3A_15, %get3A_16] : memref<512x128xf32, #tpu.memory_space<vmem>>, vector<512x128xf32>
    %get3A_18 = arith.constant 0 : index
    %get3A_19 = arith.constant 0 : index
    %get3A_20 = vector.load %arg5[%get3A_18, %get3A_19] : memref<128x128xf32, #tpu.memory_space<vmem>>, vector<128x128xf32>
    %dot_general3A_21 = arith.constant dense<0.000000e+00> : vector<512x128xf32>
    %dot_general3A_22 = tpu.matmul %get3A_17, %get3A_20, %dot_general3A_21 {dimension_numbers = #tpu.dot_dimension_numbers<[1], [0], [0], [1], [0, 0, 1, 1], [], []>, transpose_lhs_hint = false} : vector<512x128xf32>, vector<128x128xf32>, vector<512x128xf32> -> vector<512x128xf32>
    %add3A_23 = arith.addf %dot_general3A_14, %dot_general3A_22 : vector<512x128xf32>
    %get3A_24 = arith.constant 0 : index
    %get3A_25 = arith.constant 0 : index
    %get3A_26 = vector.load %arg6[%get3A_24, %get3A_25] : memref<1x128xf32, #tpu.memory_space<vmem>>, vector<1x128xf32>
    %add3A_27 = vector.broadcast %get3A_26 : vector<1x128xf32> to vector<512x128xf32>
    %add3A_28 = arith.addf %add3A_23, %add3A_27 : vector<512x128xf32>
    %mul3A_29 = arith.constant 512 : i32
    %mul3A_30 = arith.muli %arg0, %mul3A_29 : i32
    %iota3A = tpu.iota {dimensions = array<i32: 0>} : vector<512x1xi32>
    %add3A_31 = vector.broadcast %mul3A_30 : i32 to vector<512x1xi32>
    %add3A_32 = arith.addi %add3A_31, %iota3A : vector<512x1xi32>
    %lt3A = arith.constant 10000 : i32
    %lt3A_33 = vector.broadcast %lt3A : i32 to vector<512x1xi32>
    %lt3A_34 = arith.cmpi slt, %add3A_32, %lt3A_33 : vector<512x1xi32>
    %max3A_35 = arith.constant 0.000000e+00 : f32
    %max3A_36 = vector.broadcast %max3A_35 : f32 to vector<512x128xf32>
    %max3A_37 = arith.maximumf %add3A_28, %max3A_36 : vector<512x128xf32>
    %jit3A = arith.constant 0.000000e+00 : f32
    %broadcast_in_dim3A = vector.shape_cast %lt3A_34 : vector<512x1xi1> to vector<512x1xi1>
    %broadcast_in_dim3A_38 = vector.broadcast %broadcast_in_dim3A : vector<512x1xi1> to vector<512x128xi1>
    %broadcast_in_dim3A_39 = vector.broadcast %jit3A : f32 to vector<512x128xf32>
    %select_n3A = arith.select %broadcast_in_dim3A_38, %max3A_37, %broadcast_in_dim3A_39 : vector<512x128xi1>, vector<512x128xf32>
    %swap3A = arith.constant 0 : index
    %swap3A_40 = arith.constant 0 : index
    %swap3A_41 = vector.load %arg7[%swap3A, %swap3A_40] : memref<512x128xf32, #tpu.memory_space<vmem>>, vector<512x128xf32>
    tpu.vector_store %arg7[%swap3A, %swap3A_40], %select_n3A {strides = array<i32>} : memref<512x128xf32, #tpu.memory_space<vmem>>, vector<512x128xf32>,
    %swap3A_42 = arith.constant 0 : index
    %swap3A_43 = arith.constant 0 : index
    %swap3A_44 = vector.load %arg8[%swap3A_42, %swap3A_43] : memref<512x1xf32, #tpu.memory_space<vmem>>, vector<512x1xf32>
    tpu.vector_store %arg8[%swap3A_42, %swap3A_43], %div3A_8 {strides = array<i32>} : memref<512x1xf32, #tpu.memory_space<vmem>>, vector<512x1xf32>,
    return
  }
  func.func @transform_0(%arg0: i32) -> (i32, i32) {
    %c0_i32 = arith.constant 0 : i32
    %c0_i32_0 = arith.constant 0 : i32
    return %arg0, %c0_i32 : i32, i32
  }
  func.func @transform_1(%arg0: i32) -> (i32, i32) {
    %add3A = arith.constant 20 : i32
    %add3A_0 = arith.addi %arg0, %add3A : i32
    %c0_i32 = arith.constant 0 : i32
    %c0_i32_1 = arith.constant 0 : i32
    return %add3A_0, %c0_i32 : i32, i32
  }
  func.func @transform_2(%arg0: i32) -> (i32, i32) {
    %c0_i32 = arith.constant 0 : i32
    %c0_i32_0 = arith.constant 0 : i32
    return %arg0, %c0_i32 : i32, i32
  }
  func.func @transform_3(%arg0: i32) -> (i32, i32) {
    %c0_i32 = arith.constant 0 : i32
    %c0_i32_0 = arith.constant 0 : i32
    %c0_i32_1 = arith.constant 0 : i32
    return %c0_i32, %c0_i32_0 : i32, i32
  }
  func.func @transform_4(%arg0: i32) -> (i32, i32) {
    %c0_i32 = arith.constant 0 : i32
    %c0_i32_0 = arith.constant 0 : i32
    %c0_i32_1 = arith.constant 0 : i32
    return %c0_i32, %c0_i32_0 : i32, i32
  }
  func.func @transform_5(%arg0: i32) -> (i32, i32) {
    %c0_i32 = arith.constant 0 : i32
    %c0_i32_0 = arith.constant 0 : i32
    %c0_i32_1 = arith.constant 0 : i32
    return %c0_i32, %c0_i32_0 : i32, i32
  }
  func.func @transform_6(%arg0: i32) -> (i32, i32) {
    %c0_i32 = arith.constant 0 : i32
    %c0_i32_0 = arith.constant 0 : i32
    return %arg0, %c0_i32 : i32, i32
  }
  func.func @transform_7(%arg0: i32) -> (i32, i32) {
    %c0_i32 = arith.constant 0 : i32
    %c0_i32_0 = arith.constant 0 : i32
    return %arg0, %c0_i32 : i32, i32
  }
}

module attributes {stable_mosaic.version = 14 : i64} {
  func.func @_dense2_body(%arg0: i32, %arg1: memref<512x128xf32, #tpu.memory_space<vmem>>, %arg2: memref<512x128xf32, #tpu.memory_space<vmem>>, %arg3: memref<512x128xf32, #tpu.memory_space<vmem>>, %arg4: memref<512x1xf32, #tpu.memory_space<vmem>>, %arg5: memref<128x128xf32, #tpu.memory_space<vmem>>, %arg6: memref<128x128xf32, #tpu.memory_space<vmem>>, %arg7: memref<1x128xf32, #tpu.memory_space<vmem>>, %arg8: memref<512x128xf32, #tpu.memory_space<vmem>>) attributes {dimension_semantics = [#tpu.dimension_semantics<arbitrary>], iteration_bounds = array<i64: 20>, scalar_prefetch = 0 : i64, scratch_operands = 0 : i64, tpu.core_type = #tpu.core_type<tc>, window_params = [{transform_indices = @transform_0, window_bounds = array<i64: 512, 128>}, {transform_indices = @transform_1, window_bounds = array<i64: 512, 128>}, {transform_indices = @transform_2, window_bounds = array<i64: 512, 128>}, {transform_indices = @transform_3, window_bounds = array<i64: 512, 1>}, {pipeline_mode = #tpu.pipeline_mode<synchronous>, transform_indices = @transform_4, window_bounds = array<i64: 128, 128>}, {pipeline_mode = #tpu.pipeline_mode<synchronous>, transform_indices = @transform_5, window_bounds = array<i64: 128, 128>}, {pipeline_mode = #tpu.pipeline_mode<synchronous>, transform_indices = @transform_6, window_bounds = array<i64: 1, 128>}, {transform_indices = @transform_7, window_bounds = array<i64: 512, 128>}]} {
    %get3A = arith.constant 0 : index
    %get3A_0 = arith.constant 0 : index
    %get3A_1 = vector.load %arg1[%get3A, %get3A_0] : memref<512x128xf32, #tpu.memory_space<vmem>>, vector<512x128xf32>
    %get3A_2 = arith.constant 0 : index
    %get3A_3 = arith.constant 0 : index
    %get3A_4 = vector.load %arg2[%get3A_2, %get3A_3] : memref<512x128xf32, #tpu.memory_space<vmem>>, vector<512x128xf32>
    %add3A = arith.addf %get3A_1, %get3A_4 : vector<512x128xf32>
    %get3A_5 = arith.constant 0 : index
    %get3A_6 = arith.constant 0 : index
    %get3A_7 = vector.load %arg4[%get3A_5, %get3A_6] : memref<512x1xf32, #tpu.memory_space<vmem>>, vector<512x1xf32>
    %mul3A = vector.broadcast %get3A_7 : vector<512x1xf32> to vector<512x128xf32>
    %mul3A_8 = arith.mulf %add3A, %mul3A : vector<512x128xf32>
    %get3A_9 = arith.constant 0 : index
    %get3A_10 = arith.constant 0 : index
    %get3A_11 = vector.load %arg5[%get3A_9, %get3A_10] : memref<128x128xf32, #tpu.memory_space<vmem>>, vector<128x128xf32>
    %dot_general3A = arith.constant dense<0.000000e+00> : vector<512x128xf32>
    %dot_general3A_12 = tpu.matmul %mul3A_8, %get3A_11, %dot_general3A {dimension_numbers = #tpu.dot_dimension_numbers<[1], [0], [0], [1], [0, 0, 1, 1], [], []>, transpose_lhs_hint = false} : vector<512x128xf32>, vector<128x128xf32>, vector<512x128xf32> -> vector<512x128xf32>
    %get3A_13 = arith.constant 0 : index
    %get3A_14 = arith.constant 0 : index
    %get3A_15 = vector.load %arg3[%get3A_13, %get3A_14] : memref<512x128xf32, #tpu.memory_space<vmem>>, vector<512x128xf32>
    %get3A_16 = arith.constant 0 : index
    %get3A_17 = arith.constant 0 : index
    %get3A_18 = vector.load %arg6[%get3A_16, %get3A_17] : memref<128x128xf32, #tpu.memory_space<vmem>>, vector<128x128xf32>
    %dot_general3A_19 = arith.constant dense<0.000000e+00> : vector<512x128xf32>
    %dot_general3A_20 = tpu.matmul %get3A_15, %get3A_18, %dot_general3A_19 {dimension_numbers = #tpu.dot_dimension_numbers<[1], [0], [0], [1], [0, 0, 1, 1], [], []>, transpose_lhs_hint = false} : vector<512x128xf32>, vector<128x128xf32>, vector<512x128xf32> -> vector<512x128xf32>
    %add3A_21 = arith.addf %dot_general3A_12, %dot_general3A_20 : vector<512x128xf32>
    %get3A_22 = arith.constant 0 : index
    %get3A_23 = arith.constant 0 : index
    %get3A_24 = vector.load %arg7[%get3A_22, %get3A_23] : memref<1x128xf32, #tpu.memory_space<vmem>>, vector<1x128xf32>
    %add3A_25 = vector.broadcast %get3A_24 : vector<1x128xf32> to vector<512x128xf32>
    %add3A_26 = arith.addf %add3A_21, %add3A_25 : vector<512x128xf32>
    %swap3A = arith.constant 0 : index
    %swap3A_27 = arith.constant 0 : index
    %swap3A_28 = vector.load %arg8[%swap3A, %swap3A_27] : memref<512x128xf32, #tpu.memory_space<vmem>>, vector<512x128xf32>
    tpu.vector_store %arg8[%swap3A, %swap3A_27], %add3A_26 {strides = array<i32>} : memref<512x128xf32, #tpu.memory_space<vmem>>, vector<512x128xf32>,
    return
  }
  func.func @transform_0(%arg0: i32) -> (i32, i32) {
    %c0_i32 = arith.constant 0 : i32
    %c0_i32_0 = arith.constant 0 : i32
    return %arg0, %c0_i32 : i32, i32
  }
  func.func @transform_1(%arg0: i32) -> (i32, i32) {
    %add3A = arith.constant 20 : i32
    %add3A_0 = arith.addi %arg0, %add3A : i32
    %c0_i32 = arith.constant 0 : i32
    %c0_i32_1 = arith.constant 0 : i32
    return %add3A_0, %c0_i32 : i32, i32
  }
  func.func @transform_2(%arg0: i32) -> (i32, i32) {
    %c0_i32 = arith.constant 0 : i32
    %c0_i32_0 = arith.constant 0 : i32
    return %arg0, %c0_i32 : i32, i32
  }
  func.func @transform_3(%arg0: i32) -> (i32, i32) {
    %c0_i32 = arith.constant 0 : i32
    %c0_i32_0 = arith.constant 0 : i32
    return %arg0, %c0_i32 : i32, i32
  }
  func.func @transform_4(%arg0: i32) -> (i32, i32) {
    %c0_i32 = arith.constant 0 : i32
    %c0_i32_0 = arith.constant 0 : i32
    %c0_i32_1 = arith.constant 0 : i32
    return %c0_i32, %c0_i32_0 : i32, i32
  }
  func.func @transform_5(%arg0: i32) -> (i32, i32) {
    %c0_i32 = arith.constant 0 : i32
    %c0_i32_0 = arith.constant 0 : i32
    %c0_i32_1 = arith.constant 0 : i32
    return %c0_i32, %c0_i32_0 : i32, i32
  }
  func.func @transform_6(%arg0: i32) -> (i32, i32) {
    %c0_i32 = arith.constant 0 : i32
    %c0_i32_0 = arith.constant 0 : i32
    %c0_i32_1 = arith.constant 0 : i32
    return %c0_i32, %c0_i32_0 : i32, i32
  }
  func.func @transform_7(%arg0: i32) -> (i32, i32) {
    %c0_i32 = arith.constant 0 : i32
    %c0_i32_0 = arith.constant 0 : i32
    return %arg0, %c0_i32 : i32, i32
  }
}

</mosaic_0001>

<sc_bundles>
// kernel: kernel.6.cloned.1.call-start
scs
__scs_entry_jumppad:
0x0: {  	(pc) =	sbr.rel $0x88, $3  }
0x1: {  	(tag) =	ssettag $0x0;
	lr =	simm.s32 $0x1  }
0x2: {  	[smem:$0x3F99] =	sst lr;
	_ =	strace $0xD0000000  }
0x3: {  	_ = 	snop  }
0x4: {  	_ = 	snop  }
0x5: {  	_ = 	snop  }
0x6: {  	_ = 	snop  }
0x7: {  	_ = 	snop  }
__scs_overlays_trampoline_lowered:
0x8: {  	[smem:$0x3FA8] =	sst s0  }
0x9: {  	[smem:$0x3FA9] =	sst s1  }
0xa: {  	[smem:$0x3FAA] =	sst s2  }
0xb: {  	[smem:$0x3FAB] =	sst s3  }
0xc: {  	[smem:$0x3FAC] =	sst s4  }
0xd: {  	[smem:$0x3FAD] =	sst s5  }
0xe: {  	[smem:$0x3FAE] =	sst s6  }
0xf: {  	[smem:$0x3FAF] =	sst s7  }
0x10: {  	[smem:$0x3FB0] =	sst s8  }
0x11: {  	[smem:$0x3FB1] =	sst s9;
	s0 =	simm.s32 @!p0 $0x0  }
0x12: {  	s1 =	sld [smem:$0x3F97];
	s0 =	simm.s32 @p0 $0x1  }
0x13: {  	[smem:$0x3FB2] =	sst s0;
	s0 =	simm.s32 @!p1 $0x0  }
0x14: {  	s2 =	sld [smem:$0x3F96];
	s0 =	simm.s32 @p1 $0x1  }
0x15: {  	[smem:$0x3FB3] =	sst s0;
	s0 =	simm.s32 @!p2 $0x0  }
0x16: {  	s3 =	sld [smem:$0x3FDB];
	s0 =	simm.s32 @p2 $0x1  }
0x17: {  	s4 =	simm.s32 $0x1BF5;
	[smem:$0x3FB5] =	sst s0  }
0x18: {  	s0 =	sld [smem:$0x3F98];
	_ =	swait.ge [sflag:s4], $0x0  }
0x19: {  	s7 =	sld [smem:$0x3F99]  }
0x1a: {  	s8 =	sadd.s32 $0xFFFFE003, lr  }
0x1b: {  	s9 =	sadd.s32 $0xFFFFFEF7, lr;
	s5 =	simm.s32 $0xFFFFFFFF;
	p2 =	slt.u32 s8, $0xFFFFF086  }
0x1c: {  	p1 =	slt.u32 s9, $0xF7A;
	s5 =	simm.s32 @!p2 $0x0  }
0x1d: {  	s5 =	simm.s32 @p1 $0x1;
	p0 =	seq.s32 s7, s2  }
0x1e: {  	s7 =	smul.u32 @!p0 $0xF7A, s2;
	p2 =	seq.s32 @!p0 s5, $0x0  }
0x1f: {  	s9 =	smul.u32 $0xF7A, s1;
	s8 =	simm.s32 @!p0 $0x1BF5;
	p2 =	por !p2, p0  }
0x20: {  	[sflag:s8] =	ssyncset.s32 @!p0 $0xFFFFF086;
	s6 =	sadd.s32 @!p0 s3, s7;
	s7 =	simm.s32 @!p0 $0x108  }
0x21: {  	s3 =	sadd.s32 s3, s9;
	s6 =	sadd.s32 @!p0 $0x88, s6;
	s7 =	simm.s32 @p2 $0x1082  }
0x22: {  	[simem:s7], [sflag:s8] =	dma.local @!p0 [hbm:s6], $0xF7A  }
0x23: {  	s9 =	sor.u32 $0xD0000000, s2;
	s6 =	simm.s32 $0x108;
	_ =	swait.ge @!p0 [sflag:s8], $0x0  }
0x24: {  	s3 =	sadd.s32 $0x88, s3;
	s6 =	simm.s32 @!p1 $0x1082;
	[sflag:s4] =	ssyncset.s32 $0xFFFFF086  }
0x25: {  	[simem:s6], [sflag:s4] =	dma.local [hbm:s3], $0xF7A  }
0x26: {  	[smem:$0x3F99] =	sst s1;
	(tag) =	ssettag s2;
	_ =	strace s9  }
0x27: {  	s1 =	sld [smem:$0x3FA9]  }
0x28: {  	s2 =	sld [smem:$0x3FAA]  }
0x29: {  	s4 =	sld [smem:$0x3FAC]  }
0x2a: {  	p0 =	seq.s32 s5, $0x0;
	s5 =	sld [smem:$0x3FAD]  }
0x2b: {  	s6 =	sld [smem:$0x3FAE]  }
0x2c: {  	s7 =	sld [smem:$0x3FAF]  }
0x2d: {  	s3 =	simm.s32 $0x108;
	s8 =	sld [smem:$0x3FB0]  }
0x2e: {  	s3 =	simm.s32 @!p0 $0x1082;
	s9 =	sld [smem:$0x3FB1]  }
0x2f: {  	lr =	sadd.s32 s0, s3;
	s0 =	sld [smem:$0x3FA8]  }
0x30: {  	s3 =	sld [smem:$0x3FAB]  }
0x31: {  	[smem:$0x3FB4] =	sst s10  }
0x32: {  	s10 =	sld [smem:$0x3FB2];
	_ =	sdelay $0x3  }
0x33: {  	p0 =	seq.s32 s10, $0x1;
	s10 =	sld [smem:$0x3FB4];
	_ =	sdelay $0x3  }
0x34: {  	[smem:$0x3FB4] =	sst s10  }
0x35: {  	s10 =	sld [smem:$0x3FB3];
	_ =	sdelay $0x3  }
0x36: {  	p1 =	seq.s32 s10, $0x1;
	s10 =	sld [smem:$0x3FB4];
	_ =	sdelay $0x3  }
0x37: {  	[smem:$0x3FB4] =	sst s10  }
0x38: {  	s10 =	sld [smem:$0x3FB5]  }
0x39: {  	_ = 	snop;
	(pc) =	sbr.ind lr, $3  }
0x3a: {  	_ = 	snop  }
0x3b: {  	_ = 	snop  }
0x3c: {  	p2 =	seq.s32 s10, $0x1;
	s10 =	sld [smem:$0x3FB4]  }
0x3d: {  	_ =	shalt  }
0x3e: {  	_ =	shalt  }
0x3f: {  	_ =	shalt  }
0x40: {  	_ =	shalt  }
0x41: {  	_ =	shalt  }
0x42: {  	_ =	shalt  }
0x43: {  	_ =	shalt  }
0x44: {  	_ =	shalt  }
0x45: {  	_ =	shalt  }
0x46: {  	_ =	shalt  }
0x47: {  	_ =	shalt  }
0x48: {  	_ =	shalt  }
0x49: {  	_ =	shalt  }
0x4a: {  	_ =	shalt  }
0x4b: {  	_ =	shalt  }
0x4c: {  	_ =	shalt  }
0x4d: {  	_ =	shalt  }
0x4e: {  	_ =	shalt  }
0x4f: {  	_ =	shalt  }
0x50: {  	_ =	shalt  }
0x51: {  	_ =	shalt  }
0x52: {  	_ =	shalt  }
0x53: {  	_ =	shalt  }
0x54: {  	_ =	shalt  }
0x55: {  	_ =	shalt  }
0x56: {  	_ =	shalt  }
0x57: {  	_ =	shalt  }
0x58: {  	_ =	shalt  }
0x59: {  	_ =	shalt  }
0x5a: {  	_ =	shalt  }
0x5b: {  	_ =	shalt  }
0x5c: {  	_ =	shalt  }
0x5d: {  	_ =	shalt  }
0x5e: {  	_ =	shalt  }
0x5f: {  	_ =	shalt  }
0x60: {  	_ =	shalt  }
0x61: {  	_ =	shalt  }
0x62: {  	_ =	shalt  }
0x63: {  	_ =	shalt  }
0x64: {  	_ =	shalt  }
0x65: {  	_ =	shalt  }
0x66: {  	_ =	shalt  }
0x67: {  	_ =	shalt  }
0x68: {  	_ =	shalt  }
0x69: {  	_ =	shalt  }
0x6a: {  	_ =	shalt  }
0x6b: {  	_ =	shalt  }
0x6c: {  	_ =	shalt  }
0x6d: {  	_ =	shalt  }
0x6e: {  	_ =	shalt  }
0x6f: {  	_ =	shalt  }
0x70: {  	_ =	shalt  }
0x71: {  	_ =	shalt  }
0x72: {  	_ =	shalt  }
0x73: {  	_ =	shalt  }
0x74: {  	_ =	shalt  }
0x75: {  	_ =	shalt  }
0x76: {  	_ =	shalt  }
0x77: {  	_ =	shalt  }
0x78: {  	_ =	shalt  }
0x79: {  	_ =	shalt  }
0x7a: {  	_ =	shalt  }
0x7b: {  	_ =	shalt  }
0x7c: {  	_ =	shalt  }
0x7d: {  	_ =	shalt  }
0x7e: {  	_ =	shalt  }
0x7f: {  	_ =	shalt  }
0x80: {  	_ =	shalt  }
0x81: {  	_ =	shalt  }
0x82: {  	_ =	shalt  }
0x83: {  	_ =	shalt  }
0x84: {  	_ =	shalt  }
0x85: {  	_ =	shalt  }
0x86: {  	_ =	shalt  }
0x87: {  	_ =	shalt  }
.Lfunc_end0:
.L_simem_size_0:
called_computation_lowered:
.L_overlay_start_0:
0x88: {  	s2 =	sld [smem:$0x3FD9]  }
0x89: {  	s3 =	sld [smem:$0x3FFE];
	_ =	sdelay $0x1  }
0x8a: {  	s1 =	srdreg.scid  }
0x8b: {  	s0 =	sand.u32 $0x1, s1  }
0x8c: {  	s17 =	sshll.u32 s0, $0xA;
	s2 =	sadd.s32 s3, s2  }
0x8d: {  	s2 =	sadd.s32 s2, s17  }
0x8e: {  	[smem:$0x3FC0] =	sst s2  }
0x8f: {  	_ = 	snop  }
0x90: {  	s2 =	sld [smem:$0x3FD0];
	(tm) =	ssettm $0x1  }
0x91: {  	s18 =	sld [smem:$0x3FFB];
	_ =	sdelay $0x3  }
0x92: {  	_ =	strace s18  }
0x93: {  	s3 =	sld [smem:$0x3FFC];
	_ =	sdelay $0x3  }
0x94: {  	_ =	strace s3  }
0x95: {  	s3 =	sld [smem:$0x3FFD];
	_ =	sdelay $0x3  }
0x96: {  	_ =	strace s3  }
0x97: {  	_ =	strace $0x8FFFFFFF  }
0x98: {  	s19 =	sld [smem:$0x3FDB];
	_ =	sdelay $0x1  }
0x99: {  	s4 =	simm.s32 $_scs_section_size  }
0x9a: {  	s5 =	simm.s32 $_size__tile_overlayer_lowered;
	s6 =	simm.s32 $_tile_overlayer_lowered  }
0x9b: {  	s22 =	simm.s32 $0x1BFF;
	s21 =	sshll.u32 s6, $0x1;
	s3 =	sadd.s32 s4, s19  }
0x9c: {  	s7 =	simm.s32 $0x0;
	s20 =	sshll.u32 s5, $0x1;
	s5 =	sadd.s32 s21, s3  }
0x9d: {  	[timem:s7], [sflag:s22] =	dma.local [hbm:s5], s20  }
0x9e: {  	_ =	swait.ge [sflag:s22], s20  }
0x9f: {  	s4 =	ssub.s32 $0x0, s20;
	[sflag:s22] =	ssyncset.done $0x0  }
0xa0: {  	[sflag:s22] =	ssyncadd.s32 s4;
	_ =	sdelay $0x1  }
0xa1: {  	s23 =	simm.s32 $0x1B8B  }
0xa2: {  	_ =	swait.ge [sflag:s23], $0x1  }
0xa3: {  	[sflag:s23] =	ssyncset.done $0x0  }
0xa4: {  	s25 =	simm.s32 $0x1B8E;
	s24 =	sld [smem:$0x3FFE];
	[sflag:s23] =	ssyncadd.s32 $0xFFFFFFFF  }
0xa5: {  	s26 =	simm.s32 $execute0_lowered;
	[smem:$0x3FD2] =	sst s25  }
0xa6: {  	s5 =	sshll.u32 s26, $0x1;
	_ =	strace $0x80000046;
	[dreg:$0x1] =	wrdreg $0xFFFFFFFF  }
0xa7: {  	s28 =	simm.s32 $_size_execute0_lowered;
	s3 =	sadd.s32 s3, s5;
	[dreg:$0x0] =	wrdreg $0x0  }
0xa8: {  	s5 =	sshll.u32 s28, $0x1;
	[dreg:$0x2] =	wrdreg s3  }
0xa9: {  	[dreg:$0x3] =	wrdreg s5  }
0xaa: {  	[dreg:$0x4] =	wrdreg $0xC0  }
0xab: {  	_ =	task [dreg:s7], $0x5FFFF  }
0xac: {  	[dreg:$0x1] =	wrdreg $0xFFFFFFFF  }
0xad: {  	[dreg:$0x0] =	wrdreg $0x60  }
0xae: {  	[dreg:$0x2] =	wrdreg s24  }
0xaf: {  	[dreg:$0x3] =	wrdreg s2  }
0xb0: {  	[dreg:$0x4] =	wrdreg $0x97000  }
0xb1: {  	[dreg:$0x5] =	wrdreg $0x9  }
0xb2: {  	_ =	task.clear_ibuf [dreg:s7], $0x6FFFF;
	_ =	strace $0x90000046  }
0xb3: {  	s29 =	simm.s32 $0x9;
	_ =	strace $0x80000048  }
0xb4: {  	_ =	swait.ge [sflag:s29], $0x1  }
0xb5: {  	[sflag:s29] =	ssyncadd.s32 $0xFFFFFFFF  }
0xb6: {  	_ =	strace $0x90000048  }
0xb7: {  	_ =	sfence  }
0xb8: {  	s30 =	sld [smem:$0x0];
	_ =	sdelay $0x2  }
0xb9: {  	s31 =	sshll.u32 s1, $0xD;
	s1 =	sshrl.u32 s1, $0x2  }
0xba: {  	s3 =	sand.u32 $0x4000, s31;
	s1 =	sadd.s32 s1, s30  }
0xbb: {  	s0 =	sor.u32 s3, s0;
	s1 =	sshll.u32 s1, $0x11  }
0xbc: {  	s0 =	sor.u32 s1, s0  }
0xbd: {  	s0 =	sadd.s32 $0x8F2B, s0  }
0xbe: {  	[sflag:s0] =	ssyncadd.remote.s32 $0x1  }
0xbf: {  	_ =	sfence.sel $0xFFFF  }
0xc0: {  	[dreg:$0x0] =	wrdreg $0xFFFFFFFF;
	(pc) =	sbr.abs _section_cstart, $3  }
0xc1: {  	[dreg:$0x1] =	wrdreg $0xFFFFFFFF  }
0xc2: {  	_ =	task.clear_ibuf [dreg:s7], $0x2FFFF;
	_ =	strace $0x9FFFFFFF  }
0xc3: {  	(tm) =	ssettm $0x7FFFFFFF  }
tec
execute0_lowered:
.L_overlay_start_1:
0x0: {  	(tag) =	ssettag $0x1  }
0x1: {  	s0 =	rddreg [dreg:$0x0]  }
0x2: {  	s6 =	rddreg [dreg:$0x1]  }
0x3: {  	s2 =	rddreg [dreg:$0x2];
	s1 =	stileid.u32;
	s3 =	simm.s32 $0x0  }
0x4: {  	s5 =	srdreg.scid;
	s18 =	simm.s32 $0x3;
	s20 =	simm.s32 $0x4280  }
0x5: {  	s21 =	simm.s32 $0x80;
	s28 =	simm.s32 $0x2;
	s4 =	smul.u32 $0x3200, s1  }
0x6: {  	s29 =	simm.s32 $0x3580;
	s30 =	simm.s32 $0x35C0;
	s22 =	smul.u32 $0x2BF2, s1  }
0x7: {  	[smem:$0x7FF] =	sst s3;
	s8 =	sand.u32 $0x1, s5;
	s23 =	smul.u32 $0x57E40, s1  }
0x8: {  	s11 =	smul.u32 $0x6C00, s1;
	s5 =	sadd.s32 $0x34000, s0;
	s26 =	sshll.u32 s1, $0x6  }
0x9: {  	_ =	strace $0x80000047;
	s9 =	smul.u32 $0x2D000, s8;
	s10 =	ssub.s32 $0x2, s8  }
0xa: {  	p0 =	seq.s32 s8, $0x1;
	s7 =	sshrl.u32 s4, $0x3;
	s4 =	sadd.s32 $0xC00, s0  }
0xb: {  	s24 =	sshrl.u32 s10, $0x1;
	s25 =	sshrl.u32 s11, $0x3;
	s14 =	sadd.s32 s7, s0  }
0xc: {  	s9 =	sadd.s32 s22, s9;
	s16 =	ssub.s32 s10, s24;
	s7 =	sshrl.u32 s23, $0x2  }
0xd: {  	s6 =	sadd.s32 s6, s25;
	s22 =	simm.s32 $0x4F00;
	s23 =	simm.s32 $0x1B00  }
0xe: {  	s24 =	simm.s32 $0x40;
	s25 =	simm.s32 $0x7300;
	s0 =	sadd.s32 s9, s0  }
.Ltmp0:
0xf: {  	s17 =	sadd.s32 s7, s2;
	s7 =	sor.u32 $0x1C03, s26;
	(pc) =	sbr.rel .LBB2_1-.Ltmp0, $4  }
0x10: {  	s31 =	sadd.s32 $0x360, s6;
	s9 =	sadd.s32 $0x6C0, s6;
	s10 =	sadd.s32 $0xA20, s6  }
0x11: {  	s11 =	sadd.s32 $0x2DC00, s14;
	s12 =	sadd.s32 $0x2DD90, s14;
	s13 =	sadd.s32 $0x2DF20, s14  }
0x12: {  	s14 =	sadd.s32 $0x2E0B0, s14;
	s16 =	smax.u32 s16, $0x1;
	s26 =	simm.s32 $0x1  }
0x13: {  	[dreg:$0x4] =	wrdreg s31;
	s15 =	sadd.s32 $0x36C00, s0;
	s17 =	sshrl.u32 s17, $0x3  }
.LBB2_11:
0x14: {  	s0 =	sadd.s32 $0x3600, s31;
	[sflag:s18] =	ssyncadd.s32 $0xFFFFB800  }
0x15: {  	[tilespmem:s22], [sflag:$0x3] =	stream.indirect.gather [hbm4b:s4+s21], $0x90, s0, s21, $0xb8;
	[tilespmem:$0x1F690] =	vst v63  }
0x16: {  	_ =	swait.ge [sflag:s18], $0x4800  }
0x17: {  	[sflag:s18] =	ssyncset.done $0x0  }
0x18: {  	s31 =	sadd.s32 $0x4280, s31;
	[sflag:s18] =	ssyncadd.s32 $0xFFFFB800  }
0x19: {  	[spmem:s2] =	stream.indirect.scatter.add.f32 [tilespmem:s22], [sflag:$0x3], $0x90, s31, s21, $0xb8;
	[tilespmem:$0x1F690] =	vst v63  }
0x1a: {  	_ =	swait.ge [sflag:s18], $0x4800  }
0x1b: {  	[sflag:s18] =	ssyncset.done $0x0  }
0x1c: {  	[sflag:s18] =	ssyncadd.s32 $0xFFFFB800  }
.LBB2_12:
0x1d: {  	s3 =	sadd.s32 $0x1, s3  }
0x1e: {  	p1 =	sne.s32 s3, s16  }
.Ltmp1:
0x1f: {  	[bflag:$0x0] =	sbarrier.arrive $0xFFFF;
	(pc) =	sbr.rel @!p1 .LBB2_13-.Ltmp1, $4  }
0x20: {  	[hbm:s15], [sflag:s7] =	dma.local [spmem:s17], $0x2BF2  }
0x21: {  	_ =	swait.ge [sflag:s18], $0x2BF2  }
0x22: {  	[sflag:s18] =	ssyncset.done $0x0  }
0x23: {  	[sflag:s18] =	ssyncadd.s32 $0xFFFFD40E  }
.LBB2_1:
0x24: {  	[spmem:s17], [sflag:s7] =	dma.local [hbm:s5], $0x2BF2  }
.Ltmp2:
0x25: {  	_ =	swait.ge [sflag:s18], $0x2BF2;
	(pc) =	sbr.rel @!p0 .LBB2_2-.Ltmp2, $4  }
0x26: {  	[sflag:s18] =	ssyncset.done $0x0  }
0x27: {  	[sflag:s18] =	ssyncadd.s32 $0xFFFFD40E  }
0x28: {  	[bflag:$0x0] =	sbarrier.arrive $0xFFFF  }
0x29: {  	s0 =	simm.s32 $0x0  }
0x2a: {  	s1 =	simm.s32 $0x3600  }
0x2b: {  	[tilespmem:s1], [sflag:$0x3] =	stream.linear.gather [hbm4b:s11+s0], $0xC80, $0x38;
	[tilespmem:$0x1F690] =	vst v63  }
0x2c: {  	_ =	swait.ge [sflag:s18], $0xC80  }
0x2d: {  	[sflag:s18] =	ssyncset.done $0x0  }
0x2e: {  	[sflag:s18] =	ssyncadd.s32 $0xFFFFF380  }
0x2f: {  	[tilespmem:s20], [sflag:$0x3] =	stream.linear.gather [hbm4b:s12+s0], $0xC80, $0x38;
	[tilespmem:$0x1F690] =	vst v63  }
0x30: {  	_ =	swait.ge [sflag:s18], $0xC80  }
0x31: {  	[sflag:s18] =	ssyncset.done $0x0  }
0x32: {  	s8 =	simm.s32 $0x3600;
	[sflag:s18] =	ssyncadd.s32 $0xFFFFF380  }
0x33: {  	[tilespmem:s22], [sflag:$0x3] =	stream.indirect.gather [hbm4b:s4+s21], $0x90, s8, s21, $0xb8;
	[tilespmem:$0x1F690] =	vst v63  }
0x34: {  	_ =	swait.ge [sflag:s18], $0x4800  }
0x35: {  	[sflag:s18] =	ssyncset.done $0x0  }
0x36: {  	s19 =	simm.s32 $0x4280;
	[sflag:s18] =	ssyncadd.s32 $0xFFFFB800  }
0x37: {  	[spmem:s2] =	stream.indirect.scatter.add.f32 [tilespmem:s22], [sflag:$0x3], $0x90, s19, s21, $0xb8;
	[tilespmem:$0x1F690] =	vst v63  }
0x38: {  	_ =	swait.ge [sflag:s18], $0x4800  }
0x39: {  	s31 =	simm.s32 $0x80;
	s0 =	simm.s32 $0x400;
	[sflag:s18] =	ssyncset.done $0x0  }
.LBB2_8:
0x3a: {  	s1 =	sadd.s32 $0x3600, s31  }
0x3b: {  	[sflag:s18] =	ssyncadd.s32 $0xFFFFB800;
	s8 =	smov.u32 s0;
	s19 =	sadd.s32 $0x200, s0  }
0x3c: {  	[tilespmem:s22], [sflag:$0x3] =	stream.indirect.gather [hbm4b:s4+s21], $0x90, s1, s21, $0xb8;
	[tilespmem:$0x1F690] =	vst v63  }
0x3d: {  	p1 =	sne.s32 s0, $0x3000;
	_ =	swait.ge [sflag:s18], $0x4800  }
.Ltmp3:
0x3e: {  	[sflag:s18] =	ssyncset.done $0x0;
	(pc) =	sbr.rel @p1 .LBB2_8-.Ltmp3, $4  }
0x3f: {  	s0 =	sadd.s32 $0x4280, s31;
	[sflag:s18] =	ssyncadd.s32 $0xFFFFB800  }
0x40: {  	[spmem:s2] =	stream.indirect.scatter.add.f32 [tilespmem:s22], [sflag:$0x3], $0x90, s0, s21, $0xb8;
	[tilespmem:$0x1F690] =	vst v63  }
0x41: {  	_ =	swait.ge [sflag:s18], $0x4800  }
0x42: {  	s31 =	sshra.s32 s8, $0x2;
	s0 =	smov.u32 s19;
	[sflag:s18] =	ssyncset.done $0x0  }
0x43: {  	s0 =	sadd.s32 $0x3600, s31;
	[sflag:s18] =	ssyncadd.s32 $0xFFFFB800  }
0x44: {  	[tilespmem:s22], [sflag:$0x3] =	stream.indirect.gather [hbm4b:s4+s21], $0x90, s0, s21, $0xb8;
	[tilespmem:$0x1F690] =	vst v63  }
0x45: {  	_ =	swait.ge [sflag:s18], $0x4800  }
0x46: {  	[sflag:s18] =	ssyncset.done $0x0  }
0x47: {  	s8 =	sadd.s32 $0x4280, s31;
	[sflag:s18] =	ssyncadd.s32 $0xFFFFB800  }
0x48: {  	[spmem:s2] =	stream.indirect.scatter.add.f32 [tilespmem:s22], [sflag:$0x3], $0x90, s8, s21, $0xb8;
	[tilespmem:$0x1F690] =	vst v63  }
0x49: {  	_ =	swait.ge [sflag:s18], $0x4800  }
0x4a: {  	[sflag:s18] =	ssyncset.done $0x0  }
0x4b: {  	s19 =	simm.s32 $0x0;
	s1 =	simm.s32 $0x3600;
	[sflag:s18] =	ssyncadd.s32 $0xFFFFB800  }
0x4c: {  	[tilespmem:s1], [sflag:$0x3] =	stream.linear.gather [hbm4b:s13+s19], $0xC80, $0x38;
	[tilespmem:$0x1F690] =	vst v63  }
0x4d: {  	_ =	swait.ge [sflag:s18], $0xC80  }
0x4e: {  	[sflag:s18] =	ssyncset.done $0x0  }
0x4f: {  	[sflag:s18] =	ssyncadd.s32 $0xFFFFF380  }
0x50: {  	[tilespmem:s20], [sflag:$0x3] =	stream.linear.gather [hbm4b:s14+s19], $0xC80, $0x38;
	[tilespmem:$0x1F690] =	vst v63  }
0x51: {  	_ =	swait.ge [sflag:s18], $0xC80  }
0x52: {  	[sflag:s18] =	ssyncset.done $0x0  }
0x53: {  	s8 =	simm.s32 $0x3600;
	[sflag:s18] =	ssyncadd.s32 $0xFFFFF380  }
0x54: {  	[tilespmem:s22], [sflag:$0x3] =	stream.indirect.gather [hbm4b:s4+s21], $0x90, s8, s21, $0xb8;
	[tilespmem:$0x1F690] =	vst v63  }
0x55: {  	_ =	swait.ge [sflag:s18], $0x4800  }
0x56: {  	[sflag:s18] =	ssyncset.done $0x0  }
0x57: {  	s19 =	simm.s32 $0x4280;
	[sflag:s18] =	ssyncadd.s32 $0xFFFFB800  }
0x58: {  	[spmem:s2] =	stream.indirect.scatter.add.f32 [tilespmem:s22], [sflag:$0x3], $0x90, s19, s21, $0xb8;
	[tilespmem:$0x1F690] =	vst v63  }
0x59: {  	_ =	swait.ge [sflag:s18], $0x4800  }
0x5a: {  	s31 =	simm.s32 $0x80;
	s0 =	simm.s32 $0x400;
	[sflag:s18] =	ssyncset.done $0x0  }
.LBB2_10:
0x5b: {  	s1 =	sadd.s32 $0x3600, s31  }
0x5c: {  	[sflag:s18] =	ssyncadd.s32 $0xFFFFB800;
	s8 =	smov.u32 s0;
	s19 =	sadd.s32 $0x200, s0  }
0x5d: {  	[tilespmem:s22], [sflag:$0x3] =	stream.indirect.gather [hbm4b:s4+s21], $0x90, s1, s21, $0xb8;
	[tilespmem:$0x1F690] =	vst v63  }
0x5e: {  	p1 =	sne.s32 s0, $0x3000;
	_ =	swait.ge [sflag:s18], $0x4800  }
.Ltmp4:
0x5f: {  	[sflag:s18] =	ssyncset.done $0x0;
	(pc) =	sbr.rel @p1 .LBB2_10-.Ltmp4, $4  }
0x60: {  	s0 =	sadd.s32 $0x4280, s31;
	[sflag:s18] =	ssyncadd.s32 $0xFFFFB800  }
0x61: {  	[spmem:s2] =	stream.indirect.scatter.add.f32 [tilespmem:s22], [sflag:$0x3], $0x90, s0, s21, $0xb8;
	[tilespmem:$0x1F690] =	vst v63  }
0x62: {  	_ =	swait.ge [sflag:s18], $0x4800  }
0x63: {  	s31 =	sshra.s32 s8, $0x2;
	s0 =	smov.u32 s19;
	[sflag:s18] =	ssyncset.done $0x0  }
.Ltmp5:
0x64: {  	_ = 	snop;
	(pc) =	sbr.rel .LBB2_11-.Ltmp5, $1  }
0x65: {  	_ =	sdelay $0x3  }
.LBB2_2:
0x66: {  	[tilespmem:s0], [sflag:$0x3] =	stream.linear.gather [hbm4b:s6+s0], $0x1B00, $0x38;
	[tilespmem:$0x1F690] =	vst v63  }
0x67: {  	_ =	swait.ge [sflag:s18], $0x1B00  }
0x68: {  	[sflag:s18] =	ssyncset.done $0x0  }
0x69: {  	s1 =	rddreg [dreg:$0x4];
	[sflag:s18] =	ssyncadd.s32 $0xFFFFE500  }
0x6a: {  	[tilespmem:s23], [sflag:$0x3] =	stream.linear.gather [hbm4b:s1+s0], $0x1B00, $0x38;
	[tilespmem:$0x1F690] =	vst v63  }
0x6b: {  	_ =	swait.ge [sflag:s18], $0x1B00  }
0x6c: {  	[sflag:s18] =	ssyncset.done $0x0  }
0x6d: {  	[sflag:s18] =	ssyncadd.s32 $0xFFFFE500  }
0x6e: {  	[tilespmem:s22], [sflag:$0x1] =	stream.indirect.gather [hbm4b:s4+s24], $0x90, s0, s24, $0xb8;
	[tilespmem:$0x1F690] =	vst v63  }
0x6f: {  	_ = 	snop  }
0x70: {  	[tilespmem:s25], [sflag:$0x2] =	stream.indirect.gather [hbm4b:s4+s24], $0x90, s24, s24, $0xb8;
	[tilespmem:$0x1F690] =	vst v63  }
0x71: {  	_ =	swait.ge [sflag:s26], $0x2400  }
0x72: {  	[sflag:s26] =	ssyncset.done $0x0  }
0x73: {  	s1 =	simm.s32 $0x1B00;
	[sflag:s26] =	ssyncadd.s32 $0xFFFFDC00  }
0x74: {  	[spmem:s2] =	stream.indirect.scatter.add.f32 [tilespmem:s22], [sflag:$0x3], $0x90, s1, s24, $0xb8;
	[tilespmem:$0x1F690] =	vst v63  }
0x75: {  	_ =	swait.ge [sflag:s18], $0x2400  }
0x76: {  	[sflag:s18] =	ssyncset.done $0x0  }
0x77: {  	s8 =	simm.s32 $0x80;
	[sflag:s18] =	ssyncadd.s32 $0xFFFFDC00  }
0x78: {  	[tilespmem:s22], [sflag:$0x1] =	stream.indirect.gather [hbm4b:s4+s24], $0x90, s8, s24, $0xb8;
	[tilespmem:$0x1F690] =	vst v63  }
0x79: {  	_ =	swait.ge [sflag:s28], $0x2400  }
0x7a: {  	[sflag:s28] =	ssyncset.done $0x0  }
0x7b: {  	s19 =	simm.s32 $0x1B40;
	[sflag:s28] =	ssyncadd.s32 $0xFFFFDC00  }
0x7c: {  	[spmem:s2] =	stream.indirect.scatter.add.f32 [tilespmem:s25], [sflag:$0x3], $0x90, s19, s24, $0xb8;
	[tilespmem:$0x1F690] =	vst v63  }
0x7d: {  	_ =	swait.ge [sflag:s18], $0x2400  }
0x7e: {  	[sflag:s18] =	ssyncset.done $0x0  }
0x7f: {  	s31 =	simm.s32 $0x200;
	s0 =	simm.s32 $0xC0;
	[sflag:s18] =	ssyncadd.s32 $0xFFFFDC00  }
.LBB2_3:
0x80: {  	[tilespmem:s25], [sflag:$0x2] =	stream.indirect.gather [hbm4b:s4+s24], $0x90, s0, s24, $0xb8;
	[tilespmem:$0x1F690] =	vst v63  }
0x81: {  	s0 =	smov.u32 s31  }
0x82: {  	p1 =	sne.s32 s31, $0x6800;
	s31 =	sadd.s32 $0x200, s31;
	_ =	swait.ge [sflag:s26], $0x2400  }
0x83: {  	s0 =	sshra.s32 s0, $0x2;
	[sflag:s26] =	ssyncset.done $0x0  }
0x84: {  	s1 =	sadd.s32 $0x1B00, s0;
	[sflag:s26] =	ssyncadd.s32 $0xFFFFDC00  }
0x85: {  	[spmem:s2] =	stream.indirect.scatter.add.f32 [tilespmem:s22], [sflag:$0x3], $0x90, s1, s24, $0xb8;
	[tilespmem:$0x1F690] =	vst v63  }
0x86: {  	_ =	swait.ge [sflag:s18], $0x2400  }
0x87: {  	[sflag:s18] =	ssyncset.done $0x0  }
0x88: {  	s1 =	sadd.s32 $0x80, s0;
	[sflag:s18] =	ssyncadd.s32 $0xFFFFDC00  }
0x89: {  	[tilespmem:s22], [sflag:$0x1] =	stream.indirect.gather [hbm4b:s4+s24], $0x90, s1, s24, $0xb8;
	[tilespmem:$0x1F690] =	vst v63  }
0x8a: {  	_ =	swait.ge [sflag:s28], $0x2400  }
0x8b: {  	[sflag:s28] =	ssyncset.done $0x0  }
.Ltmp6:
0x8c: {  	s1 =	sadd.s32 $0x1B40, s0;
	[sflag:s28] =	ssyncadd.s32 $0xFFFFDC00;
	(pc) =	sbr.rel @p1 .LBB2_3-.Ltmp6, $4  }
0x8d: {  	[spmem:s2] =	stream.indirect.scatter.add.f32 [tilespmem:s25], [sflag:$0x3], $0x90, s1, s24, $0xb8;
	[tilespmem:$0x1F690] =	vst v63  }
0x8e: {  	_ =	swait.ge [sflag:s18], $0x2400  }
0x8f: {  	[sflag:s18] =	ssyncset.done $0x0  }
0x90: {  	s0 =	sadd.s32 $0xC0, s0;
	[sflag:s18] =	ssyncadd.s32 $0xFFFFDC00  }
0x91: {  	[tilespmem:s25], [sflag:$0x2] =	stream.indirect.gather [hbm4b:s4+s24], $0x90, s0, s24, $0xb8;
	[tilespmem:$0x1F690] =	vst v63  }
0x92: {  	_ =	swait.ge [sflag:s26], $0x2400  }
0x93: {  	[sflag:s26] =	ssyncset.done $0x0  }
0x94: {  	[sflag:s26] =	ssyncadd.s32 $0xFFFFDC00  }
0x95: {  	[spmem:s2] =	stream.indirect.scatter.add.f32 [tilespmem:s22], [sflag:$0x3], $0x90, s29, s24, $0xb8;
	[tilespmem:$0x1F690] =	vst v63  }
0x96: {  	_ =	swait.ge [sflag:s18], $0x2400  }
0x97: {  	[sflag:s18] =	ssyncset.done $0x0  }
0x98: {  	[sflag:s18] =	ssyncadd.s32 $0xFFFFDC00  }
0x99: {  	_ =	swait.ge [sflag:s28], $0x2400  }
0x9a: {  	[sflag:s28] =	ssyncset.done $0x0  }
0x9b: {  	[sflag:s28] =	ssyncadd.s32 $0xFFFFDC00  }
0x9c: {  	[spmem:s2] =	stream.indirect.scatter.add.f32 [tilespmem:s25], [sflag:$0x3], $0x90, s30, s24, $0xb8;
	[tilespmem:$0x1F690] =	vst v63  }
0x9d: {  	_ =	swait.ge [sflag:s18], $0x2400  }
0x9e: {  	[sflag:s18] =	ssyncset.done $0x0  }
0x9f: {  	s19 =	simm.s32 $0x0;
	[sflag:s18] =	ssyncadd.s32 $0xFFFFDC00  }
0xa0: {  	[tilespmem:s19], [sflag:$0x3] =	stream.linear.gather [hbm4b:s9+s19], $0x1B00, $0x38;
	[tilespmem:$0x1F690] =	vst v63  }
0xa1: {  	_ =	swait.ge [sflag:s18], $0x1B00  }
0xa2: {  	[sflag:s18] =	ssyncset.done $0x0  }
0xa3: {  	[sflag:s18] =	ssyncadd.s32 $0xFFFFE500  }
0xa4: {  	[tilespmem:s23], [sflag:$0x3] =	stream.linear.gather [hbm4b:s10+s19], $0x1B00, $0x38;
	[tilespmem:$0x1F690] =	vst v63  }
0xa5: {  	_ =	swait.ge [sflag:s18], $0x1B00  }
0xa6: {  	[sflag:s18] =	ssyncset.done $0x0  }
0xa7: {  	[sflag:s18] =	ssyncadd.s32 $0xFFFFE500  }
0xa8: {  	[tilespmem:s22], [sflag:$0x1] =	stream.indirect.gather [hbm4b:s4+s24], $0x90, s19, s24, $0xb8;
	[tilespmem:$0x1F690] =	vst v63  }
0xa9: {  	_ = 	snop  }
0xaa: {  	[tilespmem:s25], [sflag:$0x2] =	stream.indirect.gather [hbm4b:s4+s24], $0x90, s24, s24, $0xb8;
	[tilespmem:$0x1F690] =	vst v63  }
0xab: {  	_ =	swait.ge [sflag:s26], $0x2400  }
0xac: {  	[sflag:s26] =	ssyncset.done $0x0  }
0xad: {  	s1 =	simm.s32 $0x1B00;
	[sflag:s26] =	ssyncadd.s32 $0xFFFFDC00  }
0xae: {  	[spmem:s2] =	stream.indirect.scatter.add.f32 [tilespmem:s22], [sflag:$0x3], $0x90, s1, s24, $0xb8;
	[tilespmem:$0x1F690] =	vst v63  }
0xaf: {  	_ =	swait.ge [sflag:s18], $0x2400  }
0xb0: {  	[sflag:s18] =	ssyncset.done $0x0  }
0xb1: {  	s8 =	simm.s32 $0x80;
	[sflag:s18] =	ssyncadd.s32 $0xFFFFDC00  }
0xb2: {  	[tilespmem:s22], [sflag:$0x1] =	stream.indirect.gather [hbm4b:s4+s24], $0x90, s8, s24, $0xb8;
	[tilespmem:$0x1F690] =	vst v63  }
0xb3: {  	_ =	swait.ge [sflag:s28], $0x2400  }
0xb4: {  	[sflag:s28] =	ssyncset.done $0x0  }
0xb5: {  	s19 =	simm.s32 $0x1B40;
	[sflag:s28] =	ssyncadd.s32 $0xFFFFDC00  }
0xb6: {  	[spmem:s2] =	stream.indirect.scatter.add.f32 [tilespmem:s25], [sflag:$0x3], $0x90, s19, s24, $0xb8;
	[tilespmem:$0x1F690] =	vst v63  }
0xb7: {  	_ =	swait.ge [sflag:s18], $0x2400  }
0xb8: {  	[sflag:s18] =	ssyncset.done $0x0  }
0xb9: {  	s31 =	simm.s32 $0x200;
	s0 =	simm.s32 $0xC0;
	[sflag:s18] =	ssyncadd.s32 $0xFFFFDC00  }
.LBB2_5:
0xba: {  	[tilespmem:s25], [sflag:$0x2] =	stream.indirect.gather [hbm4b:s4+s24], $0x90, s0, s24, $0xb8;
	[tilespmem:$0x1F690] =	vst v63  }
0xbb: {  	s0 =	smov.u32 s31  }
0xbc: {  	p1 =	sne.s32 s31, $0x6800;
	s31 =	sadd.s32 $0x200, s31;
	_ =	swait.ge [sflag:s26], $0x2400  }
0xbd: {  	s0 =	sshra.s32 s0, $0x2;
	[sflag:s26] =	ssyncset.done $0x0  }
0xbe: {  	s1 =	sadd.s32 $0x1B00, s0;
	[sflag:s26] =	ssyncadd.s32 $0xFFFFDC00  }
0xbf: {  	[spmem:s2] =	stream.indirect.scatter.add.f32 [tilespmem:s22], [sflag:$0x3], $0x90, s1, s24, $0xb8;
	[tilespmem:$0x1F690] =	vst v63  }
0xc0: {  	_ =	swait.ge [sflag:s18], $0x2400  }
0xc1: {  	[sflag:s18] =	ssyncset.done $0x0  }
0xc2: {  	s1 =	sadd.s32 $0x80, s0;
	[sflag:s18] =	ssyncadd.s32 $0xFFFFDC00  }
0xc3: {  	[tilespmem:s22], [sflag:$0x1] =	stream.indirect.gather [hbm4b:s4+s24], $0x90, s1, s24, $0xb8;
	[tilespmem:$0x1F690] =	vst v63  }
0xc4: {  	_ =	swait.ge [sflag:s28], $0x2400  }
0xc5: {  	[sflag:s28] =	ssyncset.done $0x0  }
.Ltmp7:
0xc6: {  	s1 =	sadd.s32 $0x1B40, s0;
	[sflag:s28] =	ssyncadd.s32 $0xFFFFDC00;
	(pc) =	sbr.rel @p1 .LBB2_5-.Ltmp7, $4  }
0xc7: {  	[spmem:s2] =	stream.indirect.scatter.add.f32 [tilespmem:s25], [sflag:$0x3], $0x90, s1, s24, $0xb8;
	[tilespmem:$0x1F690] =	vst v63  }
0xc8: {  	_ =	swait.ge [sflag:s18], $0x2400  }
0xc9: {  	[sflag:s18] =	ssyncset.done $0x0  }
0xca: {  	s0 =	sadd.s32 $0xC0, s0;
	[sflag:s18] =	ssyncadd.s32 $0xFFFFDC00  }
0xcb: {  	[tilespmem:s25], [sflag:$0x2] =	stream.indirect.gather [hbm4b:s4+s24], $0x90, s0, s24, $0xb8;
	[tilespmem:$0x1F690] =	vst v63  }
0xcc: {  	_ =	swait.ge [sflag:s26], $0x2400  }
0xcd: {  	[sflag:s26] =	ssyncset.done $0x0  }
0xce: {  	[sflag:s26] =	ssyncadd.s32 $0xFFFFDC00  }
0xcf: {  	[spmem:s2] =	stream.indirect.scatter.add.f32 [tilespmem:s22], [sflag:$0x3], $0x90, s29, s24, $0xb8;
	[tilespmem:$0x1F690] =	vst v63  }
0xd0: {  	_ =	swait.ge [sflag:s18], $0x2400  }
0xd1: {  	[sflag:s18] =	ssyncset.done $0x0  }
0xd2: {  	[sflag:s18] =	ssyncadd.s32 $0xFFFFDC00  }
0xd3: {  	_ =	swait.ge [sflag:s28], $0x2400  }
0xd4: {  	[sflag:s28] =	ssyncset.done $0x0  }
.Ltmp8:
0xd5: {  	[sflag:s28] =	ssyncadd.s32 $0xFFFFDC00;
	(pc) =	sbr.rel .LBB2_12-.Ltmp8, $4  }
0xd6: {  	[spmem:s2] =	stream.indirect.scatter.add.f32 [tilespmem:s25], [sflag:$0x3], $0x90, s30, s24, $0xb8;
	[tilespmem:$0x1F690] =	vst v63  }
0xd7: {  	_ =	swait.ge [sflag:s18], $0x2400  }
0xd8: {  	[sflag:s18] =	ssyncset.done $0x0  }
0xd9: {  	[sflag:s18] =	ssyncadd.s32 $0xFFFFDC00  }
.LBB2_13:
0xda: {  	_ =	sfence.sel $0x180000  }
0xdb: {  	[bflag:$0x0] =	sbarrier.arrive $0xFFFF  }
0xdc: {  	_ =	strace $0x90000047  }
0xdd: {  	s0 =	stileid.u32;
	[bflag:$0x2] =	sbarrier.arrive $0xFFFF  }
0xde: {  	p0 =	sne.s32 s0, $0x0;
	s0 =	rddreg [dreg:$0x3]  }
0xdf: {  	s0 =	sadd.s32 @!p0 $0x100000, s0  }
0xe0: {  	[sflag:s0] =	ssyncadd.tile.s32 @!p0 $0x1;
	_ =	shalt  }
.Lfunc_end2:
_tile_overlayer_lowered:
.L_overlay_start_2:
0xe1: {  	(tag) =	ssettag $0x2  }
0xe2: {  	s0 =	rddreg [dreg:$0x0];
	s2 =	stileid.u32  }
0xe3: {  	s1 =	rddreg [dreg:$0x1];
	p0 =	sne.s32 s2, $0x0  }
0xe4: {  	s3 =	rddreg [dreg:$0x2];
	[bflag:$0x3] =	sbarrier.arrive $0xFFFF;
	s2 =	simm.s32 @!p0 $0x1C03  }
0xe5: {  	[timem:s3], [sflag:s2] =	dma.local @!p0 [hbm:s0], s1  }
0xe6: {  	s0 =	simm.s32 @!p0 $0x3  }
0xe7: {  	_ =	swait.ge @!p0 [sflag:s0], s1  }
0xe8: {  	s1 =	ssub.s32 @!p0 $0x0, s1;
	[sflag:s0] =	ssyncset.done @!p0 $0x0  }
0xe9: {  	[sflag:s0] =	ssyncadd.s32 @!p0 s1  }
0xea: {  	[bflag:$0x3] =	sbarrier.arrive $0xFFFF  }
0xeb: {  	_ =	shalt  }

// kernel: kernel.9.cloned.1.call-start
scs
__scs_entry_jumppad:
0x0: {  	(pc) =	sbr.rel $0x88, $3  }
0x1: {  	(tag) =	ssettag $0x0;
	lr =	simm.s32 $0x1  }
0x2: {  	[smem:$0x3F99] =	sst lr;
	_ =	strace $0xD0000000  }
0x3: {  	_ = 	snop  }
0x4: {  	_ = 	snop  }
0x5: {  	_ = 	snop  }
0x6: {  	_ = 	snop  }
0x7: {  	_ = 	snop  }
__scs_overlays_trampoline_lowered:
0x8: {  	[smem:$0x3FA8] =	sst s0  }
0x9: {  	[smem:$0x3FA9] =	sst s1  }
0xa: {  	[smem:$0x3FAA] =	sst s2  }
0xb: {  	[smem:$0x3FAB] =	sst s3  }
0xc: {  	[smem:$0x3FAC] =	sst s4  }
0xd: {  	[smem:$0x3FAD] =	sst s5  }
0xe: {  	[smem:$0x3FAE] =	sst s6  }
0xf: {  	[smem:$0x3FAF] =	sst s7  }
0x10: {  	[smem:$0x3FB0] =	sst s8  }
0x11: {  	[smem:$0x3FB1] =	sst s9;
	s0 =	simm.s32 @!p0 $0x0  }
0x12: {  	s1 =	sld [smem:$0x3F97];
	s0 =	simm.s32 @p0 $0x1  }
0x13: {  	[smem:$0x3FB2] =	sst s0;
	s0 =	simm.s32 @!p1 $0x0  }
0x14: {  	s2 =	sld [smem:$0x3F96];
	s0 =	simm.s32 @p1 $0x1  }
0x15: {  	[smem:$0x3FB3] =	sst s0;
	s0 =	simm.s32 @!p2 $0x0  }
0x16: {  	s3 =	sld [smem:$0x3FDB];
	s0 =	simm.s32 @p2 $0x1  }
0x17: {  	s4 =	simm.s32 $0x1BF5;
	[smem:$0x3FB5] =	sst s0  }
0x18: {  	s0 =	sld [smem:$0x3F98];
	_ =	swait.ge [sflag:s4], $0x0  }
0x19: {  	s7 =	sld [smem:$0x3F99]  }
0x1a: {  	s8 =	sadd.s32 $0xFFFFE003, lr  }
0x1b: {  	s9 =	sadd.s32 $0xFFFFFEF7, lr;
	s5 =	simm.s32 $0xFFFFFFFF;
	p2 =	slt.u32 s8, $0xFFFFF086  }
0x1c: {  	p1 =	slt.u32 s9, $0xF7A;
	s5 =	simm.s32 @!p2 $0x0  }
0x1d: {  	s5 =	simm.s32 @p1 $0x1;
	p0 =	seq.s32 s7, s2  }
0x1e: {  	s7 =	smul.u32 @!p0 $0xF7A, s2;
	p2 =	seq.s32 @!p0 s5, $0x0  }
0x1f: {  	s9 =	smul.u32 $0xF7A, s1;
	s8 =	simm.s32 @!p0 $0x1BF5;
	p2 =	por !p2, p0  }
0x20: {  	[sflag:s8] =	ssyncset.s32 @!p0 $0xFFFFF086;
	s6 =	sadd.s32 @!p0 s3, s7;
	s7 =	simm.s32 @!p0 $0x108  }
0x21: {  	s3 =	sadd.s32 s3, s9;
	s6 =	sadd.s32 @!p0 $0x88, s6;
	s7 =	simm.s32 @p2 $0x1082  }
0x22: {  	[simem:s7], [sflag:s8] =	dma.local @!p0 [hbm:s6], $0xF7A  }
0x23: {  	s9 =	sor.u32 $0xD0000000, s2;
	s6 =	simm.s32 $0x108;
	_ =	swait.ge @!p0 [sflag:s8], $0x0  }
0x24: {  	s3 =	sadd.s32 $0x88, s3;
	s6 =	simm.s32 @!p1 $0x1082;
	[sflag:s4] =	ssyncset.s32 $0xFFFFF086  }
0x25: {  	[simem:s6], [sflag:s4] =	dma.local [hbm:s3], $0xF7A  }
0x26: {  	[smem:$0x3F99] =	sst s1;
	(tag) =	ssettag s2;
	_ =	strace s9  }
0x27: {  	s1 =	sld [smem:$0x3FA9]  }
0x28: {  	s2 =	sld [smem:$0x3FAA]  }
0x29: {  	s4 =	sld [smem:$0x3FAC]  }
0x2a: {  	p0 =	seq.s32 s5, $0x0;
	s5 =	sld [smem:$0x3FAD]  }
0x2b: {  	s6 =	sld [smem:$0x3FAE]  }
0x2c: {  	s7 =	sld [smem:$0x3FAF]  }
0x2d: {  	s3 =	simm.s32 $0x108;
	s8 =	sld [smem:$0x3FB0]  }
0x2e: {  	s3 =	simm.s32 @!p0 $0x1082;
	s9 =	sld [smem:$0x3FB1]  }
0x2f: {  	lr =	sadd.s32 s0, s3;
	s0 =	sld [smem:$0x3FA8]  }
0x30: {  	s3 =	sld [smem:$0x3FAB]  }
0x31: {  	[smem:$0x3FB4] =	sst s10  }
0x32: {  	s10 =	sld [smem:$0x3FB2];
	_ =	sdelay $0x3  }
0x33: {  	p0 =	seq.s32 s10, $0x1;
	s10 =	sld [smem:$0x3FB4];
	_ =	sdelay $0x3  }
0x34: {  	[smem:$0x3FB4] =	sst s10  }
0x35: {  	s10 =	sld [smem:$0x3FB3];
	_ =	sdelay $0x3  }
0x36: {  	p1 =	seq.s32 s10, $0x1;
	s10 =	sld [smem:$0x3FB4];
	_ =	sdelay $0x3  }
0x37: {  	[smem:$0x3FB4] =	sst s10  }
0x38: {  	s10 =	sld [smem:$0x3FB5]  }
0x39: {  	_ = 	snop;
	(pc) =	sbr.ind lr, $3  }
0x3a: {  	_ = 	snop  }
0x3b: {  	_ = 	snop  }
0x3c: {  	p2 =	seq.s32 s10, $0x1;
	s10 =	sld [smem:$0x3FB4]  }
0x3d: {  	_ =	shalt  }
0x3e: {  	_ =	shalt  }
0x3f: {  	_ =	shalt  }
0x40: {  	_ =	shalt  }
0x41: {  	_ =	shalt  }
0x42: {  	_ =	shalt  }
0x43: {  	_ =	shalt  }
0x44: {  	_ =	shalt  }
0x45: {  	_ =	shalt  }
0x46: {  	_ =	shalt  }
0x47: {  	_ =	shalt  }
0x48: {  	_ =	shalt  }
0x49: {  	_ =	shalt  }
0x4a: {  	_ =	shalt  }
0x4b: {  	_ =	shalt  }
0x4c: {  	_ =	shalt  }
0x4d: {  	_ =	shalt  }
0x4e: {  	_ =	shalt  }
0x4f: {  	_ =	shalt  }
0x50: {  	_ =	shalt  }
0x51: {  	_ =	shalt  }
0x52: {  	_ =	shalt  }
0x53: {  	_ =	shalt  }
0x54: {  	_ =	shalt  }
0x55: {  	_ =	shalt  }
0x56: {  	_ =	shalt  }
0x57: {  	_ =	shalt  }
0x58: {  	_ =	shalt  }
0x59: {  	_ =	shalt  }
0x5a: {  	_ =	shalt  }
0x5b: {  	_ =	shalt  }
0x5c: {  	_ =	shalt  }
0x5d: {  	_ =	shalt  }
0x5e: {  	_ =	shalt  }
0x5f: {  	_ =	shalt  }
0x60: {  	_ =	shalt  }
0x61: {  	_ =	shalt  }
0x62: {  	_ =	shalt  }
0x63: {  	_ =	shalt  }
0x64: {  	_ =	shalt  }
0x65: {  	_ =	shalt  }
0x66: {  	_ =	shalt  }
0x67: {  	_ =	shalt  }
0x68: {  	_ =	shalt  }
0x69: {  	_ =	shalt  }
0x6a: {  	_ =	shalt  }
0x6b: {  	_ =	shalt  }
0x6c: {  	_ =	shalt  }
0x6d: {  	_ =	shalt  }
0x6e: {  	_ =	shalt  }
0x6f: {  	_ =	shalt  }
0x70: {  	_ =	shalt  }
0x71: {  	_ =	shalt  }
0x72: {  	_ =	shalt  }
0x73: {  	_ =	shalt  }
0x74: {  	_ =	shalt  }
0x75: {  	_ =	shalt  }
0x76: {  	_ =	shalt  }
0x77: {  	_ =	shalt  }
0x78: {  	_ =	shalt  }
0x79: {  	_ =	shalt  }
0x7a: {  	_ =	shalt  }
0x7b: {  	_ =	shalt  }
0x7c: {  	_ =	shalt  }
0x7d: {  	_ =	shalt  }
0x7e: {  	_ =	shalt  }
0x7f: {  	_ =	shalt  }
0x80: {  	_ =	shalt  }
0x81: {  	_ =	shalt  }
0x82: {  	_ =	shalt  }
0x83: {  	_ =	shalt  }
0x84: {  	_ =	shalt  }
0x85: {  	_ =	shalt  }
0x86: {  	_ =	shalt  }
0x87: {  	_ =	shalt  }
.Lfunc_end0:
.L_simem_size_0:
called_computation.1_lowered:
.L_overlay_start_0:
0x88: {  	s2 =	sld [smem:$0x3FD9]  }
0x89: {  	s3 =	sld [smem:$0x3FFE];
	_ =	sdelay $0x1  }
0x8a: {  	s1 =	srdreg.scid  }
0x8b: {  	s0 =	sand.u32 $0x1, s1  }
0x8c: {  	s17 =	sshll.u32 s0, $0xA;
	s2 =	sadd.s32 s3, s2  }
0x8d: {  	s2 =	sadd.s32 s2, s17  }
0x8e: {  	[smem:$0x3FC0] =	sst s2  }
0x8f: {  	_ = 	snop  }
0x90: {  	s2 =	sld [smem:$0x3FD0];
	(tm) =	ssettm $0x1  }
0x91: {  	s18 =	sld [smem:$0x3FFB];
	_ =	sdelay $0x3  }
0x92: {  	_ =	strace s18  }
0x93: {  	s3 =	sld [smem:$0x3FFC];
	_ =	sdelay $0x3  }
0x94: {  	_ =	strace s3  }
0x95: {  	s3 =	sld [smem:$0x3FFD];
	_ =	sdelay $0x3  }
0x96: {  	_ =	strace s3  }
0x97: {  	_ =	strace $0x8FFFFFFF  }
0x98: {  	s19 =	sld [smem:$0x3FDB];
	_ =	sdelay $0x1  }
0x99: {  	s4 =	simm.s32 $_scs_section_size  }
0x9a: {  	s5 =	simm.s32 $_size__tile_overlayer_lowered;
	s6 =	simm.s32 $_tile_overlayer_lowered  }
0x9b: {  	s22 =	simm.s32 $0x1BFF;
	s21 =	sshll.u32 s6, $0x1;
	s3 =	sadd.s32 s4, s19  }
0x9c: {  	s7 =	simm.s32 $0x0;
	s20 =	sshll.u32 s5, $0x1;
	s5 =	sadd.s32 s21, s3  }
0x9d: {  	[timem:s7], [sflag:s22] =	dma.local [hbm:s5], s20  }
0x9e: {  	_ =	swait.ge [sflag:s22], s20  }
0x9f: {  	s4 =	ssub.s32 $0x0, s20;
	[sflag:s22] =	ssyncset.done $0x0  }
0xa0: {  	[sflag:s22] =	ssyncadd.s32 s4;
	_ =	sdelay $0x1  }
0xa1: {  	s23 =	simm.s32 $0x1B8B  }
0xa2: {  	_ =	swait.ge [sflag:s23], $0x1  }
0xa3: {  	[sflag:s23] =	ssyncset.done $0x0  }
0xa4: {  	s25 =	simm.s32 $0x1B8E;
	s24 =	sld [smem:$0x3FFE];
	[sflag:s23] =	ssyncadd.s32 $0xFFFFFFFF  }
0xa5: {  	s26 =	simm.s32 $execute0_lowered;
	[smem:$0x3FD2] =	sst s25  }
0xa6: {  	s5 =	sshll.u32 s26, $0x1;
	_ =	strace $0x80000049;
	[dreg:$0x1] =	wrdreg $0xFFFFFFFF  }
0xa7: {  	s28 =	simm.s32 $_size_execute0_lowered;
	s3 =	sadd.s32 s3, s5;
	[dreg:$0x0] =	wrdreg $0x0  }
0xa8: {  	s5 =	sshll.u32 s28, $0x1;
	[dreg:$0x2] =	wrdreg s3  }
0xa9: {  	[dreg:$0x3] =	wrdreg s5  }
0xaa: {  	[dreg:$0x4] =	wrdreg $0xC0  }
0xab: {  	_ =	task [dreg:s7], $0x5FFFF  }
0xac: {  	[dreg:$0x1] =	wrdreg $0xFFFFFFFF  }
0xad: {  	[dreg:$0x0] =	wrdreg $0x60  }
0xae: {  	[dreg:$0x2] =	wrdreg s24  }
0xaf: {  	[dreg:$0x3] =	wrdreg s2  }
0xb0: {  	[dreg:$0x4] =	wrdreg $0xAF000  }
0xb1: {  	[dreg:$0x5] =	wrdreg $0x9  }
0xb2: {  	_ =	task.clear_ibuf [dreg:s7], $0x6FFFF;
	_ =	strace $0x90000049  }
0xb3: {  	s29 =	simm.s32 $0x9;
	_ =	strace $0x8000004B  }
0xb4: {  	_ =	swait.ge [sflag:s29], $0x1  }
0xb5: {  	[sflag:s29] =	ssyncadd.s32 $0xFFFFFFFF  }
0xb6: {  	_ =	strace $0x9000004B  }
0xb7: {  	_ =	sfence  }
0xb8: {  	s30 =	sld [smem:$0x0];
	_ =	sdelay $0x2  }
0xb9: {  	s31 =	sshll.u32 s1, $0xD;
	s1 =	sshrl.u32 s1, $0x2  }
0xba: {  	s3 =	sand.u32 $0x4000, s31;
	s1 =	sadd.s32 s1, s30  }
0xbb: {  	s0 =	sor.u32 s3, s0;
	s1 =	sshll.u32 s1, $0x11  }
0xbc: {  	s0 =	sor.u32 s1, s0  }
0xbd: {  	s0 =	sadd.s32 $0x8F2B, s0  }
0xbe: {  	[sflag:s0] =	ssyncadd.remote.s32 $0x1  }
0xbf: {  	_ =	sfence.sel $0xFFFF  }
0xc0: {  	[dreg:$0x0] =	wrdreg $0xFFFFFFFF;
	(pc) =	sbr.abs _section_cstart, $3  }
0xc1: {  	[dreg:$0x1] =	wrdreg $0xFFFFFFFF  }
0xc2: {  	_ =	task.clear_ibuf [dreg:s7], $0x2FFFF;
	_ =	strace $0x9FFFFFFF  }
0xc3: {  	(tm) =	ssettm $0x7FFFFFFF  }
tec
execute0_lowered:
.L_overlay_start_1:
0x0: {  	(tag) =	ssettag $0x1  }
0x1: {  	s0 =	rddreg [dreg:$0x0]  }
0x2: {  	s1 =	rddreg [dreg:$0x1]  }
0x3: {  	s2 =	rddreg [dreg:$0x2]  }
0x4: {  	s11 =	stileid.u32;
	s3 =	simm.s32 $0x0;
	s5 =	srdreg.scid  }
0x5: {  	s18 =	simm.s32 $0x4;
	s28 =	simm.s32 $0x1;
	s4 =	smul.u32 $0x3200, s11  }
0x6: {  	s29 =	simm.s32 $0x2;
	s30 =	simm.s32 $0x3;
	s20 =	smul.u32 $0x2710, s11  }
0x7: {  	s31 =	simm.s32 $0x3540;
	[smem:$0x7FF] =	sst s3;
	s21 =	smul.u32 $0x4E200, s11  }
0x8: {  	s8 =	sand.u32 $0x1, s5;
	s10 =	smul.u32 $0x6C00, s11;
	s5 =	sadd.s32 $0x28C00, s0  }
0x9: {  	s24 =	sshll.u32 s11, $0x6;
	_ =	strace $0x8000004A;
	s7 =	smul.u32 $0x28000, s8  }
0xa: {  	s9 =	ssub.s32 $0x2, s8;
	p0 =	seq.s32 s8, $0x1;
	s6 =	sshrl.u32 s4, $0x3  }
0xb: {  	s4 =	sadd.s32 $0xC00, s0;
	s22 =	sshrl.u32 s9, $0x1;
	s23 =	sshrl.u32 s10, $0x3  }
0xc: {  	s14 =	sadd.s32 s6, s0;
	s7 =	sadd.s32 s20, s7;
	s16 =	ssub.s32 s9, s22  }
0xd: {  	s6 =	sshrl.u32 s21, $0x2;
	s21 =	simm.s32 $0x80;
	s22 =	simm.s32 $0x4F00  }
0xe: {  	s0 =	sadd.s32 s7, s0;
	s17 =	sadd.s32 s6, s2;
	s6 =	sadd.s32 s1, s23  }
0xf: {  	s7 =	sor.u32 $0x1C04, s24;
	s11 =	sadd.s32 $0x2DC00, s14;
	s12 =	sadd.s32 $0x2DD90, s14  }
0x10: {  	s13 =	sadd.s32 $0x2DF20, s14;
	s14 =	sadd.s32 $0x2E0B0, s14;
	s16 =	smax.u32 s16, $0x1  }
.Ltmp0:
0x11: {  	s23 =	simm.s32 $0x1B00;
	s1 =	sadd.s32 $0x360, s6;
	(pc) =	sbr.rel .LBB2_1-.Ltmp0, $4  }
0x12: {  	s24 =	simm.s32 $0x40;
	s25 =	sadd.s32 $0x6C0, s6;
	[dreg:$0x4] =	wrdreg s1  }
0x13: {  	s26 =	sadd.s32 $0xA20, s6;
	s15 =	sadd.s32 $0x34000, s0;
	[dreg:$0x5] =	wrdreg s25  }
0x14: {  	s17 =	sshrl.u32 s17, $0x3;
	s0 =	simm.s32 $0x3580;
	[dreg:$0x6] =	wrdreg s26  }
0x15: {  	s25 =	simm.s32 $0x6F00;
	s26 =	simm.s32 $0x8F00;
	s1 =	simm.s32 $0x35C0  }
.LBB2_11:
0x16: {  	s8 =	sadd.s32 $0x3600, s19;
	[sflag:s18] =	ssyncadd.s32 $0xFFFFC000  }
0x17: {  	[tilespmem:s22], [sflag:$0x4] =	stream.indirect.gather [hbm4b:s4+s21], $0x80, s8, s21, $0xb8;
	[tilespmem:$0x1E780] =	vst v63  }
0x18: {  	_ =	swait.ge [sflag:s18], $0x4000  }
0x19: {  	[sflag:s18] =	ssyncset.done $0x0  }
0x1a: {  	s20 =	sadd.s32 $0x4280, s19;
	[sflag:s18] =	ssyncadd.s32 $0xFFFFC000  }
0x1b: {  	[spmem:s2] =	stream.indirect.scatter.add.f32 [tilespmem:s22], [sflag:$0x4], $0x80, s20, s21, $0xb8;
	[tilespmem:$0x1E780] =	vst v63  }
0x1c: {  	_ =	swait.ge [sflag:s18], $0x4000  }
0x1d: {  	[sflag:s18] =	ssyncset.done $0x0  }
0x1e: {  	[sflag:s18] =	ssyncadd.s32 $0xFFFFC000  }
.LBB2_12:
0x1f: {  	s3 =	sadd.s32 $0x1, s3  }
0x20: {  	p1 =	sne.s32 s3, s16  }
.Ltmp1:
0x21: {  	[bflag:$0x0] =	sbarrier.arrive $0xFFFF;
	(pc) =	sbr.rel @!p1 .LBB2_13-.Ltmp1, $4  }
0x22: {  	[hbm:s15], [sflag:s7] =	dma.local [spmem:s17], $0x2710  }
0x23: {  	_ =	swait.ge [sflag:s18], $0x2710  }
0x24: {  	[sflag:s18] =	ssyncset.done $0x0  }
0x25: {  	[sflag:s18] =	ssyncadd.s32 $0xFFFFD8F0  }
.LBB2_1:
0x26: {  	[spmem:s17], [sflag:s7] =	dma.local [hbm:s5], $0x2710  }
.Ltmp2:
0x27: {  	_ =	swait.ge [sflag:s18], $0x2710;
	(pc) =	sbr.rel @!p0 .LBB2_2-.Ltmp2, $3  }
0x28: {  	[sflag:s18] =	ssyncset.done $0x0  }
0x29: {  	[sflag:s18] =	ssyncadd.s32 $0xFFFFD8F0  }
0x2a: {  	[bflag:$0x0] =	sbarrier.arrive $0xFFFF;
	_ =	sdelay $0x1  }
0x2b: {  	s8 =	simm.s32 $0x0;
	s9 =	simm.s32 $0x3600  }
0x2c: {  	[tilespmem:s9], [sflag:$0x4] =	stream.linear.gather [hbm4b:s11+s8], $0xC80, $0x38;
	[tilespmem:$0x1E780] =	vst v63  }
0x2d: {  	_ =	swait.ge [sflag:s18], $0xC80  }
0x2e: {  	[sflag:s18] =	ssyncset.done $0x0  }
0x2f: {  	s10 =	simm.s32 $0x4280;
	[sflag:s18] =	ssyncadd.s32 $0xFFFFF380  }
0x30: {  	[tilespmem:s10], [sflag:$0x4] =	stream.linear.gather [hbm4b:s12+s8], $0xC80, $0x38;
	[tilespmem:$0x1E780] =	vst v63  }
0x31: {  	_ =	swait.ge [sflag:s18], $0xC80  }
0x32: {  	[sflag:s18] =	ssyncset.done $0x0  }
0x33: {  	s19 =	simm.s32 $0x3600;
	[sflag:s18] =	ssyncadd.s32 $0xFFFFF380  }
0x34: {  	[tilespmem:s22], [sflag:$0x4] =	stream.indirect.gather [hbm4b:s4+s21], $0x80, s19, s21, $0xb8;
	[tilespmem:$0x1E780] =	vst v63  }
0x35: {  	_ =	swait.ge [sflag:s18], $0x4000  }
0x36: {  	[sflag:s18] =	ssyncset.done $0x0  }
0x37: {  	s20 =	simm.s32 $0x4280;
	[sflag:s18] =	ssyncadd.s32 $0xFFFFC000  }
0x38: {  	[spmem:s2] =	stream.indirect.scatter.add.f32 [tilespmem:s22], [sflag:$0x4], $0x80, s20, s21, $0xb8;
	[tilespmem:$0x1E780] =	vst v63  }
0x39: {  	_ =	swait.ge [sflag:s18], $0x4000  }
0x3a: {  	s19 =	simm.s32 $0x80;
	s20 =	simm.s32 $0x400;
	[sflag:s18] =	ssyncset.done $0x0  }
.LBB2_8:
0x3b: {  	s8 =	sadd.s32 $0x3600, s19  }
0x3c: {  	[sflag:s18] =	ssyncadd.s32 $0xFFFFC000;
	s9 =	smov.u32 s20;
	s10 =	sadd.s32 $0x200, s20  }
0x3d: {  	[tilespmem:s22], [sflag:$0x4] =	stream.indirect.gather [hbm4b:s4+s21], $0x80, s8, s21, $0xb8;
	[tilespmem:$0x1E780] =	vst v63  }
0x3e: {  	p1 =	sne.s32 s20, $0x3000;
	_ =	swait.ge [sflag:s18], $0x4000  }
.Ltmp3:
0x3f: {  	[sflag:s18] =	ssyncset.done $0x0;
	(pc) =	sbr.rel @p1 .LBB2_8-.Ltmp3, $4  }
0x40: {  	s8 =	sadd.s32 $0x4280, s19;
	[sflag:s18] =	ssyncadd.s32 $0xFFFFC000  }
0x41: {  	[spmem:s2] =	stream.indirect.scatter.add.f32 [tilespmem:s22], [sflag:$0x4], $0x80, s8, s21, $0xb8;
	[tilespmem:$0x1E780] =	vst v63  }
0x42: {  	_ =	swait.ge [sflag:s18], $0x4000  }
0x43: {  	s19 =	sshra.s32 s9, $0x2;
	s20 =	smov.u32 s10;
	[sflag:s18] =	ssyncset.done $0x0  }
0x44: {  	s8 =	sadd.s32 $0x3600, s19;
	[sflag:s18] =	ssyncadd.s32 $0xFFFFC000  }
0x45: {  	[tilespmem:s22], [sflag:$0x4] =	stream.indirect.gather [hbm4b:s4+s21], $0x80, s8, s21, $0xb8;
	[tilespmem:$0x1E780] =	vst v63  }
0x46: {  	_ =	swait.ge [sflag:s18], $0x4000  }
0x47: {  	[sflag:s18] =	ssyncset.done $0x0  }
0x48: {  	s19 =	sadd.s32 $0x4280, s19;
	[sflag:s18] =	ssyncadd.s32 $0xFFFFC000  }
0x49: {  	[spmem:s2] =	stream.indirect.scatter.add.f32 [tilespmem:s22], [sflag:$0x4], $0x80, s19, s21, $0xb8;
	[tilespmem:$0x1E780] =	vst v63  }
0x4a: {  	_ =	swait.ge [sflag:s18], $0x4000  }
0x4b: {  	[sflag:s18] =	ssyncset.done $0x0  }
0x4c: {  	s20 =	simm.s32 $0x0;
	s9 =	simm.s32 $0x3600;
	[sflag:s18] =	ssyncadd.s32 $0xFFFFC000  }
0x4d: {  	[tilespmem:s9], [sflag:$0x4] =	stream.linear.gather [hbm4b:s13+s20], $0xC80, $0x38;
	[tilespmem:$0x1E780] =	vst v63  }
0x4e: {  	_ =	swait.ge [sflag:s18], $0xC80  }
0x4f: {  	[sflag:s18] =	ssyncset.done $0x0  }
0x50: {  	s10 =	simm.s32 $0x4280;
	[sflag:s18] =	ssyncadd.s32 $0xFFFFF380  }
0x51: {  	[tilespmem:s10], [sflag:$0x4] =	stream.linear.gather [hbm4b:s14+s20], $0xC80, $0x38;
	[tilespmem:$0x1E780] =	vst v63  }
0x52: {  	_ =	swait.ge [sflag:s18], $0xC80  }
0x53: {  	[sflag:s18] =	ssyncset.done $0x0  }
0x54: {  	s19 =	simm.s32 $0x3600;
	[sflag:s18] =	ssyncadd.s32 $0xFFFFF380  }
0x55: {  	[tilespmem:s22], [sflag:$0x4] =	stream.indirect.gather [hbm4b:s4+s21], $0x80, s19, s21, $0xb8;
	[tilespmem:$0x1E780] =	vst v63  }
0x56: {  	_ =	swait.ge [sflag:s18], $0x4000  }
0x57: {  	[sflag:s18] =	ssyncset.done $0x0  }
0x58: {  	s20 =	simm.s32 $0x4280;
	[sflag:s18] =	ssyncadd.s32 $0xFFFFC000  }
0x59: {  	[spmem:s2] =	stream.indirect.scatter.add.f32 [tilespmem:s22], [sflag:$0x4], $0x80, s20, s21, $0xb8;
	[tilespmem:$0x1E780] =	vst v63  }
0x5a: {  	_ =	swait.ge [sflag:s18], $0x4000  }
0x5b: {  	s19 =	simm.s32 $0x80;
	s20 =	simm.s32 $0x400;
	[sflag:s18] =	ssyncset.done $0x0  }
.LBB2_10:
0x5c: {  	s8 =	sadd.s32 $0x3600, s19  }
0x5d: {  	[sflag:s18] =	ssyncadd.s32 $0xFFFFC000;
	s9 =	smov.u32 s20;
	s10 =	sadd.s32 $0x200, s20  }
0x5e: {  	[tilespmem:s22], [sflag:$0x4] =	stream.indirect.gather [hbm4b:s4+s21], $0x80, s8, s21, $0xb8;
	[tilespmem:$0x1E780] =	vst v63  }
0x5f: {  	p1 =	sne.s32 s20, $0x3000;
	_ =	swait.ge [sflag:s18], $0x4000  }
.Ltmp4:
0x60: {  	[sflag:s18] =	ssyncset.done $0x0;
	(pc) =	sbr.rel @p1 .LBB2_10-.Ltmp4, $4  }
0x61: {  	s8 =	sadd.s32 $0x4280, s19;
	[sflag:s18] =	ssyncadd.s32 $0xFFFFC000  }
0x62: {  	[spmem:s2] =	stream.indirect.scatter.add.f32 [tilespmem:s22], [sflag:$0x4], $0x80, s8, s21, $0xb8;
	[tilespmem:$0x1E780] =	vst v63  }
0x63: {  	_ =	swait.ge [sflag:s18], $0x4000  }
0x64: {  	s19 =	sshra.s32 s9, $0x2;
	s20 =	smov.u32 s10;
	[sflag:s18] =	ssyncset.done $0x0  }
.Ltmp5:
0x65: {  	_ = 	snop;
	(pc) =	sbr.rel .LBB2_11-.Ltmp5, $1  }
0x66: {  	_ =	sdelay $0x3  }
.LBB2_2:
0x67: {  	s19 =	simm.s32 $0x0  }
0x68: {  	[tilespmem:s19], [sflag:$0x4] =	stream.linear.gather [hbm4b:s6+s19], $0x1B00, $0x38;
	[tilespmem:$0x1E780] =	vst v63  }
0x69: {  	_ =	swait.ge [sflag:s18], $0x1B00  }
0x6a: {  	[sflag:s18] =	ssyncset.done $0x0  }
0x6b: {  	s8 =	rddreg [dreg:$0x4];
	[sflag:s18] =	ssyncadd.s32 $0xFFFFE500  }
0x6c: {  	[tilespmem:s23], [sflag:$0x4] =	stream.linear.gather [hbm4b:s8+s19], $0x1B00, $0x38;
	[tilespmem:$0x1E780] =	vst v63  }
0x6d: {  	_ =	swait.ge [sflag:s18], $0x1B00  }
0x6e: {  	[sflag:s18] =	ssyncset.done $0x0  }
0x6f: {  	[sflag:s18] =	ssyncadd.s32 $0xFFFFE500  }
0x70: {  	[tilespmem:s22], [sflag:$0x1] =	stream.indirect.gather [hbm4b:s4+s24], $0x80, s19, s24, $0xb8;
	[tilespmem:$0x1E780] =	vst v63  }
0x71: {  	_ = 	snop  }
0x72: {  	[tilespmem:s25], [sflag:$0x2] =	stream.indirect.gather [hbm4b:s4+s24], $0x80, s24, s24, $0xb8;
	[tilespmem:$0x1E780] =	vst v63  }
0x73: {  	_ = 	snop  }
0x74: {  	[tilespmem:s26], [sflag:$0x3] =	stream.indirect.gather [hbm4b:s4+s24], $0x80, s21, s24, $0xb8;
	[tilespmem:$0x1E780] =	vst v63  }
0x75: {  	_ =	swait.ge [sflag:s28], $0x2000  }
0x76: {  	[sflag:s28] =	ssyncset.done $0x0  }
0x77: {  	s20 =	simm.s32 $0x1B00;
	[sflag:s28] =	ssyncadd.s32 $0xFFFFE000  }
0x78: {  	[spmem:s2] =	stream.indirect.scatter.add.f32 [tilespmem:s22], [sflag:$0x4], $0x80, s20, s24, $0xb8;
	[tilespmem:$0x1E780] =	vst v63  }
0x79: {  	_ =	swait.ge [sflag:s18], $0x2000  }
0x7a: {  	[sflag:s18] =	ssyncset.done $0x0  }
0x7b: {  	s8 =	simm.s32 $0xC0;
	[sflag:s18] =	ssyncadd.s32 $0xFFFFE000  }
0x7c: {  	[tilespmem:s22], [sflag:$0x1] =	stream.indirect.gather [hbm4b:s4+s24], $0x80, s8, s24, $0xb8;
	[tilespmem:$0x1E780] =	vst v63  }
0x7d: {  	_ =	swait.ge [sflag:s29], $0x2000  }
0x7e: {  	[sflag:s29] =	ssyncset.done $0x0  }
0x7f: {  	s9 =	simm.s32 $0x1B40;
	[sflag:s29] =	ssyncadd.s32 $0xFFFFE000  }
0x80: {  	[spmem:s2] =	stream.indirect.scatter.add.f32 [tilespmem:s25], [sflag:$0x4], $0x80, s9, s24, $0xb8;
	[tilespmem:$0x1E780] =	vst v63  }
0x81: {  	_ =	swait.ge [sflag:s18], $0x2000  }
0x82: {  	[sflag:s18] =	ssyncset.done $0x0  }
0x83: {  	s10 =	simm.s32 $0x100;
	[sflag:s18] =	ssyncadd.s32 $0xFFFFE000  }
0x84: {  	[tilespmem:s25], [sflag:$0x2] =	stream.indirect.gather [hbm4b:s4+s24], $0x80, s10, s24, $0xb8;
	[tilespmem:$0x1E780] =	vst v63  }
0x85: {  	_ =	swait.ge [sflag:s30], $0x2000  }
0x86: {  	[sflag:s30] =	ssyncset.done $0x0  }
0x87: {  	s20 =	simm.s32 $0x1B80;
	[sflag:s30] =	ssyncadd.s32 $0xFFFFE000  }
0x88: {  	[spmem:s2] =	stream.indirect.scatter.add.f32 [tilespmem:s26], [sflag:$0x4], $0x80, s20, s24, $0xb8;
	[tilespmem:$0x1E780] =	vst v63  }
0x89: {  	_ =	swait.ge [sflag:s18], $0x2000  }
0x8a: {  	[sflag:s18] =	ssyncset.done $0x0  }
0x8b: {  	s19 =	simm.s32 $0x300;
	s20 =	simm.s32 $0x140;
	[sflag:s18] =	ssyncadd.s32 $0xFFFFE000  }
.LBB2_3:
0x8c: {  	[tilespmem:s26], [sflag:$0x3] =	stream.indirect.gather [hbm4b:s4+s24], $0x80, s20, s24, $0xb8;
	[tilespmem:$0x1E780] =	vst v63  }
0x8d: {  	s20 =	smov.u32 s19  }
0x8e: {  	p1 =	sne.s32 s19, $0x6600;
	s19 =	sadd.s32 $0x300, s19;
	_ =	swait.ge [sflag:s28], $0x2000  }
0x8f: {  	s20 =	sshra.s32 s20, $0x2;
	[sflag:s28] =	ssyncset.done $0x0  }
0x90: {  	s8 =	sadd.s32 $0x1B00, s20;
	[sflag:s28] =	ssyncadd.s32 $0xFFFFE000  }
0x91: {  	[spmem:s2] =	stream.indirect.scatter.add.f32 [tilespmem:s22], [sflag:$0x4], $0x80, s8, s24, $0xb8;
	[tilespmem:$0x1E780] =	vst v63  }
0x92: {  	_ =	swait.ge [sflag:s18], $0x2000  }
0x93: {  	[sflag:s18] =	ssyncset.done $0x0  }
0x94: {  	s8 =	sadd.s32 $0xC0, s20;
	[sflag:s18] =	ssyncadd.s32 $0xFFFFE000  }
0x95: {  	[tilespmem:s22], [sflag:$0x1] =	stream.indirect.gather [hbm4b:s4+s24], $0x80, s8, s24, $0xb8;
	[tilespmem:$0x1E780] =	vst v63  }
0x96: {  	_ =	swait.ge [sflag:s29], $0x2000  }
0x97: {  	[sflag:s29] =	ssyncset.done $0x0  }
0x98: {  	s8 =	sadd.s32 $0x1B40, s20;
	[sflag:s29] =	ssyncadd.s32 $0xFFFFE000  }
0x99: {  	[spmem:s2] =	stream.indirect.scatter.add.f32 [tilespmem:s25], [sflag:$0x4], $0x80, s8, s24, $0xb8;
	[tilespmem:$0x1E780] =	vst v63  }
0x9a: {  	_ =	swait.ge [sflag:s18], $0x2000  }
0x9b: {  	[sflag:s18] =	ssyncset.done $0x0  }
0x9c: {  	s8 =	sadd.s32 $0x100, s20;
	[sflag:s18] =	ssyncadd.s32 $0xFFFFE000  }
0x9d: {  	[tilespmem:s25], [sflag:$0x2] =	stream.indirect.gather [hbm4b:s4+s24], $0x80, s8, s24, $0xb8;
	[tilespmem:$0x1E780] =	vst v63  }
0x9e: {  	_ =	swait.ge [sflag:s30], $0x2000  }
0x9f: {  	[sflag:s30] =	ssyncset.done $0x0  }
.Ltmp6:
0xa0: {  	s8 =	sadd.s32 $0x1B80, s20;
	[sflag:s30] =	ssyncadd.s32 $0xFFFFE000;
	(pc) =	sbr.rel @p1 .LBB2_3-.Ltmp6, $4  }
0xa1: {  	[spmem:s2] =	stream.indirect.scatter.add.f32 [tilespmem:s26], [sflag:$0x4], $0x80, s8, s24, $0xb8;
	[tilespmem:$0x1E780] =	vst v63  }
0xa2: {  	_ =	swait.ge [sflag:s18], $0x2000  }
0xa3: {  	[sflag:s18] =	ssyncset.done $0x0  }
0xa4: {  	s20 =	sadd.s32 $0x140, s20;
	[sflag:s18] =	ssyncadd.s32 $0xFFFFE000  }
0xa5: {  	[tilespmem:s26], [sflag:$0x3] =	stream.indirect.gather [hbm4b:s4+s24], $0x80, s20, s24, $0xb8;
	[tilespmem:$0x1E780] =	vst v63  }
0xa6: {  	_ =	swait.ge [sflag:s28], $0x2000  }
0xa7: {  	[sflag:s28] =	ssyncset.done $0x0  }
0xa8: {  	[sflag:s28] =	ssyncadd.s32 $0xFFFFE000  }
0xa9: {  	[spmem:s2] =	stream.indirect.scatter.add.f32 [tilespmem:s22], [sflag:$0x4], $0x80, s31, s24, $0xb8;
	[tilespmem:$0x1E780] =	vst v63  }
0xaa: {  	_ =	swait.ge [sflag:s18], $0x2000  }
0xab: {  	[sflag:s18] =	ssyncset.done $0x0  }
0xac: {  	[sflag:s18] =	ssyncadd.s32 $0xFFFFE000  }
0xad: {  	_ =	swait.ge [sflag:s29], $0x2000  }
0xae: {  	[sflag:s29] =	ssyncset.done $0x0  }
0xaf: {  	[sflag:s29] =	ssyncadd.s32 $0xFFFFE000  }
0xb0: {  	[spmem:s2] =	stream.indirect.scatter.add.f32 [tilespmem:s25], [sflag:$0x4], $0x80, s0, s24, $0xb8;
	[tilespmem:$0x1E780] =	vst v63  }
0xb1: {  	_ =	swait.ge [sflag:s18], $0x2000  }
0xb2: {  	[sflag:s18] =	ssyncset.done $0x0  }
0xb3: {  	[sflag:s18] =	ssyncadd.s32 $0xFFFFE000  }
0xb4: {  	_ =	swait.ge [sflag:s30], $0x2000  }
0xb5: {  	[sflag:s30] =	ssyncset.done $0x0  }
0xb6: {  	[sflag:s30] =	ssyncadd.s32 $0xFFFFE000  }
0xb7: {  	[spmem:s2] =	stream.indirect.scatter.add.f32 [tilespmem:s26], [sflag:$0x4], $0x80, s1, s24, $0xb8;
	[tilespmem:$0x1E780] =	vst v63  }
0xb8: {  	_ =	swait.ge [sflag:s18], $0x2000  }
0xb9: {  	[sflag:s18] =	ssyncset.done $0x0  }
0xba: {  	s8 =	simm.s32 $0x0;
	s9 =	rddreg [dreg:$0x5];
	[sflag:s18] =	ssyncadd.s32 $0xFFFFE000  }
0xbb: {  	[tilespmem:s8], [sflag:$0x4] =	stream.linear.gather [hbm4b:s9+s8], $0x1B00, $0x38;
	[tilespmem:$0x1E780] =	vst v63  }
0xbc: {  	_ =	swait.ge [sflag:s18], $0x1B00  }
0xbd: {  	[sflag:s18] =	ssyncset.done $0x0  }
0xbe: {  	s19 =	rddreg [dreg:$0x6];
	[sflag:s18] =	ssyncadd.s32 $0xFFFFE500  }
0xbf: {  	[tilespmem:s23], [sflag:$0x4] =	stream.linear.gather [hbm4b:s19+s8], $0x1B00, $0x38;
	[tilespmem:$0x1E780] =	vst v63  }
0xc0: {  	_ =	swait.ge [sflag:s18], $0x1B00  }
0xc1: {  	[sflag:s18] =	ssyncset.done $0x0  }
0xc2: {  	[sflag:s18] =	ssyncadd.s32 $0xFFFFE500  }
0xc3: {  	[tilespmem:s22], [sflag:$0x1] =	stream.indirect.gather [hbm4b:s4+s24], $0x80, s8, s24, $0xb8;
	[tilespmem:$0x1E780] =	vst v63  }
0xc4: {  	_ = 	snop  }
0xc5: {  	[tilespmem:s25], [sflag:$0x2] =	stream.indirect.gather [hbm4b:s4+s24], $0x80, s24, s24, $0xb8;
	[tilespmem:$0x1E780] =	vst v63  }
0xc6: {  	_ = 	snop  }
0xc7: {  	[tilespmem:s26], [sflag:$0x3] =	stream.indirect.gather [hbm4b:s4+s24], $0x80, s21, s24, $0xb8;
	[tilespmem:$0x1E780] =	vst v63  }
0xc8: {  	_ =	swait.ge [sflag:s28], $0x2000  }
0xc9: {  	[sflag:s28] =	ssyncset.done $0x0  }
0xca: {  	s20 =	simm.s32 $0x1B00;
	[sflag:s28] =	ssyncadd.s32 $0xFFFFE000  }
0xcb: {  	[spmem:s2] =	stream.indirect.scatter.add.f32 [tilespmem:s22], [sflag:$0x4], $0x80, s20, s24, $0xb8;
	[tilespmem:$0x1E780] =	vst v63  }
0xcc: {  	_ =	swait.ge [sflag:s18], $0x2000  }
0xcd: {  	[sflag:s18] =	ssyncset.done $0x0  }
0xce: {  	s9 =	simm.s32 $0xC0;
	[sflag:s18] =	ssyncadd.s32 $0xFFFFE000  }
0xcf: {  	[tilespmem:s22], [sflag:$0x1] =	stream.indirect.gather [hbm4b:s4+s24], $0x80, s9, s24, $0xb8;
	[tilespmem:$0x1E780] =	vst v63  }
0xd0: {  	_ =	swait.ge [sflag:s29], $0x2000  }
0xd1: {  	[sflag:s29] =	ssyncset.done $0x0  }
0xd2: {  	s10 =	simm.s32 $0x1B40;
	[sflag:s29] =	ssyncadd.s32 $0xFFFFE000  }
0xd3: {  	[spmem:s2] =	stream.indirect.scatter.add.f32 [tilespmem:s25], [sflag:$0x4], $0x80, s10, s24, $0xb8;
	[tilespmem:$0x1E780] =	vst v63  }
0xd4: {  	_ =	swait.ge [sflag:s18], $0x2000  }
0xd5: {  	[sflag:s18] =	ssyncset.done $0x0  }
0xd6: {  	s19 =	simm.s32 $0x100;
	[sflag:s18] =	ssyncadd.s32 $0xFFFFE000  }
0xd7: {  	[tilespmem:s25], [sflag:$0x2] =	stream.indirect.gather [hbm4b:s4+s24], $0x80, s19, s24, $0xb8;
	[tilespmem:$0x1E780] =	vst v63  }
0xd8: {  	_ =	swait.ge [sflag:s30], $0x2000  }
0xd9: {  	[sflag:s30] =	ssyncset.done $0x0  }
0xda: {  	s20 =	simm.s32 $0x1B80;
	[sflag:s30] =	ssyncadd.s32 $0xFFFFE000  }
0xdb: {  	[spmem:s2] =	stream.indirect.scatter.add.f32 [tilespmem:s26], [sflag:$0x4], $0x80, s20, s24, $0xb8;
	[tilespmem:$0x1E780] =	vst v63  }
0xdc: {  	_ =	swait.ge [sflag:s18], $0x2000  }
0xdd: {  	[sflag:s18] =	ssyncset.done $0x0  }
0xde: {  	s19 =	simm.s32 $0x300;
	s20 =	simm.s32 $0x140;
	[sflag:s18] =	ssyncadd.s32 $0xFFFFE000  }
.LBB2_5:
0xdf: {  	[tilespmem:s26], [sflag:$0x3] =	stream.indirect.gather [hbm4b:s4+s24], $0x80, s20, s24, $0xb8;
	[tilespmem:$0x1E780] =	vst v63  }
0xe0: {  	s8 =	smov.u32 s19  }
0xe1: {  	p1 =	sne.s32 s19, $0x6600;
	s19 =	sadd.s32 $0x300, s19;
	_ =	swait.ge [sflag:s28], $0x2000  }
0xe2: {  	s8 =	sshra.s32 s8, $0x2;
	[sflag:s28] =	ssyncset.done $0x0  }
0xe3: {  	s20 =	sadd.s32 $0x1B00, s8;
	[sflag:s28] =	ssyncadd.s32 $0xFFFFE000  }
0xe4: {  	[spmem:s2] =	stream.indirect.scatter.add.f32 [tilespmem:s22], [sflag:$0x4], $0x80, s20, s24, $0xb8;
	[tilespmem:$0x1E780] =	vst v63  }
0xe5: {  	_ =	swait.ge [sflag:s18], $0x2000  }
0xe6: {  	[sflag:s18] =	ssyncset.done $0x0  }
0xe7: {  	s20 =	sadd.s32 $0xC0, s8;
	[sflag:s18] =	ssyncadd.s32 $0xFFFFE000  }
0xe8: {  	[tilespmem:s22], [sflag:$0x1] =	stream.indirect.gather [hbm4b:s4+s24], $0x80, s20, s24, $0xb8;
	[tilespmem:$0x1E780] =	vst v63  }
0xe9: {  	_ =	swait.ge [sflag:s29], $0x2000  }
0xea: {  	[sflag:s29] =	ssyncset.done $0x0  }
0xeb: {  	s20 =	sadd.s32 $0x1B40, s8;
	[sflag:s29] =	ssyncadd.s32 $0xFFFFE000  }
0xec: {  	[spmem:s2] =	stream.indirect.scatter.add.f32 [tilespmem:s25], [sflag:$0x4], $0x80, s20, s24, $0xb8;
	[tilespmem:$0x1E780] =	vst v63  }
0xed: {  	_ =	swait.ge [sflag:s18], $0x2000  }
0xee: {  	[sflag:s18] =	ssyncset.done $0x0  }
0xef: {  	s20 =	sadd.s32 $0x100, s8;
	[sflag:s18] =	ssyncadd.s32 $0xFFFFE000  }
0xf0: {  	[tilespmem:s25], [sflag:$0x2] =	stream.indirect.gather [hbm4b:s4+s24], $0x80, s20, s24, $0xb8;
	[tilespmem:$0x1E780] =	vst v63  }
0xf1: {  	_ =	swait.ge [sflag:s30], $0x2000  }
0xf2: {  	[sflag:s30] =	ssyncset.done $0x0  }
.Ltmp7:
0xf3: {  	s20 =	sadd.s32 $0x1B80, s8;
	[sflag:s30] =	ssyncadd.s32 $0xFFFFE000;
	(pc) =	sbr.rel @p1 .LBB2_5-.Ltmp7, $4  }
0xf4: {  	[spmem:s2] =	stream.indirect.scatter.add.f32 [tilespmem:s26], [sflag:$0x4], $0x80, s20, s24, $0xb8;
	[tilespmem:$0x1E780] =	vst v63  }
0xf5: {  	_ =	swait.ge [sflag:s18], $0x2000  }
0xf6: {  	[sflag:s18] =	ssyncset.done $0x0  }
0xf7: {  	s20 =	sadd.s32 $0x140, s8;
	[sflag:s18] =	ssyncadd.s32 $0xFFFFE000  }
0xf8: {  	[tilespmem:s26], [sflag:$0x3] =	stream.indirect.gather [hbm4b:s4+s24], $0x80, s20, s24, $0xb8;
	[tilespmem:$0x1E780] =	vst v63  }
0xf9: {  	_ =	swait.ge [sflag:s28], $0x2000  }
0xfa: {  	[sflag:s28] =	ssyncset.done $0x0  }
0xfb: {  	[sflag:s28] =	ssyncadd.s32 $0xFFFFE000  }
0xfc: {  	[spmem:s2] =	stream.indirect.scatter.add.f32 [tilespmem:s22], [sflag:$0x4], $0x80, s31, s24, $0xb8;
	[tilespmem:$0x1E780] =	vst v63  }
0xfd: {  	_ =	swait.ge [sflag:s18], $0x2000  }
0xfe: {  	[sflag:s18] =	ssyncset.done $0x0  }
0xff: {  	[sflag:s18] =	ssyncadd.s32 $0xFFFFE000  }
0x100: {  	_ =	swait.ge [sflag:s29], $0x2000  }
0x101: {  	[sflag:s29] =	ssyncset.done $0x0  }
0x102: {  	[sflag:s29] =	ssyncadd.s32 $0xFFFFE000  }
0x103: {  	[spmem:s2] =	stream.indirect.scatter.add.f32 [tilespmem:s25], [sflag:$0x4], $0x80, s0, s24, $0xb8;
	[tilespmem:$0x1E780] =	vst v63  }
0x104: {  	_ =	swait.ge [sflag:s18], $0x2000  }
0x105: {  	[sflag:s18] =	ssyncset.done $0x0  }
0x106: {  	[sflag:s18] =	ssyncadd.s32 $0xFFFFE000  }
0x107: {  	_ =	swait.ge [sflag:s30], $0x2000  }
0x108: {  	[sflag:s30] =	ssyncset.done $0x0  }
.Ltmp8:
0x109: {  	[sflag:s30] =	ssyncadd.s32 $0xFFFFE000;
	(pc) =	sbr.rel .LBB2_12-.Ltmp8, $4  }
0x10a: {  	[spmem:s2] =	stream.indirect.scatter.add.f32 [tilespmem:s26], [sflag:$0x4], $0x80, s1, s24, $0xb8;
	[tilespmem:$0x1E780] =	vst v63  }
0x10b: {  	_ =	swait.ge [sflag:s18], $0x2000  }
0x10c: {  	[sflag:s18] =	ssyncset.done $0x0  }
0x10d: {  	[sflag:s18] =	ssyncadd.s32 $0xFFFFE000  }
.LBB2_13:
0x10e: {  	_ =	sfence.sel $0x180000  }
0x10f: {  	[bflag:$0x0] =	sbarrier.arrive $0xFFFF  }
0x110: {  	_ =	strace $0x9000004A  }
0x111: {  	s0 =	stileid.u32;
	[bflag:$0x2] =	sbarrier.arrive $0xFFFF  }
0x112: {  	p0 =	sne.s32 s0, $0x0;
	s0 =	rddreg [dreg:$0x3]  }
0x113: {  	s0 =	sadd.s32 @!p0 $0x100000, s0  }
0x114: {  	[sflag:s0] =	ssyncadd.tile.s32 @!p0 $0x1;
	_ =	shalt  }
.Lfunc_end2:
_tile_overlayer_lowered:
.L_overlay_start_2:
0x115: {  	(tag) =	ssettag $0x2  }
0x116: {  	s0 =	rddreg [dreg:$0x0];
	s2 =	stileid.u32  }
0x117: {  	s1 =	rddreg [dreg:$0x1];
	p0 =	sne.s32 s2, $0x0  }
0x118: {  	s3 =	rddreg [dreg:$0x2];
	[bflag:$0x3] =	sbarrier.arrive $0xFFFF;
	s2 =	simm.s32 @!p0 $0x1C04  }
0x119: {  	[timem:s3], [sflag:s2] =	dma.local @!p0 [hbm:s0], s1  }
0x11a: {  	s0 =	simm.s32 @!p0 $0x4  }
0x11b: {  	_ =	swait.ge @!p0 [sflag:s0], s1  }
0x11c: {  	s1 =	ssub.s32 @!p0 $0x0, s1;
	[sflag:s0] =	ssyncset.done @!p0 $0x0  }
0x11d: {  	[sflag:s0] =	ssyncadd.s32 @!p0 s1  }
0x11e: {  	[bflag:$0x3] =	sbarrier.arrive $0xFFFF  }
0x11f: {  	_ =	shalt  }

</sc_bundles>
